<compile_context>
chip_gen: v7x
topology: tpu7x:2x2x1
jax: 0.10.2.dev20260603
libtpu: 0.0.44.dev20260713+nightly
codegen_flags: <defaults>
</compile_context>

<pallas_src>
import functools

import jax
import jax.numpy as jnp
from jax import lax
from jax.experimental import pallas as pl
from jax.experimental.pallas import tpu as pltpu
from jax.experimental.pallas import tpu_sc as plsc

B, S, D = 16, 4096, 64
NH = 8
BS = 64
NB = S // BS
TOT = NH * S
NCHUNK = TOT // BS
CW = 128
OW = 128

NC, NS = 2, 16
NW = NC * NS
NTASK = B * NH
TPW = NTASK // NW
NJ = S // 128


def _hashpos_body(qk_ref, rot_ref, pos_ref):
    qk = qk_ref[0]
    rot = rot_ref[...]
    rote = jax.lax.dot_general(
        qk, rot, (((1,), (0,)), ((), ())),
        preferred_element_type=jnp.float32)

    U = 128
    NCH = S // U
    io_r = jax.lax.broadcasted_iota(jnp.int32, (U, U), 0)
    io_c = jax.lax.broadcasted_iota(jnp.int32, (U, U), 1)
    trilB = jnp.broadcast_to(
        (io_r > io_c).astype(jnp.bfloat16)[None], (NCH, U, U))
    ioc_r = jax.lax.broadcasted_iota(jnp.int32, (NCH, NCH), 0)
    ioc_c = jax.lax.broadcasted_iota(jnp.int32, (NCH, NCH), 1)
    tril_c = (ioc_r > ioc_c).astype(jnp.float32)
    upper2 = ((io_r < io_c) & (io_r // NB == io_c // NB)
              ).astype(jnp.float32)

    rows = []
    for hp in range(NH // 2):
        ohs = []
        for hh in range(2):
            h = 2 * hp + hh
            c = rote[:, NB * h: NB * (h + 1)]
            m = jnp.max(c, axis=-1, keepdims=True)
            i64 = jax.lax.broadcasted_iota(jnp.int32, (S, NB), 1)
            amax = jnp.min(jnp.where(c >= m, i64, NB), axis=-1,
                           keepdims=True)
            ohs.append((i64 == amax).astype(jnp.float32))
        ohp = jnp.concatenate(ohs, axis=-1)
        ohcp = ohp.reshape(NCH, U, 2 * NB)
        scp = jnp.sum(ohcp, axis=1)
        pfxp = jax.lax.dot_general(
            tril_c, scp, (((1,), (0,)), ((), ())),
            preferred_element_type=jnp.float32)
        cntp = jnp.sum(scp, axis=0, keepdims=True)
        exclp = jax.lax.dot_general(
            cntp, upper2, (((1,), (0,)), ((), ())),
            preferred_element_type=jnp.float32)
        mip = jax.lax.dot_general(
            trilB, ohcp.astype(jnp.bfloat16),
            (((2,), (1,)), ((0,), (0,))),
            preferred_element_type=jnp.float32)
        fp = mip + pfxp[:, None, :] + exclp.reshape(1, 1, 2 * NB)
        g = fp * ohcp
        pa = jnp.sum(g[:, :, :NB], axis=-1).reshape(S)
        pb = jnp.sum(g[:, :, NB:], axis=-1).reshape(S)
        rows.append(pa + (2 * hp) * S)
        rows.append(pb + (2 * hp + 1) * S)
    pos_all = jnp.stack(rows, axis=0)
    pos_ref[0] = pos_all.astype(jnp.int32)


def _hashpos(qk, rot2):
    return pl.pallas_call(
        _hashpos_body,
        grid=(B,),
        in_specs=[
            pl.BlockSpec((1, S, D), lambda b: (b, 0, 0)),
            pl.BlockSpec((D, NH * 64), lambda b: (0, 0)),
        ],
        out_specs=pl.BlockSpec((1, NH, S), lambda b: (b, 0, 0)),
        out_shape=jax.ShapeDtypeStruct((B, NH, S), jnp.int32),
    )(qk, rot2)


@functools.lru_cache(maxsize=None)
def _make_sc_scatter():
    mesh = plsc.VectorSubcoreMesh(core_axis_name="c", subcore_axis_name="s")

    @functools.partial(
        pl.kernel,
        out_type=(
            jax.ShapeDtypeStruct((B * TOT, CW), jnp.float32),
            jax.ShapeDtypeStruct((NTASK, S), jnp.int32),
        ),
        mesh=mesh,
        compiler_params=pltpu.CompilerParams(needs_layout_passes=False),
        scratch_types=[
            pltpu.VMEM((NJ, 128), jnp.int32),
            pltpu.VMEM((S,), jnp.int32),
            pltpu.VMEM((S,), jnp.int32),
            pltpu.VMEM((512, CW), jnp.float32),
            pltpu.SemaphoreType.DMA,
        ],
    )
    def _sc_scatter(comb_hbm, posg_hbm, posl_hbm, out_hbm, st_hbm,
                    idx_v, idxl_v, st_seg, row_v, sem):
        wid = lax.axis_index("s") * NC + lax.axis_index("c")
        for k in range(TPW):
            tid = wid * TPW + k
            b = tid // NH
            pltpu.sync_copy(posg_hbm.at[tid], idx_v)
            pltpu.sync_copy(posl_hbm.at[tid], idxl_v)

            def st_body(i, carry):
                idx16 = idxl_v[pl.ds(i * 16, 16)]
                tv = lax.iota(jnp.int32, 16) + i * 16
                plsc.store_scatter(st_seg, [idx16], tv)
                return carry

            lax.fori_loop(0, S // 16, st_body, 0)
            pltpu.sync_copy(st_seg, st_hbm.at[tid])

            def row_body(g, carry):
                pltpu.sync_copy(comb_hbm.at[b, pl.ds(g * 512, 512)], row_v)
                hs = [
                    pltpu.async_copy(
                        row_v.at[pl.ds(u * 128, 128)],
                        out_hbm.at[idx_v.at[g * 4 + u]], sem)
                    for u in range(4)
                ]
                for h in hs:
                    h.wait()
                return carry

            lax.fori_loop(0, NJ // 4, row_body, 0)

    return _sc_scatter


@functools.lru_cache(maxsize=None)
def _make_sc_gather():
    mesh = plsc.VectorSubcoreMesh(core_axis_name="c", subcore_axis_name="s")

    @functools.partial(
        pl.kernel,
        out_type=jax.ShapeDtypeStruct((NTASK, S, OW), jnp.float32),
        mesh=mesh,
        compiler_params=pltpu.CompilerParams(needs_layout_passes=False),
        scratch_types=[
            pltpu.VMEM((NJ, 128), jnp.int32),
            pltpu.VMEM((512, OW), jnp.float32),
            pltpu.SemaphoreType.DMA,
        ],
    )
    def _sc_gather(so_hbm, posg_hbm, out_hbm, idx_v, row_v, sem):
        wid = lax.axis_index("s") * NC + lax.axis_index("c")
        for k in range(TPW):
            tid = wid * TPW + k
            pltpu.sync_copy(posg_hbm.at[tid], idx_v)

            def body(g, carry):
                hs = [
                    pltpu.async_copy(
                        so_hbm.at[idx_v.at[g * 4 + u]],
                        row_v.at[pl.ds(u * 128, 128)], sem)
                    for u in range(4)
                ]
                for h in hs:
                    h.wait()
                pltpu.sync_copy(row_v, out_hbm.at[tid, pl.ds(g * 512, 512)])
                return carry

            lax.fori_loop(0, NJ // 4, body, 0)

    return _sc_gather


QBLK = 1024
NPROG = TOT // QBLK
QBC = QBLK // BS


def _attn_body(cm_ref, ch_ref, stm_ref, sth_ref, so_ref):
    cm = cm_ref[0]
    ch = ch_ref[0]
    stm4 = stm_ref[0, 0].astype(jnp.float32)
    sth_row = sth_ref[0, 0].astype(jnp.float32)[QBC - 1:QBC]
    ext = jnp.concatenate([ch, cm], axis=0)
    ext_qk = ext[:, :D]
    ext_v = ext[:, D:2 * D]
    nrm = jnp.sqrt(jnp.sum(ext_qk * ext_qk, axis=-1, keepdims=True))
    ext_k = (ext_qk / jnp.maximum(nrm, 1e-12)).astype(jnp.bfloat16)
    ext_vb = ext_v.astype(jnp.bfloat16)

    q3 = cm[:, :D].astype(jnp.bfloat16).reshape(QBC, BS, D)
    k3 = jnp.concatenate(
        [ext_k[:QBLK].reshape(QBC, BS, D),
         ext_k[BS:].reshape(QBC, BS, D)], axis=1)
    v3 = jnp.concatenate(
        [ext_vb[:QBLK].reshape(QBC, BS, D),
         ext_vb[BS:].reshape(QBC, BS, D)], axis=1)
    dots = jax.lax.dot_general(
        q3, k3, (((2,), (2,)), ((0,), (0,))),
        preferred_element_type=jnp.float32) * (D ** -0.5)

    sel = (jax.lax.broadcasted_iota(jnp.int32, (BS, BS), 0)
           == jax.lax.broadcasted_iota(jnp.int32, (BS, BS), 1))
    rep = jnp.broadcast_to(stm4[:, None, :], (QBC, BS, BS))
    qt3 = jnp.sum(jnp.where(sel[None], rep, 0.0), axis=2,
                  keepdims=True)
    ta = jnp.concatenate([sth_row, stm4[:QBC - 1]], axis=0)
    kt3 = jnp.concatenate([ta, stm4], axis=1)[:, None, :]

    dots = jnp.where(qt3 < kt3, -1e9,
                     jnp.where(qt3 == kt3, -1e5, dots))
    m = jnp.max(dots, axis=-1, keepdims=True)
    p = jnp.exp(dots - m)
    s = jnp.sum(p, axis=-1, keepdims=True)
    o3 = jax.lax.dot_general(
        p.astype(jnp.bfloat16), v3, (((2,), (1,)), ((0,), (0,))),
        preferred_element_type=jnp.float32) / s
    lse = (m + jnp.log(s)).reshape(QBLK, 1)
    o = o3.reshape(QBLK, D)
    so_ref[0] = jnp.concatenate(
        [o, lse, jnp.zeros((QBLK, OW - D - 1), jnp.float32)], axis=-1)


def _attn(scmb, st4):
    return pl.pallas_call(
        _attn_body,
        grid=(B, NPROG),
        in_specs=[
            pl.BlockSpec((1, QBLK, CW), lambda b, i: (b, i, 0)),
            pl.BlockSpec((1, BS, CW),
                         lambda b, i: (b, (i * QBC - 1) % NCHUNK, 0)),
            pl.BlockSpec((1, 1, QBC, BS), lambda b, i: (b, i, 0, 0)),
            pl.BlockSpec((1, 1, QBC, BS),
                         lambda b, i: (b, (i - 1) % NPROG, 0, 0)),
        ],
        out_specs=pl.BlockSpec((1, QBLK, OW), lambda b, i: (b, i, 0)),
        out_shape=jax.ShapeDtypeStruct((B, TOT, OW), jnp.float32),
    )(scmb, scmb, st4, st4)


EBLK = 1024


def _combine_body(og_ref, out_ref):
    og = og_ref[0]
    o = og[..., :D]
    lg = og[..., D]
    m = jnp.max(lg, axis=0, keepdims=True)
    e = jnp.exp(lg - m)
    s = jnp.sum(e, axis=0, keepdims=True)
    w = e / s
    out_ref[0] = jnp.sum(o * w[:, :, None], axis=0)


def _combine(og):
    return pl.pallas_call(
        _combine_body,
        grid=(B, S // EBLK),
        in_specs=[
            pl.BlockSpec((1, NH, EBLK, OW), lambda b, i: (b, 0, i, 0)),
        ],
        out_specs=pl.BlockSpec((1, EBLK, D), lambda b, i: (b, i, 0)),
        out_shape=jax.ShapeDtypeStruct((B, S, D), jnp.float32),
    )(og)


def kernel(qk, v, rotations):
    rot3 = rotations[0].reshape(D, NH, 32)
    rot2 = jnp.concatenate([rot3, -rot3], axis=-1).reshape(D, NH * 64)
    pos = _hashpos(qk, rot2)

    pos_g = (pos + (jnp.arange(B, dtype=jnp.int32) * TOT)[:, None, None])
    pos_g = pos_g.reshape(NTASK, NJ, 128)
    pos_l = (pos % S).reshape(NTASK, S)

    comb = jnp.concatenate([qk, v], axis=-1)

    scmb, st = _make_sc_scatter()(comb, pos_g, pos_l)
    scmb = scmb.reshape(B, TOT, CW)
    st4 = st.reshape(B, NPROG, QBC, BS)

    so = _attn(scmb, st4)
    og = _make_sc_gather()(so.reshape(B * TOT, OW), pos_g)
    og = og.reshape(B, NH, S, OW)
    return _combine(og)

# --- scband reference (transcript-rebuilt; emitter-appended) ---
"""Pipeline reference for scband-lshattention-60644938219942 (READ-ONLY COPY).

The authoritative reference and input builder live on the scoring server;
editing this copy changes nothing except your own understanding.
"""

import jax, jax.numpy as jnp
import numpy as np

B, S, D = 16, 4096, 64
N_HASHES = 8
BUCKET_SIZE = 64
CAUSAL = True


def setup_inputs(seed: int = 0):
    key = jax.random.key(seed)
    k1, k2, k3 = jax.random.split(key, 3)
    qk = jax.random.normal(k1, (B, S, D), dtype=jnp.float32)
    v = jax.random.normal(k2, (B, S, D), dtype=jnp.float32)
    n_buckets = S // BUCKET_SIZE
    rotations = jax.random.normal(k3, (1, D, N_HASHES, n_buckets // 2), dtype=jnp.float32)
    return {"qk": qk, "v": v, "rotations": rotations}


def _hash_vectors(vecs, rotations, n_buckets):
    b = vecs.shape[0]
    rot = jnp.broadcast_to(rotations, (b,) + rotations.shape[1:])
    rotated = jnp.einsum('btf,bfhi->bhti', vecs, rot)
    rotated = jnp.concatenate([rotated, -rotated], axis=-1)
    buckets = jnp.argmax(rotated, axis=-1)
    offsets = (jnp.arange(N_HASHES) * n_buckets).reshape(1, -1, 1)
    buckets = (buckets + offsets).reshape(b, -1)
    return buckets


def _look_one_back(x):
    x_extra = jnp.concatenate([x[:, -1:], x[:, :-1]], axis=1)
    return jnp.concatenate([x, x_extra], axis=2)


def _forward(qk, v, rotations):
    batch_size, seqlen, dim = qk.shape
    n_buckets = seqlen // BUCKET_SIZE
    buckets = _hash_vectors(qk, rotations, n_buckets)
    total = N_HASHES * seqlen
    ticker = jnp.broadcast_to(jnp.arange(total)[None, :], (batch_size, total))
    buckets_and_t = seqlen * buckets + (ticker % seqlen)
    sticker = jnp.argsort(buckets_and_t, axis=-1)
    undo_sort = jnp.argsort(sticker, axis=-1)
    st = sticker % seqlen
    idx = jnp.broadcast_to(st[:, :, None], (batch_size, total, dim))
    sqk = jnp.take_along_axis(qk, idx, axis=1)
    sv = jnp.take_along_axis(v, idx, axis=1)
    chunk_size = N_HASHES * n_buckets
    bq_t = st.reshape(batch_size, chunk_size, -1)
    bqk = sqk.reshape(batch_size, chunk_size, -1, dim)
    bv = sv.reshape(batch_size, chunk_size, -1, dim)
    bq = bqk
    bk = bqk / jnp.maximum(jnp.linalg.norm(bqk, axis=-1, keepdims=True), 1e-12)
    bk = _look_one_back(bk)
    bv = _look_one_back(bv)
    bkv_t2 = _look_one_back(bq_t)
    dots = jnp.einsum('bhie,bhje->bhij', bq, bk) * (dim ** -0.5)
    if CAUSAL:
        mask = bq_t[:, :, :, None] < jnp.minimum(bkv_t2[:, :, None, :], seqlen - 1)
        dots = jnp.where(mask, -1e9, dots)
    self_mask = bq_t[:, :, :, None] == bkv_t2[:, :, None, :]
    dots = jnp.where(self_mask, -1e5, dots)
    dots_lse = jax.nn.logsumexp(dots, axis=-1, keepdims=True)
    probs = jnp.exp(dots - dots_lse)
    bo = jnp.einsum('buij,buje->buie', probs, bv)
    so = bo.reshape(batch_size, -1, dim)
    slogits = dots_lse.reshape(batch_size, -1)
    o = jnp.take_along_axis(so, jnp.broadcast_to(undo_sort[:, :, None], so.shape), axis=1)
    logits = jnp.take_along_axis(slogits, undo_sort, axis=1)
    o = o.reshape(batch_size, N_HASHES, seqlen, dim)
    logits = logits.reshape(batch_size, N_HASHES, seqlen, 1)
    probs2 = jnp.exp(logits - jax.nn.logsumexp(logits, axis=1, keepdims=True))
    out = jnp.sum(o * probs2, axis=1)
    return out


def reference(qk, v, rotations):
    return _forward(qk, v, rotations)

if __name__ == "__main__":
    import jax
    _d = setup_inputs()
    print(jax.jit(kernel)(*tuple(_d.values())))

</pallas_src>

<mosaic_0001>
#map = affine_map<(d0, d1) -> (0, 0)>
#map1 = affine_map<(d0, d1) -> (0, 0, 0)>
module attributes {stable_mosaic.version = 14 : i64} {
  func.func @_sc_gather(%arg0: i32, %arg1: i32, %arg2: memref<524288x128xf32, #tpu.memory_space<hbm>>, %arg3: memref<128x32x128xi32, #tpu.memory_space<hbm>>, %arg4: memref<128x4096x128xf32, #tpu.memory_space<hbm>>, %arg5: memref<32x128xi32, #tpu.memory_space<vmem>>, %arg6: memref<512x128xf32, #tpu.memory_space<vmem>>, %arg7: memref<!tpu.dma_semaphore, #tpu.memory_space<semaphore_mem>>) attributes {dimension_semantics = [#tpu.dimension_semantics<core_parallel>, #tpu.dimension_semantics<subcore_parallel>], iteration_bounds = array<i64: 2, 16>, scalar_prefetch = 0 : i64, scratch_operands = 3 : i64, tpu.core_type = #tpu.core_type<sc_vector_subcore>, window_params = [{transform_indices = #map}, {transform_indices = #map1}, {transform_indices = #map1}]} {
    %mul3A = arith.constant 2 : i32
    %mul3A_0 = arith.muli %arg1, %mul3A : i32
    %add3A = arith.addi %mul3A_0, %arg0 : i32
    %mul3A_1 = arith.constant 4 : i32
    %mul3A_2 = arith.muli %add3A, %mul3A_1 : i32
    %add3A_3 = arith.constant 0 : i32
    %add3A_4 = arith.addi %mul3A_2, %add3A_3 : i32
    "tpu.region"() ({
      %run_scoped3A = tpu.sem_alloc : memref<!tpu.dma_semaphore, #tpu.memory_space<semaphore_mem>>
      %dma_start3A = arith.constant 0 : i32
      %dma_start3A_40 = arith.constant 0 : i32
      %dma_start3A_41 = tpu.memref_slice %arg3[%add3A_4, %dma_start3A, %dma_start3A_40] : memref<128x32x128xi32, #tpu.memory_space<hbm>> -> memref<1x32x128xi32, #tpu.memory_space<hbm>>
      %dma_start3A_42 = tpu.memref_squeeze %dma_start3A_41 : memref<1x32x128xi32, #tpu.memory_space<hbm>> -> memref<32x128xi32, #tpu.memory_space<hbm>>
      %dma_start3A_43 = arith.constant 0 : i32
      %dma_start3A_44 = arith.constant 0 : i32
      %dma_start3A_45 = tpu.memref_slice %arg3[%add3A_4, %dma_start3A_43, %dma_start3A_44] : memref<128x32x128xi32, #tpu.memory_space<hbm>> -> memref<1x32x128xi32, #tpu.memory_space<hbm>>
      %dma_start3A_46 = tpu.memref_squeeze %dma_start3A_45 : memref<1x32x128xi32, #tpu.memory_space<hbm>> -> memref<32x128xi32, #tpu.memory_space<hbm>>
      tpu.enqueue_dma source(%dma_start3A_46 : memref<32x128xi32, #tpu.memory_space<hbm>>) target(%arg5 : memref<32x128xi32, #tpu.memory_space<vmem>>) target_semaphore(%run_scoped3A : memref<!tpu.dma_semaphore, #tpu.memory_space<semaphore_mem>>)
      %dma_wait3A = arith.constant 0 : i32
      %dma_wait3A_47 = arith.constant 0 : i32
      %dma_wait3A_48 = tpu.memref_slice %arg3[%add3A_4, %dma_wait3A, %dma_wait3A_47] : memref<128x32x128xi32, #tpu.memory_space<hbm>> -> memref<1x32x128xi32, #tpu.memory_space<hbm>>
      %dma_wait3A_49 = tpu.memref_squeeze %dma_wait3A_48 : memref<1x32x128xi32, #tpu.memory_space<hbm>> -> memref<32x128xi32, #tpu.memory_space<hbm>>
      %dma_wait3A_50 = arith.constant 0 : i32
      %dma_wait3A_51 = arith.constant 0 : i32
      %dma_wait3A_52 = tpu.memref_slice %arg3[%add3A_4, %dma_wait3A_50, %dma_wait3A_51] : memref<128x32x128xi32, #tpu.memory_space<hbm>> -> memref<1x32x128xi32, #tpu.memory_space<hbm>>
      %dma_wait3A_53 = tpu.memref_squeeze %dma_wait3A_52 : memref<1x32x128xi32, #tpu.memory_space<hbm>> -> memref<32x128xi32, #tpu.memory_space<hbm>>
      tpu.wait_dma2 semaphore(%run_scoped3A : memref<!tpu.dma_semaphore, #tpu.memory_space<semaphore_mem>>) src(%dma_wait3A_53 : memref<32x128xi32, #tpu.memory_space<hbm>>) dst(%arg5 : memref<32x128xi32, #tpu.memory_space<vmem>>)
      tpu.yield
    }) : () -> ()
    %scan3A = arith.constant 0 : i32
    %scan3A_5 = arith.constant 0 : i32
    %scan3A_6 = arith.constant 8 : i32
    %scan3A_7 = arith.addi %scan3A_5, %scan3A_6 : i32
    %scan3A_8 = arith.constant 1 : i32
    scf.for %scan3A_40 = %scan3A_5 to %scan3A_7 step %scan3A_8  : i32 {
      %mul3A_41 = arith.constant 4 : i32
      %mul3A_42 = arith.muli %scan3A_40, %mul3A_41 : i32
      %add3A_43 = arith.constant 0 : i32
      %add3A_44 = arith.addi %mul3A_42, %add3A_43 : i32
      %dma_start3A = arith.constant 0 : i32
      %dma_start3A_45 = arith.constant 0 : i32
      %dma_start3A_46 = tpu.memref_slice %arg6[%dma_start3A, %dma_start3A_45] : memref<512x128xf32, #tpu.memory_space<vmem>> -> memref<128x128xf32, #tpu.memory_space<vmem>>
      %dma_start3A_47 = arith.constant 0 : i32
      %dma_start3A_48 = tpu.memref_slice %arg5[%add3A_44, %dma_start3A_47] : memref<32x128xi32, #tpu.memory_space<vmem>> -> memref<1x128xi32, #tpu.memory_space<vmem>>
      %dma_start3A_49 = tpu.memref_squeeze %dma_start3A_48 : memref<1x128xi32, #tpu.memory_space<vmem>> -> memref<128xi32, #tpu.memory_space<vmem>>
      %dma_start3A_50 = arith.constant 0 : i32
      %dma_start3A_51 = arith.constant 0 : i32
      %dma_start3A_52 = tpu.memref_slice %arg2[%dma_start3A_50, %dma_start3A_51] : memref<524288x128xf32, #tpu.memory_space<hbm>> -> memref<524288x128xf32, #tpu.memory_space<hbm>>
      tpu.enqueue_indirect_dma source(%dma_start3A_52 : memref<524288x128xf32, #tpu.memory_space<hbm>>) target(%dma_start3A_46 : memref<128x128xf32, #tpu.memory_space<vmem>>) offsets(%dma_start3A_49 : memref<128xi32, #tpu.memory_space<vmem>>) semaphore(%arg7 : memref<!tpu.dma_semaphore, #tpu.memory_space<semaphore_mem>>)
      %mul3A_53 = arith.constant 4 : i32
      %mul3A_54 = arith.muli %scan3A_40, %mul3A_53 : i32
      %add3A_55 = arith.constant 1 : i32
      %add3A_56 = arith.addi %mul3A_54, %add3A_55 : i32
      %dma_start3A_57 = arith.constant 128 : i32
      %dma_start3A_58 = arith.constant 0 : i32
      %dma_start3A_59 = tpu.memref_slice %arg6[%dma_start3A_57, %dma_start3A_58] : memref<512x128xf32, #tpu.memory_space<vmem>> -> memref<128x128xf32, #tpu.memory_space<vmem>>
      %dma_start3A_60 = arith.constant 0 : i32
      %dma_start3A_61 = tpu.memref_slice %arg5[%add3A_56, %dma_start3A_60] : memref<32x128xi32, #tpu.memory_space<vmem>> -> memref<1x128xi32, #tpu.memory_space<vmem>>
      %dma_start3A_62 = tpu.memref_squeeze %dma_start3A_61 : memref<1x128xi32, #tpu.memory_space<vmem>> -> memref<128xi32, #tpu.memory_space<vmem>>
      %dma_start3A_63 = arith.constant 0 : i32
      %dma_start3A_64 = arith.constant 0 : i32
      %dma_start3A_65 = tpu.memref_slice %arg2[%dma_start3A_63, %dma_start3A_64] : memref<524288x128xf32, #tpu.memory_space<hbm>> -> memref<524288x128xf32, #tpu.memory_space<hbm>>
      tpu.enqueue_indirect_dma source(%dma_start3A_65 : memref<524288x128xf32, #tpu.memory_space<hbm>>) target(%dma_start3A_59 : memref<128x128xf32, #tpu.memory_space<vmem>>) offsets(%dma_start3A_62 : memref<128xi32, #tpu.memory_space<vmem>>) semaphore(%arg7 : memref<!tpu.dma_semaphore, #tpu.memory_space<semaphore_mem>>)
      %mul3A_66 = arith.constant 4 : i32
      %mul3A_67 = arith.muli %scan3A_40, %mul3A_66 : i32
      %add3A_68 = arith.constant 2 : i32
      %add3A_69 = arith.addi %mul3A_67, %add3A_68 : i32
      %dma_start3A_70 = arith.constant 256 : i32
      %dma_start3A_71 = arith.constant 0 : i32
      %dma_start3A_72 = tpu.memref_slice %arg6[%dma_start3A_70, %dma_start3A_71] : memref<512x128xf32, #tpu.memory_space<vmem>> -> memref<128x128xf32, #tpu.memory_space<vmem>>
      %dma_start3A_73 = arith.constant 0 : i32
      %dma_start3A_74 = tpu.memref_slice %arg5[%add3A_69, %dma_start3A_73] : memref<32x128xi32, #tpu.memory_space<vmem>> -> memref<1x128xi32, #tpu.memory_space<vmem>>
      %dma_start3A_75 = tpu.memref_squeeze %dma_start3A_74 : memref<1x128xi32, #tpu.memory_space<vmem>> -> memref<128xi32, #tpu.memory_space<vmem>>
      %dma_start3A_76 = arith.constant 0 : i32
      %dma_start3A_77 = arith.constant 0 : i32
      %dma_start3A_78 = tpu.memref_slice %arg2[%dma_start3A_76, %dma_start3A_77] : memref<524288x128xf32, #tpu.memory_space<hbm>> -> memref<524288x128xf32, #tpu.memory_space<hbm>>
      tpu.enqueue_indirect_dma source(%dma_start3A_78 : memref<524288x128xf32, #tpu.memory_space<hbm>>) target(%dma_start3A_72 : memref<128x128xf32, #tpu.memory_space<vmem>>) offsets(%dma_start3A_75 : memref<128xi32, #tpu.memory_space<vmem>>) semaphore(%arg7 : memref<!tpu.dma_semaphore, #tpu.memory_space<semaphore_mem>>)
      %mul3A_79 = arith.constant 4 : i32
      %mul3A_80 = arith.muli %scan3A_40, %mul3A_79 : i32
      %add3A_81 = arith.constant 3 : i32
      %add3A_82 = arith.addi %mul3A_80, %add3A_81 : i32
      %dma_start3A_83 = arith.constant 384 : i32
      %dma_start3A_84 = arith.constant 0 : i32
      %dma_start3A_85 = tpu.memref_slice %arg6[%dma_start3A_83, %dma_start3A_84] : memref<512x128xf32, #tpu.memory_space<vmem>> -> memref<128x128xf32, #tpu.memory_space<vmem>>
      %dma_start3A_86 = arith.constant 0 : i32
      %dma_start3A_87 = tpu.memref_slice %arg5[%add3A_82, %dma_start3A_86] : memref<32x128xi32, #tpu.memory_space<vmem>> -> memref<1x128xi32, #tpu.memory_space<vmem>>
      %dma_start3A_88 = tpu.memref_squeeze %dma_start3A_87 : memref<1x128xi32, #tpu.memory_space<vmem>> -> memref<128xi32, #tpu.memory_space<vmem>>
      %dma_start3A_89 = arith.constant 0 : i32
      %dma_start3A_90 = arith.constant 0 : i32
      %dma_start3A_91 = tpu.memref_slice %arg2[%dma_start3A_89, %dma_start3A_90] : memref<524288x128xf32, #tpu.memory_space<hbm>> -> memref<524288x128xf32, #tpu.memory_space<hbm>>
      tpu.enqueue_indirect_dma source(%dma_start3A_91 : memref<524288x128xf32, #tpu.memory_space<hbm>>) target(%dma_start3A_85 : memref<128x128xf32, #tpu.memory_space<vmem>>) offsets(%dma_start3A_88 : memref<128xi32, #tpu.memory_space<vmem>>) semaphore(%arg7 : memref<!tpu.dma_semaphore, #tpu.memory_space<semaphore_mem>>)
      %dma_wait3A = arith.constant 0 : i32
      %dma_wait3A_92 = arith.constant 0 : i32
      %dma_wait3A_93 = tpu.memref_slice %arg6[%dma_wait3A, %dma_wait3A_92] : memref<512x128xf32, #tpu.memory_space<vmem>> -> memref<128x128xf32, #tpu.memory_space<vmem>>
      %dma_wait3A_94 = arith.constant 0 : i32
      %dma_wait3A_95 = tpu.memref_slice %arg5[%add3A_44, %dma_wait3A_94] : memref<32x128xi32, #tpu.memory_space<vmem>> -> memref<1x128xi32, #tpu.memory_space<vmem>>
      %dma_wait3A_96 = tpu.memref_squeeze %dma_wait3A_95 : memref<1x128xi32, #tpu.memory_space<vmem>> -> memref<128xi32, #tpu.memory_space<vmem>>
      %dma_wait3A_97 = arith.constant 0 : i32
      %dma_wait3A_98 = arith.constant 0 : i32
      %dma_wait3A_99 = tpu.memref_slice %arg2[%dma_wait3A_97, %dma_wait3A_98] : memref<524288x128xf32, #tpu.memory_space<hbm>> -> memref<524288x128xf32, #tpu.memory_space<hbm>>
      tpu.wait_indirect_dma semaphore(%arg7 : memref<!tpu.dma_semaphore, #tpu.memory_space<semaphore_mem>>) src(%dma_wait3A_99 : memref<524288x128xf32, #tpu.memory_space<hbm>>) dst(%dma_wait3A_93 : memref<128x128xf32, #tpu.memory_space<vmem>>)
      %dma_wait3A_100 = arith.constant 128 : i32
      %dma_wait3A_101 = arith.constant 0 : i32
      %dma_wait3A_102 = tpu.memref_slice %arg6[%dma_wait3A_100, %dma_wait3A_101] : memref<512x128xf32, #tpu.memory_space<vmem>> -> memref<128x128xf32, #tpu.memory_space<vmem>>
      %dma_wait3A_103 = arith.constant 0 : i32
      %dma_wait3A_104 = tpu.memref_slice %arg5[%add3A_56, %dma_wait3A_103] : memref<32x128xi32, #tpu.memory_space<vmem>> -> memref<1x128xi32, #tpu.memory_space<vmem>>
      %dma_wait3A_105 = tpu.memref_squeeze %dma_wait3A_104 : memref<1x128xi32, #tpu.memory_space<vmem>> -> memref<128xi32, #tpu.memory_space<vmem>>
      %dma_wait3A_106 = arith.constant 0 : i32
      %dma_wait3A_107 = arith.constant 0 : i32
      %dma_wait3A_108 = tpu.memref_slice %arg2[%dma_wait3A_106, %dma_wait3A_107] : memref<524288x128xf32, #tpu.memory_space<hbm>> -> memref<524288x128xf32, #tpu.memory_space<hbm>>
      tpu.wait_indirect_dma semaphore(%arg7 : memref<!tpu.dma_semaphore, #tpu.memory_space<semaphore_mem>>) src(%dma_wait3A_108 : memref<524288x128xf32, #tpu.memory_space<hbm>>) dst(%dma_wait3A_102 : memref<128x128xf32, #tpu.memory_space<vmem>>)
      %dma_wait3A_109 = arith.constant 256 : i32
      %dma_wait3A_110 = arith.constant 0 : i32
      %dma_wait3A_111 = tpu.memref_slice %arg6[%dma_wait3A_109, %dma_wait3A_110] : memref<512x128xf32, #tpu.memory_space<vmem>> -> memref<128x128xf32, #tpu.memory_space<vmem>>
      %dma_wait3A_112 = arith.constant 0 : i32
      %dma_wait3A_113 = tpu.memref_slice %arg5[%add3A_69, %dma_wait3A_112] : memref<32x128xi32, #tpu.memory_space<vmem>> -> memref<1x128xi32, #tpu.memory_space<vmem>>
      %dma_wait3A_114 = tpu.memref_squeeze %dma_wait3A_113 : memref<1x128xi32, #tpu.memory_space<vmem>> -> memref<128xi32, #tpu.memory_space<vmem>>
      %dma_wait3A_115 = arith.constant 0 : i32
      %dma_wait3A_116 = arith.constant 0 : i32
      %dma_wait3A_117 = tpu.memref_slice %arg2[%dma_wait3A_115, %dma_wait3A_116] : memref<524288x128xf32, #tpu.memory_space<hbm>> -> memref<524288x128xf32, #tpu.memory_space<hbm>>
      tpu.wait_indirect_dma semaphore(%arg7 : memref<!tpu.dma_semaphore, #tpu.memory_space<semaphore_mem>>) src(%dma_wait3A_117 : memref<524288x128xf32, #tpu.memory_space<hbm>>) dst(%dma_wait3A_111 : memref<128x128xf32, #tpu.memory_space<vmem>>)
      %dma_wait3A_118 = arith.constant 384 : i32
      %dma_wait3A_119 = arith.constant 0 : i32
      %dma_wait3A_120 = tpu.memref_slice %arg6[%dma_wait3A_118, %dma_wait3A_119] : memref<512x128xf32, #tpu.memory_space<vmem>> -> memref<128x128xf32, #tpu.memory_space<vmem>>
      %dma_wait3A_121 = arith.constant 0 : i32
      %dma_wait3A_122 = tpu.memref_slice %arg5[%add3A_82, %dma_wait3A_121] : memref<32x128xi32, #tpu.memory_space<vmem>> -> memref<1x128xi32, #tpu.memory_space<vmem>>
      %dma_wait3A_123 = tpu.memref_squeeze %dma_wait3A_122 : memref<1x128xi32, #tpu.memory_space<vmem>> -> memref<128xi32, #tpu.memory_space<vmem>>
      %dma_wait3A_124 = arith.constant 0 : i32
      %dma_wait3A_125 = arith.constant 0 : i32
      %dma_wait3A_126 = tpu.memref_slice %arg2[%dma_wait3A_124, %dma_wait3A_125] : memref<524288x128xf32, #tpu.memory_space<hbm>> -> memref<524288x128xf32, #tpu.memory_space<hbm>>
      tpu.wait_indirect_dma semaphore(%arg7 : memref<!tpu.dma_semaphore, #tpu.memory_space<semaphore_mem>>) src(%dma_wait3A_126 : memref<524288x128xf32, #tpu.memory_space<hbm>>) dst(%dma_wait3A_120 : memref<128x128xf32, #tpu.memory_space<vmem>>)
      %mul3A_127 = arith.constant 512 : i32
      %mul3A_128 = arith.muli %scan3A_40, %mul3A_127 : i32
      "tpu.region"() ({
        %run_scoped3A = tpu.sem_alloc : memref<!tpu.dma_semaphore, #tpu.memory_space<semaphore_mem>>
        %dma_start3A_129 = arith.constant 0 : i32
        %dma_start3A_130 = tpu.memref_slice %arg4[%add3A_4, %mul3A_128, %dma_start3A_129] : memref<128x4096x128xf32, #tpu.memory_space<hbm>> -> memref<1x512x128xf32, #tpu.memory_space<hbm>>
        %dma_start3A_131 = tpu.memref_squeeze %dma_start3A_130 : memref<1x512x128xf32, #tpu.memory_space<hbm>> -> memref<512x128xf32, #tpu.memory_space<hbm>>
        %dma_start3A_132 = arith.constant 0 : i32
        %dma_start3A_133 = tpu.memref_slice %arg4[%add3A_4, %mul3A_128, %dma_start3A_132] : memref<128x4096x128xf32, #tpu.memory_space<hbm>> -> memref<1x512x128xf32, #tpu.memory_space<hbm>>
        %dma_start3A_134 = tpu.memref_squeeze %dma_start3A_133 : memref<1x512x128xf32, #tpu.memory_space<hbm>> -> memref<512x128xf32, #tpu.memory_space<hbm>>
        tpu.enqueue_dma source(%arg6 : memref<512x128xf32, #tpu.memory_space<vmem>>) target(%dma_start3A_134 : memref<512x128xf32, #tpu.memory_space<hbm>>) target_semaphore(%run_scoped3A : memref<!tpu.dma_semaphore, #tpu.memory_space<semaphore_mem>>)
        %dma_wait3A_135 = arith.constant 0 : i32
        %dma_wait3A_136 = tpu.memref_slice %arg4[%add3A_4, %mul3A_128, %dma_wait3A_135] : memref<128x4096x128xf32, #tpu.memory_space<hbm>> -> memref<1x512x128xf32, #tpu.memory_space<hbm>>
        %dma_wait3A_137 = tpu.memref_squeeze %dma_wait3A_136 : memref<1x512x128xf32, #tpu.memory_space<hbm>> -> memref<512x128xf32, #tpu.memory_space<hbm>>
        %dma_wait3A_138 = arith.constant 0 : i32
        %dma_wait3A_139 = tpu.memref_slice %arg4[%add3A_4, %mul3A_128, %dma_wait3A_138] : memref<128x4096x128xf32, #tpu.memory_space<hbm>> -> memref<1x512x128xf32, #tpu.memory_space<hbm>>
        %dma_wait3A_140 = tpu.memref_squeeze %dma_wait3A_139 : memref<1x512x128xf32, #tpu.memory_space<hbm>> -> memref<512x128xf32, #tpu.memory_space<hbm>>
        tpu.wait_dma2 semaphore(%run_scoped3A : memref<!tpu.dma_semaphore, #tpu.memory_space<semaphore_mem>>) src(%arg6 : memref<512x128xf32, #tpu.memory_space<vmem>>) dst(%dma_wait3A_140 : memref<512x128xf32, #tpu.memory_space<hbm>>)
        tpu.yield
      }) : () -> ()
    }
    %scan3A_9 = arith.constant 8 : i32
    %mul3A_10 = arith.constant 4 : i32
    %mul3A_11 = arith.muli %add3A, %mul3A_10 : i32
    %add3A_12 = arith.constant 1 : i32
    %add3A_13 = arith.addi %mul3A_11, %add3A_12 : i32
    "tpu.region"() ({
      %run_scoped3A = tpu.sem_alloc : memref<!tpu.dma_semaphore, #tpu.memory_space<semaphore_mem>>
      %dma_start3A = arith.constant 0 : i32
      %dma_start3A_40 = arith.constant 0 : i32
      %dma_start3A_41 = tpu.memref_slice %arg3[%add3A_13, %dma_start3A, %dma_start3A_40] : memref<128x32x128xi32, #tpu.memory_space<hbm>> -> memref<1x32x128xi32, #tpu.memory_space<hbm>>
      %dma_start3A_42 = tpu.memref_squeeze %dma_start3A_41 : memref<1x32x128xi32, #tpu.memory_space<hbm>> -> memref<32x128xi32, #tpu.memory_space<hbm>>
      %dma_start3A_43 = arith.constant 0 : i32
      %dma_start3A_44 = arith.constant 0 : i32
      %dma_start3A_45 = tpu.memref_slice %arg3[%add3A_13, %dma_start3A_43, %dma_start3A_44] : memref<128x32x128xi32, #tpu.memory_space<hbm>> -> memref<1x32x128xi32, #tpu.memory_space<hbm>>
      %dma_start3A_46 = tpu.memref_squeeze %dma_start3A_45 : memref<1x32x128xi32, #tpu.memory_space<hbm>> -> memref<32x128xi32, #tpu.memory_space<hbm>>
      tpu.enqueue_dma source(%dma_start3A_46 : memref<32x128xi32, #tpu.memory_space<hbm>>) target(%arg5 : memref<32x128xi32, #tpu.memory_space<vmem>>) target_semaphore(%run_scoped3A : memref<!tpu.dma_semaphore, #tpu.memory_space<semaphore_mem>>)
      %dma_wait3A = arith.constant 0 : i32
      %dma_wait3A_47 = arith.constant 0 : i32
      %dma_wait3A_48 = tpu.memref_slice %arg3[%add3A_13, %dma_wait3A, %dma_wait3A_47] : memref<128x32x128xi32, #tpu.memory_space<hbm>> -> memref<1x32x128xi32, #tpu.memory_space<hbm>>
      %dma_wait3A_49 = tpu.memref_squeeze %dma_wait3A_48 : memref<1x32x128xi32, #tpu.memory_space<hbm>> -> memref<32x128xi32, #tpu.memory_space<hbm>>
      %dma_wait3A_50 = arith.constant 0 : i32
      %dma_wait3A_51 = arith.constant 0 : i32
      %dma_wait3A_52 = tpu.memref_slice %arg3[%add3A_13, %dma_wait3A_50, %dma_wait3A_51] : memref<128x32x128xi32, #tpu.memory_space<hbm>> -> memref<1x32x128xi32, #tpu.memory_space<hbm>>
      %dma_wait3A_53 = tpu.memref_squeeze %dma_wait3A_52 : memref<1x32x128xi32, #tpu.memory_space<hbm>> -> memref<32x128xi32, #tpu.memory_space<hbm>>
      tpu.wait_dma2 semaphore(%run_scoped3A : memref<!tpu.dma_semaphore, #tpu.memory_space<semaphore_mem>>) src(%dma_wait3A_53 : memref<32x128xi32, #tpu.memory_space<hbm>>) dst(%arg5 : memref<32x128xi32, #tpu.memory_space<vmem>>)
      tpu.yield
    }) : () -> ()
    %scan3A_14 = arith.constant 0 : i32
    %scan3A_15 = arith.constant 0 : i32
    %scan3A_16 = arith.constant 8 : i32
    %scan3A_17 = arith.addi %scan3A_15, %scan3A_16 : i32
    %scan3A_18 = arith.constant 1 : i32
    scf.for %scan3A_40 = %scan3A_15 to %scan3A_17 step %scan3A_18  : i32 {
      %mul3A_41 = arith.constant 4 : i32
      %mul3A_42 = arith.muli %scan3A_40, %mul3A_41 : i32
      %add3A_43 = arith.constant 0 : i32
      %add3A_44 = arith.addi %mul3A_42, %add3A_43 : i32
      %dma_start3A = arith.constant 0 : i32
      %dma_start3A_45 = arith.constant 0 : i32
      %dma_start3A_46 = tpu.memref_slice %arg6[%dma_start3A, %dma_start3A_45] : memref<512x128xf32, #tpu.memory_space<vmem>> -> memref<128x128xf32, #tpu.memory_space<vmem>>
      %dma_start3A_47 = arith.constant 0 : i32
      %dma_start3A_48 = tpu.memref_slice %arg5[%add3A_44, %dma_start3A_47] : memref<32x128xi32, #tpu.memory_space<vmem>> -> memref<1x128xi32, #tpu.memory_space<vmem>>
      %dma_start3A_49 = tpu.memref_squeeze %dma_start3A_48 : memref<1x128xi32, #tpu.memory_space<vmem>> -> memref<128xi32, #tpu.memory_space<vmem>>
      %dma_start3A_50 = arith.constant 0 : i32
      %dma_start3A_51 = arith.constant 0 : i32
      %dma_start3A_52 = tpu.memref_slice %arg2[%dma_start3A_50, %dma_start3A_51] : memref<524288x128xf32, #tpu.memory_space<hbm>> -> memref<524288x128xf32, #tpu.memory_space<hbm>>
      tpu.enqueue_indirect_dma source(%dma_start3A_52 : memref<524288x128xf32, #tpu.memory_space<hbm>>) target(%dma_start3A_46 : memref<128x128xf32, #tpu.memory_space<vmem>>) offsets(%dma_start3A_49 : memref<128xi32, #tpu.memory_space<vmem>>) semaphore(%arg7 : memref<!tpu.dma_semaphore, #tpu.memory_space<semaphore_mem>>)
      %mul3A_53 = arith.constant 4 : i32
      %mul3A_54 = arith.muli %scan3A_40, %mul3A_53 : i32
      %add3A_55 = arith.constant 1 : i32
      %add3A_56 = arith.addi %mul3A_54, %add3A_55 : i32
      %dma_start3A_57 = arith.constant 128 : i32
      %dma_start3A_58 = arith.constant 0 : i32
      %dma_start3A_59 = tpu.memref_slice %arg6[%dma_start3A_57, %dma_start3A_58] : memref<512x128xf32, #tpu.memory_space<vmem>> -> memref<128x128xf32, #tpu.memory_space<vmem>>
      %dma_start3A_60 = arith.constant 0 : i32
      %dma_start3A_61 = tpu.memref_slice %arg5[%add3A_56, %dma_start3A_60] : memref<32x128xi32, #tpu.memory_space<vmem>> -> memref<1x128xi32, #tpu.memory_space<vmem>>
      %dma_start3A_62 = tpu.memref_squeeze %dma_start3A_61 : memref<1x128xi32, #tpu.memory_space<vmem>> -> memref<128xi32, #tpu.memory_space<vmem>>
      %dma_start3A_63 = arith.constant 0 : i32
      %dma_start3A_64 = arith.constant 0 : i32
      %dma_start3A_65 = tpu.memref_slice %arg2[%dma_start3A_63, %dma_start3A_64] : memref<524288x128xf32, #tpu.memory_space<hbm>> -> memref<524288x128xf32, #tpu.memory_space<hbm>>
      tpu.enqueue_indirect_dma source(%dma_start3A_65 : memref<524288x128xf32, #tpu.memory_space<hbm>>) target(%dma_start3A_59 : memref<128x128xf32, #tpu.memory_space<vmem>>) offsets(%dma_start3A_62 : memref<128xi32, #tpu.memory_space<vmem>>) semaphore(%arg7 : memref<!tpu.dma_semaphore, #tpu.memory_space<semaphore_mem>>)
      %mul3A_66 = arith.constant 4 : i32
      %mul3A_67 = arith.muli %scan3A_40, %mul3A_66 : i32
      %add3A_68 = arith.constant 2 : i32
      %add3A_69 = arith.addi %mul3A_67, %add3A_68 : i32
      %dma_start3A_70 = arith.constant 256 : i32
      %dma_start3A_71 = arith.constant 0 : i32
      %dma_start3A_72 = tpu.memref_slice %arg6[%dma_start3A_70, %dma_start3A_71] : memref<512x128xf32, #tpu.memory_space<vmem>> -> memref<128x128xf32, #tpu.memory_space<vmem>>
      %dma_start3A_73 = arith.constant 0 : i32
      %dma_start3A_74 = tpu.memref_slice %arg5[%add3A_69, %dma_start3A_73] : memref<32x128xi32, #tpu.memory_space<vmem>> -> memref<1x128xi32, #tpu.memory_space<vmem>>
      %dma_start3A_75 = tpu.memref_squeeze %dma_start3A_74 : memref<1x128xi32, #tpu.memory_space<vmem>> -> memref<128xi32, #tpu.memory_space<vmem>>
      %dma_start3A_76 = arith.constant 0 : i32
      %dma_start3A_77 = arith.constant 0 : i32
      %dma_start3A_78 = tpu.memref_slice %arg2[%dma_start3A_76, %dma_start3A_77] : memref<524288x128xf32, #tpu.memory_space<hbm>> -> memref<524288x128xf32, #tpu.memory_space<hbm>>
      tpu.enqueue_indirect_dma source(%dma_start3A_78 : memref<524288x128xf32, #tpu.memory_space<hbm>>) target(%dma_start3A_72 : memref<128x128xf32, #tpu.memory_space<vmem>>) offsets(%dma_start3A_75 : memref<128xi32, #tpu.memory_space<vmem>>) semaphore(%arg7 : memref<!tpu.dma_semaphore, #tpu.memory_space<semaphore_mem>>)
      %mul3A_79 = arith.constant 4 : i32
      %mul3A_80 = arith.muli %scan3A_40, %mul3A_79 : i32
      %add3A_81 = arith.constant 3 : i32
      %add3A_82 = arith.addi %mul3A_80, %add3A_81 : i32
      %dma_start3A_83 = arith.constant 384 : i32
      %dma_start3A_84 = arith.constant 0 : i32
      %dma_start3A_85 = tpu.memref_slice %arg6[%dma_start3A_83, %dma_start3A_84] : memref<512x128xf32, #tpu.memory_space<vmem>> -> memref<128x128xf32, #tpu.memory_space<vmem>>
      %dma_start3A_86 = arith.constant 0 : i32
      %dma_start3A_87 = tpu.memref_slice %arg5[%add3A_82, %dma_start3A_86] : memref<32x128xi32, #tpu.memory_space<vmem>> -> memref<1x128xi32, #tpu.memory_space<vmem>>
      %dma_start3A_88 = tpu.memref_squeeze %dma_start3A_87 : memref<1x128xi32, #tpu.memory_space<vmem>> -> memref<128xi32, #tpu.memory_space<vmem>>
      %dma_start3A_89 = arith.constant 0 : i32
      %dma_start3A_90 = arith.constant 0 : i32
      %dma_start3A_91 = tpu.memref_slice %arg2[%dma_start3A_89, %dma_start3A_90] : memref<524288x128xf32, #tpu.memory_space<hbm>> -> memref<524288x128xf32, #tpu.memory_space<hbm>>
      tpu.enqueue_indirect_dma source(%dma_start3A_91 : memref<524288x128xf32, #tpu.memory_space<hbm>>) target(%dma_start3A_85 : memref<128x128xf32, #tpu.memory_space<vmem>>) offsets(%dma_start3A_88 : memref<128xi32, #tpu.memory_space<vmem>>) semaphore(%arg7 : memref<!tpu.dma_semaphore, #tpu.memory_space<semaphore_mem>>)
      %dma_wait3A = arith.constant 0 : i32
      %dma_wait3A_92 = arith.constant 0 : i32
      %dma_wait3A_93 = tpu.memref_slice %arg6[%dma_wait3A, %dma_wait3A_92] : memref<512x128xf32, #tpu.memory_space<vmem>> -> memref<128x128xf32, #tpu.memory_space<vmem>>
      %dma_wait3A_94 = arith.constant 0 : i32
      %dma_wait3A_95 = tpu.memref_slice %arg5[%add3A_44, %dma_wait3A_94] : memref<32x128xi32, #tpu.memory_space<vmem>> -> memref<1x128xi32, #tpu.memory_space<vmem>>
      %dma_wait3A_96 = tpu.memref_squeeze %dma_wait3A_95 : memref<1x128xi32, #tpu.memory_space<vmem>> -> memref<128xi32, #tpu.memory_space<vmem>>
      %dma_wait3A_97 = arith.constant 0 : i32
      %dma_wait3A_98 = arith.constant 0 : i32
      %dma_wait3A_99 = tpu.memref_slice %arg2[%dma_wait3A_97, %dma_wait3A_98] : memref<524288x128xf32, #tpu.memory_space<hbm>> -> memref<524288x128xf32, #tpu.memory_space<hbm>>
      tpu.wait_indirect_dma semaphore(%arg7 : memref<!tpu.dma_semaphore, #tpu.memory_space<semaphore_mem>>) src(%dma_wait3A_99 : memref<524288x128xf32, #tpu.memory_space<hbm>>) dst(%dma_wait3A_93 : memref<128x128xf32, #tpu.memory_space<vmem>>)
      %dma_wait3A_100 = arith.constant 128 : i32
      %dma_wait3A_101 = arith.constant 0 : i32
      %dma_wait3A_102 = tpu.memref_slice %arg6[%dma_wait3A_100, %dma_wait3A_101] : memref<512x128xf32, #tpu.memory_space<vmem>> -> memref<128x128xf32, #tpu.memory_space<vmem>>
      %dma_wait3A_103 = arith.constant 0 : i32
      %dma_wait3A_104 = tpu.memref_slice %arg5[%add3A_56, %dma_wait3A_103] : memref<32x128xi32, #tpu.memory_space<vmem>> -> memref<1x128xi32, #tpu.memory_space<vmem>>
      %dma_wait3A_105 = tpu.memref_squeeze %dma_wait3A_104 : memref<1x128xi32, #tpu.memory_space<vmem>> -> memref<128xi32, #tpu.memory_space<vmem>>
      %dma_wait3A_106 = arith.constant 0 : i32
      %dma_wait3A_107 = arith.constant 0 : i32
      %dma_wait3A_108 = tpu.memref_slice %arg2[%dma_wait3A_106, %dma_wait3A_107] : memref<524288x128xf32, #tpu.memory_space<hbm>> -> memref<524288x128xf32, #tpu.memory_space<hbm>>
      tpu.wait_indirect_dma semaphore(%arg7 : memref<!tpu.dma_semaphore, #tpu.memory_space<semaphore_mem>>) src(%dma_wait3A_108 : memref<524288x128xf32, #tpu.memory_space<hbm>>) dst(%dma_wait3A_102 : memref<128x128xf32, #tpu.memory_space<vmem>>)
      %dma_wait3A_109 = arith.constant 256 : i32
      %dma_wait3A_110 = arith.constant 0 : i32
      %dma_wait3A_111 = tpu.memref_slice %arg6[%dma_wait3A_109, %dma_wait3A_110] : memref<512x128xf32, #tpu.memory_space<vmem>> -> memref<128x128xf32, #tpu.memory_space<vmem>>
      %dma_wait3A_112 = arith.constant 0 : i32
      %dma_wait3A_113 = tpu.memref_slice %arg5[%add3A_69, %dma_wait3A_112] : memref<32x128xi32, #tpu.memory_space<vmem>> -> memref<1x128xi32, #tpu.memory_space<vmem>>
      %dma_wait3A_114 = tpu.memref_squeeze %dma_wait3A_113 : memref<1x128xi32, #tpu.memory_space<vmem>> -> memref<128xi32, #tpu.memory_space<vmem>>
      %dma_wait3A_115 = arith.constant 0 : i32
      %dma_wait3A_116 = arith.constant 0 : i32
      %dma_wait3A_117 = tpu.memref_slice %arg2[%dma_wait3A_115, %dma_wait3A_116] : memref<524288x128xf32, #tpu.memory_space<hbm>> -> memref<524288x128xf32, #tpu.memory_space<hbm>>
      tpu.wait_indirect_dma semaphore(%arg7 : memref<!tpu.dma_semaphore, #tpu.memory_space<semaphore_mem>>) src(%dma_wait3A_117 : memref<524288x128xf32, #tpu.memory_space<hbm>>) dst(%dma_wait3A_111 : memref<128x128xf32, #tpu.memory_space<vmem>>)
      %dma_wait3A_118 = arith.constant 384 : i32
      %dma_wait3A_119 = arith.constant 0 : i32
      %dma_wait3A_120 = tpu.memref_slice %arg6[%dma_wait3A_118, %dma_wait3A_119] : memref<512x128xf32, #tpu.memory_space<vmem>> -> memref<128x128xf32, #tpu.memory_space<vmem>>
      %dma_wait3A_121 = arith.constant 0 : i32
      %dma_wait3A_122 = tpu.memref_slice %arg5[%add3A_82, %dma_wait3A_121] : memref<32x128xi32, #tpu.memory_space<vmem>> -> memref<1x128xi32, #tpu.memory_space<vmem>>
      %dma_wait3A_123 = tpu.memref_squeeze %dma_wait3A_122 : memref<1x128xi32, #tpu.memory_space<vmem>> -> memref<128xi32, #tpu.memory_space<vmem>>
      %dma_wait3A_124 = arith.constant 0 : i32
      %dma_wait3A_125 = arith.constant 0 : i32
      %dma_wait3A_126 = tpu.memref_slice %arg2[%dma_wait3A_124, %dma_wait3A_125] : memref<524288x128xf32, #tpu.memory_space<hbm>> -> memref<524288x128xf32, #tpu.memory_space<hbm>>
      tpu.wait_indirect_dma semaphore(%arg7 : memref<!tpu.dma_semaphore, #tpu.memory_space<semaphore_mem>>) src(%dma_wait3A_126 : memref<524288x128xf32, #tpu.memory_space<hbm>>) dst(%dma_wait3A_120 : memref<128x128xf32, #tpu.memory_space<vmem>>)
      %mul3A_127 = arith.constant 512 : i32
      %mul3A_128 = arith.muli %scan3A_40, %mul3A_127 : i32
      "tpu.region"() ({
        %run_scoped3A = tpu.sem_alloc : memref<!tpu.dma_semaphore, #tpu.memory_space<semaphore_mem>>
        %dma_start3A_129 = arith.constant 0 : i32
        %dma_start3A_130 = tpu.memref_slice %arg4[%add3A_13, %mul3A_128, %dma_start3A_129] : memref<128x4096x128xf32, #tpu.memory_space<hbm>> -> memref<1x512x128xf32, #tpu.memory_space<hbm>>
        %dma_start3A_131 = tpu.memref_squeeze %dma_start3A_130 : memref<1x512x128xf32, #tpu.memory_space<hbm>> -> memref<512x128xf32, #tpu.memory_space<hbm>>
        %dma_start3A_132 = arith.constant 0 : i32
        %dma_start3A_133 = tpu.memref_slice %arg4[%add3A_13, %mul3A_128, %dma_start3A_132] : memref<128x4096x128xf32, #tpu.memory_space<hbm>> -> memref<1x512x128xf32, #tpu.memory_space<hbm>>
        %dma_start3A_134 = tpu.memref_squeeze %dma_start3A_133 : memref<1x512x128xf32, #tpu.memory_space<hbm>> -> memref<512x128xf32, #tpu.memory_space<hbm>>
        tpu.enqueue_dma source(%arg6 : memref<512x128xf32, #tpu.memory_space<vmem>>) target(%dma_start3A_134 : memref<512x128xf32, #tpu.memory_space<hbm>>) target_semaphore(%run_scoped3A : memref<!tpu.dma_semaphore, #tpu.memory_space<semaphore_mem>>)
        %dma_wait3A_135 = arith.constant 0 : i32
        %dma_wait3A_136 = tpu.memref_slice %arg4[%add3A_13, %mul3A_128, %dma_wait3A_135] : memref<128x4096x128xf32, #tpu.memory_space<hbm>> -> memref<1x512x128xf32, #tpu.memory_space<hbm>>
        %dma_wait3A_137 = tpu.memref_squeeze %dma_wait3A_136 : memref<1x512x128xf32, #tpu.memory_space<hbm>> -> memref<512x128xf32, #tpu.memory_space<hbm>>
        %dma_wait3A_138 = arith.constant 0 : i32
        %dma_wait3A_139 = tpu.memref_slice %arg4[%add3A_13, %mul3A_128, %dma_wait3A_138] : memref<128x4096x128xf32, #tpu.memory_space<hbm>> -> memref<1x512x128xf32, #tpu.memory_space<hbm>>
        %dma_wait3A_140 = tpu.memref_squeeze %dma_wait3A_139 : memref<1x512x128xf32, #tpu.memory_space<hbm>> -> memref<512x128xf32, #tpu.memory_space<hbm>>
        tpu.wait_dma2 semaphore(%run_scoped3A : memref<!tpu.dma_semaphore, #tpu.memory_space<semaphore_mem>>) src(%arg6 : memref<512x128xf32, #tpu.memory_space<vmem>>) dst(%dma_wait3A_140 : memref<512x128xf32, #tpu.memory_space<hbm>>)
        tpu.yield
      }) : () -> ()
    }
    %scan3A_19 = arith.constant 8 : i32
    %mul3A_20 = arith.constant 4 : i32
    %mul3A_21 = arith.muli %add3A, %mul3A_20 : i32
    %add3A_22 = arith.constant 2 : i32
    %add3A_23 = arith.addi %mul3A_21, %add3A_22 : i32
    "tpu.region"() ({
      %run_scoped3A = tpu.sem_alloc : memref<!tpu.dma_semaphore, #tpu.memory_space<semaphore_mem>>
      %dma_start3A = arith.constant 0 : i32
      %dma_start3A_40 = arith.constant 0 : i32
      %dma_start3A_41 = tpu.memref_slice %arg3[%add3A_23, %dma_start3A, %dma_start3A_40] : memref<128x32x128xi32, #tpu.memory_space<hbm>> -> memref<1x32x128xi32, #tpu.memory_space<hbm>>
      %dma_start3A_42 = tpu.memref_squeeze %dma_start3A_41 : memref<1x32x128xi32, #tpu.memory_space<hbm>> -> memref<32x128xi32, #tpu.memory_space<hbm>>
      %dma_start3A_43 = arith.constant 0 : i32
      %dma_start3A_44 = arith.constant 0 : i32
      %dma_start3A_45 = tpu.memref_slice %arg3[%add3A_23, %dma_start3A_43, %dma_start3A_44] : memref<128x32x128xi32, #tpu.memory_space<hbm>> -> memref<1x32x128xi32, #tpu.memory_space<hbm>>
      %dma_start3A_46 = tpu.memref_squeeze %dma_start3A_45 : memref<1x32x128xi32, #tpu.memory_space<hbm>> -> memref<32x128xi32, #tpu.memory_space<hbm>>
      tpu.enqueue_dma source(%dma_start3A_46 : memref<32x128xi32, #tpu.memory_space<hbm>>) target(%arg5 : memref<32x128xi32, #tpu.memory_space<vmem>>) target_semaphore(%run_scoped3A : memref<!tpu.dma_semaphore, #tpu.memory_space<semaphore_mem>>)
      %dma_wait3A = arith.constant 0 : i32
      %dma_wait3A_47 = arith.constant 0 : i32
      %dma_wait3A_48 = tpu.memref_slice %arg3[%add3A_23, %dma_wait3A, %dma_wait3A_47] : memref<128x32x128xi32, #tpu.memory_space<hbm>> -> memref<1x32x128xi32, #tpu.memory_space<hbm>>
      %dma_wait3A_49 = tpu.memref_squeeze %dma_wait3A_48 : memref<1x32x128xi32, #tpu.memory_space<hbm>> -> memref<32x128xi32, #tpu.memory_space<hbm>>
      %dma_wait3A_50 = arith.constant 0 : i32
      %dma_wait3A_51 = arith.constant 0 : i32
      %dma_wait3A_52 = tpu.memref_slice %arg3[%add3A_23, %dma_wait3A_50, %dma_wait3A_51] : memref<128x32x128xi32, #tpu.memory_space<hbm>> -> memref<1x32x128xi32, #tpu.memory_space<hbm>>
      %dma_wait3A_53 = tpu.memref_squeeze %dma_wait3A_52 : memref<1x32x128xi32, #tpu.memory_space<hbm>> -> memref<32x128xi32, #tpu.memory_space<hbm>>
      tpu.wait_dma2 semaphore(%run_scoped3A : memref<!tpu.dma_semaphore, #tpu.memory_space<semaphore_mem>>) src(%dma_wait3A_53 : memref<32x128xi32, #tpu.memory_space<hbm>>) dst(%arg5 : memref<32x128xi32, #tpu.memory_space<vmem>>)
      tpu.yield
    }) : () -> ()
    %scan3A_24 = arith.constant 0 : i32
    %scan3A_25 = arith.constant 0 : i32
    %scan3A_26 = arith.constant 8 : i32
    %scan3A_27 = arith.addi %scan3A_25, %scan3A_26 : i32
    %scan3A_28 = arith.constant 1 : i32
    scf.for %scan3A_40 = %scan3A_25 to %scan3A_27 step %scan3A_28  : i32 {
      %mul3A_41 = arith.constant 4 : i32
      %mul3A_42 = arith.muli %scan3A_40, %mul3A_41 : i32
      %add3A_43 = arith.constant 0 : i32
      %add3A_44 = arith.addi %mul3A_42, %add3A_43 : i32
      %dma_start3A = arith.constant 0 : i32
      %dma_start3A_45 = arith.constant 0 : i32
      %dma_start3A_46 = tpu.memref_slice %arg6[%dma_start3A, %dma_start3A_45] : memref<512x128xf32, #tpu.memory_space<vmem>> -> memref<128x128xf32, #tpu.memory_space<vmem>>
      %dma_start3A_47 = arith.constant 0 : i32
      %dma_start3A_48 = tpu.memref_slice %arg5[%add3A_44, %dma_start3A_47] : memref<32x128xi32, #tpu.memory_space<vmem>> -> memref<1x128xi32, #tpu.memory_space<vmem>>
      %dma_start3A_49 = tpu.memref_squeeze %dma_start3A_48 : memref<1x128xi32, #tpu.memory_space<vmem>> -> memref<128xi32, #tpu.memory_space<vmem>>
      %dma_start3A_50 = arith.constant 0 : i32
      %dma_start3A_51 = arith.constant 0 : i32
      %dma_start3A_52 = tpu.memref_slice %arg2[%dma_start3A_50, %dma_start3A_51] : memref<524288x128xf32, #tpu.memory_space<hbm>> -> memref<524288x128xf32, #tpu.memory_space<hbm>>
      tpu.enqueue_indirect_dma source(%dma_start3A_52 : memref<524288x128xf32, #tpu.memory_space<hbm>>) target(%dma_start3A_46 : memref<128x128xf32, #tpu.memory_space<vmem>>) offsets(%dma_start3A_49 : memref<128xi32, #tpu.memory_space<vmem>>) semaphore(%arg7 : memref<!tpu.dma_semaphore, #tpu.memory_space<semaphore_mem>>)
      %mul3A_53 = arith.constant 4 : i32
      %mul3A_54 = arith.muli %scan3A_40, %mul3A_53 : i32
      %add3A_55 = arith.constant 1 : i32
      %add3A_56 = arith.addi %mul3A_54, %add3A_55 : i32
      %dma_start3A_57 = arith.constant 128 : i32
      %dma_start3A_58 = arith.constant 0 : i32
      %dma_start3A_59 = tpu.memref_slice %arg6[%dma_start3A_57, %dma_start3A_58] : memref<512x128xf32, #tpu.memory_space<vmem>> -> memref<128x128xf32, #tpu.memory_space<vmem>>
      %dma_start3A_60 = arith.constant 0 : i32
      %dma_start3A_61 = tpu.memref_slice %arg5[%add3A_56, %dma_start3A_60] : memref<32x128xi32, #tpu.memory_space<vmem>> -> memref<1x128xi32, #tpu.memory_space<vmem>>
      %dma_start3A_62 = tpu.memref_squeeze %dma_start3A_61 : memref<1x128xi32, #tpu.memory_space<vmem>> -> memref<128xi32, #tpu.memory_space<vmem>>
      %dma_start3A_63 = arith.constant 0 : i32
      %dma_start3A_64 = arith.constant 0 : i32
      %dma_start3A_65 = tpu.memref_slice %arg2[%dma_start3A_63, %dma_start3A_64] : memref<524288x128xf32, #tpu.memory_space<hbm>> -> memref<524288x128xf32, #tpu.memory_space<hbm>>
      tpu.enqueue_indirect_dma source(%dma_start3A_65 : memref<524288x128xf32, #tpu.memory_space<hbm>>) target(%dma_start3A_59 : memref<128x128xf32, #tpu.memory_space<vmem>>) offsets(%dma_start3A_62 : memref<128xi32, #tpu.memory_space<vmem>>) semaphore(%arg7 : memref<!tpu.dma_semaphore, #tpu.memory_space<semaphore_mem>>)
      %mul3A_66 = arith.constant 4 : i32
      %mul3A_67 = arith.muli %scan3A_40, %mul3A_66 : i32
      %add3A_68 = arith.constant 2 : i32
      %add3A_69 = arith.addi %mul3A_67, %add3A_68 : i32
      %dma_start3A_70 = arith.constant 256 : i32
      %dma_start3A_71 = arith.constant 0 : i32
      %dma_start3A_72 = tpu.memref_slice %arg6[%dma_start3A_70, %dma_start3A_71] : memref<512x128xf32, #tpu.memory_space<vmem>> -> memref<128x128xf32, #tpu.memory_space<vmem>>
      %dma_start3A_73 = arith.constant 0 : i32
      %dma_start3A_74 = tpu.memref_slice %arg5[%add3A_69, %dma_start3A_73] : memref<32x128xi32, #tpu.memory_space<vmem>> -> memref<1x128xi32, #tpu.memory_space<vmem>>
      %dma_start3A_75 = tpu.memref_squeeze %dma_start3A_74 : memref<1x128xi32, #tpu.memory_space<vmem>> -> memref<128xi32, #tpu.memory_space<vmem>>
      %dma_start3A_76 = arith.constant 0 : i32
      %dma_start3A_77 = arith.constant 0 : i32
      %dma_start3A_78 = tpu.memref_slice %arg2[%dma_start3A_76, %dma_start3A_77] : memref<524288x128xf32, #tpu.memory_space<hbm>> -> memref<524288x128xf32, #tpu.memory_space<hbm>>
      tpu.enqueue_indirect_dma source(%dma_start3A_78 : memref<524288x128xf32, #tpu.memory_space<hbm>>) target(%dma_start3A_72 : memref<128x128xf32, #tpu.memory_space<vmem>>) offsets(%dma_start3A_75 : memref<128xi32, #tpu.memory_space<vmem>>) semaphore(%arg7 : memref<!tpu.dma_semaphore, #tpu.memory_space<semaphore_mem>>)
      %mul3A_79 = arith.constant 4 : i32
      %mul3A_80 = arith.muli %scan3A_40, %mul3A_79 : i32
      %add3A_81 = arith.constant 3 : i32
      %add3A_82 = arith.addi %mul3A_80, %add3A_81 : i32
      %dma_start3A_83 = arith.constant 384 : i32
      %dma_start3A_84 = arith.constant 0 : i32
      %dma_start3A_85 = tpu.memref_slice %arg6[%dma_start3A_83, %dma_start3A_84] : memref<512x128xf32, #tpu.memory_space<vmem>> -> memref<128x128xf32, #tpu.memory_space<vmem>>
      %dma_start3A_86 = arith.constant 0 : i32
      %dma_start3A_87 = tpu.memref_slice %arg5[%add3A_82, %dma_start3A_86] : memref<32x128xi32, #tpu.memory_space<vmem>> -> memref<1x128xi32, #tpu.memory_space<vmem>>
      %dma_start3A_88 = tpu.memref_squeeze %dma_start3A_87 : memref<1x128xi32, #tpu.memory_space<vmem>> -> memref<128xi32, #tpu.memory_space<vmem>>
      %dma_start3A_89 = arith.constant 0 : i32
      %dma_start3A_90 = arith.constant 0 : i32
      %dma_start3A_91 = tpu.memref_slice %arg2[%dma_start3A_89, %dma_start3A_90] : memref<524288x128xf32, #tpu.memory_space<hbm>> -> memref<524288x128xf32, #tpu.memory_space<hbm>>
      tpu.enqueue_indirect_dma source(%dma_start3A_91 : memref<524288x128xf32, #tpu.memory_space<hbm>>) target(%dma_start3A_85 : memref<128x128xf32, #tpu.memory_space<vmem>>) offsets(%dma_start3A_88 : memref<128xi32, #tpu.memory_space<vmem>>) semaphore(%arg7 : memref<!tpu.dma_semaphore, #tpu.memory_space<semaphore_mem>>)
      %dma_wait3A = arith.constant 0 : i32
      %dma_wait3A_92 = arith.constant 0 : i32
      %dma_wait3A_93 = tpu.memref_slice %arg6[%dma_wait3A, %dma_wait3A_92] : memref<512x128xf32, #tpu.memory_space<vmem>> -> memref<128x128xf32, #tpu.memory_space<vmem>>
      %dma_wait3A_94 = arith.constant 0 : i32
      %dma_wait3A_95 = tpu.memref_slice %arg5[%add3A_44, %dma_wait3A_94] : memref<32x128xi32, #tpu.memory_space<vmem>> -> memref<1x128xi32, #tpu.memory_space<vmem>>
      %dma_wait3A_96 = tpu.memref_squeeze %dma_wait3A_95 : memref<1x128xi32, #tpu.memory_space<vmem>> -> memref<128xi32, #tpu.memory_space<vmem>>
      %dma_wait3A_97 = arith.constant 0 : i32
      %dma_wait3A_98 = arith.constant 0 : i32
      %dma_wait3A_99 = tpu.memref_slice %arg2[%dma_wait3A_97, %dma_wait3A_98] : memref<524288x128xf32, #tpu.memory_space<hbm>> -> memref<524288x128xf32, #tpu.memory_space<hbm>>
      tpu.wait_indirect_dma semaphore(%arg7 : memref<!tpu.dma_semaphore, #tpu.memory_space<semaphore_mem>>) src(%dma_wait3A_99 : memref<524288x128xf32, #tpu.memory_space<hbm>>) dst(%dma_wait3A_93 : memref<128x128xf32, #tpu.memory_space<vmem>>)
      %dma_wait3A_100 = arith.constant 128 : i32
      %dma_wait3A_101 = arith.constant 0 : i32
      %dma_wait3A_102 = tpu.memref_slice %arg6[%dma_wait3A_100, %dma_wait3A_101] : memref<512x128xf32, #tpu.memory_space<vmem>> -> memref<128x128xf32, #tpu.memory_space<vmem>>
      %dma_wait3A_103 = arith.constant 0 : i32
      %dma_wait3A_104 = tpu.memref_slice %arg5[%add3A_56, %dma_wait3A_103] : memref<32x128xi32, #tpu.memory_space<vmem>> -> memref<1x128xi32, #tpu.memory_space<vmem>>
      %dma_wait3A_105 = tpu.memref_squeeze %dma_wait3A_104 : memref<1x128xi32, #tpu.memory_space<vmem>> -> memref<128xi32, #tpu.memory_space<vmem>>
      %dma_wait3A_106 = arith.constant 0 : i32
      %dma_wait3A_107 = arith.constant 0 : i32
      %dma_wait3A_108 = tpu.memref_slice %arg2[%dma_wait3A_106, %dma_wait3A_107] : memref<524288x128xf32, #tpu.memory_space<hbm>> -> memref<524288x128xf32, #tpu.memory_space<hbm>>
      tpu.wait_indirect_dma semaphore(%arg7 : memref<!tpu.dma_semaphore, #tpu.memory_space<semaphore_mem>>) src(%dma_wait3A_108 : memref<524288x128xf32, #tpu.memory_space<hbm>>) dst(%dma_wait3A_102 : memref<128x128xf32, #tpu.memory_space<vmem>>)
      %dma_wait3A_109 = arith.constant 256 : i32
      %dma_wait3A_110 = arith.constant 0 : i32
      %dma_wait3A_111 = tpu.memref_slice %arg6[%dma_wait3A_109, %dma_wait3A_110] : memref<512x128xf32, #tpu.memory_space<vmem>> -> memref<128x128xf32, #tpu.memory_space<vmem>>
      %dma_wait3A_112 = arith.constant 0 : i32
      %dma_wait3A_113 = tpu.memref_slice %arg5[%add3A_69, %dma_wait3A_112] : memref<32x128xi32, #tpu.memory_space<vmem>> -> memref<1x128xi32, #tpu.memory_space<vmem>>
      %dma_wait3A_114 = tpu.memref_squeeze %dma_wait3A_113 : memref<1x128xi32, #tpu.memory_space<vmem>> -> memref<128xi32, #tpu.memory_space<vmem>>
      %dma_wait3A_115 = arith.constant 0 : i32
      %dma_wait3A_116 = arith.constant 0 : i32
      %dma_wait3A_117 = tpu.memref_slice %arg2[%dma_wait3A_115, %dma_wait3A_116] : memref<524288x128xf32, #tpu.memory_space<hbm>> -> memref<524288x128xf32, #tpu.memory_space<hbm>>
      tpu.wait_indirect_dma semaphore(%arg7 : memref<!tpu.dma_semaphore, #tpu.memory_space<semaphore_mem>>) src(%dma_wait3A_117 : memref<524288x128xf32, #tpu.memory_space<hbm>>) dst(%dma_wait3A_111 : memref<128x128xf32, #tpu.memory_space<vmem>>)
      %dma_wait3A_118 = arith.constant 384 : i32
      %dma_wait3A_119 = arith.constant 0 : i32
      %dma_wait3A_120 = tpu.memref_slice %arg6[%dma_wait3A_118, %dma_wait3A_119] : memref<512x128xf32, #tpu.memory_space<vmem>> -> memref<128x128xf32, #tpu.memory_space<vmem>>
      %dma_wait3A_121 = arith.constant 0 : i32
      %dma_wait3A_122 = tpu.memref_slice %arg5[%add3A_82, %dma_wait3A_121] : memref<32x128xi32, #tpu.memory_space<vmem>> -> memref<1x128xi32, #tpu.memory_space<vmem>>
      %dma_wait3A_123 = tpu.memref_squeeze %dma_wait3A_122 : memref<1x128xi32, #tpu.memory_space<vmem>> -> memref<128xi32, #tpu.memory_space<vmem>>
      %dma_wait3A_124 = arith.constant 0 : i32
      %dma_wait3A_125 = arith.constant 0 : i32
      %dma_wait3A_126 = tpu.memref_slice %arg2[%dma_wait3A_124, %dma_wait3A_125] : memref<524288x128xf32, #tpu.memory_space<hbm>> -> memref<524288x128xf32, #tpu.memory_space<hbm>>
      tpu.wait_indirect_dma semaphore(%arg7 : memref<!tpu.dma_semaphore, #tpu.memory_space<semaphore_mem>>) src(%dma_wait3A_126 : memref<524288x128xf32, #tpu.memory_space<hbm>>) dst(%dma_wait3A_120 : memref<128x128xf32, #tpu.memory_space<vmem>>)
      %mul3A_127 = arith.constant 512 : i32
      %mul3A_128 = arith.muli %scan3A_40, %mul3A_127 : i32
      "tpu.region"() ({
        %run_scoped3A = tpu.sem_alloc : memref<!tpu.dma_semaphore, #tpu.memory_space<semaphore_mem>>
        %dma_start3A_129 = arith.constant 0 : i32
        %dma_start3A_130 = tpu.memref_slice %arg4[%add3A_23, %mul3A_128, %dma_start3A_129] : memref<128x4096x128xf32, #tpu.memory_space<hbm>> -> memref<1x512x128xf32, #tpu.memory_space<hbm>>
        %dma_start3A_131 = tpu.memref_squeeze %dma_start3A_130 : memref<1x512x128xf32, #tpu.memory_space<hbm>> -> memref<512x128xf32, #tpu.memory_space<hbm>>
        %dma_start3A_132 = arith.constant 0 : i32
        %dma_start3A_133 = tpu.memref_slice %arg4[%add3A_23, %mul3A_128, %dma_start3A_132] : memref<128x4096x128xf32, #tpu.memory_space<hbm>> -> memref<1x512x128xf32, #tpu.memory_space<hbm>>
        %dma_start3A_134 = tpu.memref_squeeze %dma_start3A_133 : memref<1x512x128xf32, #tpu.memory_space<hbm>> -> memref<512x128xf32, #tpu.memory_space<hbm>>
        tpu.enqueue_dma source(%arg6 : memref<512x128xf32, #tpu.memory_space<vmem>>) target(%dma_start3A_134 : memref<512x128xf32, #tpu.memory_space<hbm>>) target_semaphore(%run_scoped3A : memref<!tpu.dma_semaphore, #tpu.memory_space<semaphore_mem>>)
        %dma_wait3A_135 = arith.constant 0 : i32
        %dma_wait3A_136 = tpu.memref_slice %arg4[%add3A_23, %mul3A_128, %dma_wait3A_135] : memref<128x4096x128xf32, #tpu.memory_space<hbm>> -> memref<1x512x128xf32, #tpu.memory_space<hbm>>
        %dma_wait3A_137 = tpu.memref_squeeze %dma_wait3A_136 : memref<1x512x128xf32, #tpu.memory_space<hbm>> -> memref<512x128xf32, #tpu.memory_space<hbm>>
        %dma_wait3A_138 = arith.constant 0 : i32
        %dma_wait3A_139 = tpu.memref_slice %arg4[%add3A_23, %mul3A_128, %dma_wait3A_138] : memref<128x4096x128xf32, #tpu.memory_space<hbm>> -> memref<1x512x128xf32, #tpu.memory_space<hbm>>
        %dma_wait3A_140 = tpu.memref_squeeze %dma_wait3A_139 : memref<1x512x128xf32, #tpu.memory_space<hbm>> -> memref<512x128xf32, #tpu.memory_space<hbm>>
        tpu.wait_dma2 semaphore(%run_scoped3A : memref<!tpu.dma_semaphore, #tpu.memory_space<semaphore_mem>>) src(%arg6 : memref<512x128xf32, #tpu.memory_space<vmem>>) dst(%dma_wait3A_140 : memref<512x128xf32, #tpu.memory_space<hbm>>)
        tpu.yield
      }) : () -> ()
    }
    %scan3A_29 = arith.constant 8 : i32
    %mul3A_30 = arith.constant 4 : i32
    %mul3A_31 = arith.muli %add3A, %mul3A_30 : i32
    %add3A_32 = arith.constant 3 : i32
    %add3A_33 = arith.addi %mul3A_31, %add3A_32 : i32
    "tpu.region"() ({
      %run_scoped3A = tpu.sem_alloc : memref<!tpu.dma_semaphore, #tpu.memory_space<semaphore_mem>>
      %dma_start3A = arith.constant 0 : i32
      %dma_start3A_40 = arith.constant 0 : i32
      %dma_start3A_41 = tpu.memref_slice %arg3[%add3A_33, %dma_start3A, %dma_start3A_40] : memref<128x32x128xi32, #tpu.memory_space<hbm>> -> memref<1x32x128xi32, #tpu.memory_space<hbm>>
      %dma_start3A_42 = tpu.memref_squeeze %dma_start3A_41 : memref<1x32x128xi32, #tpu.memory_space<hbm>> -> memref<32x128xi32, #tpu.memory_space<hbm>>
      %dma_start3A_43 = arith.constant 0 : i32
      %dma_start3A_44 = arith.constant 0 : i32
      %dma_start3A_45 = tpu.memref_slice %arg3[%add3A_33, %dma_start3A_43, %dma_start3A_44] : memref<128x32x128xi32, #tpu.memory_space<hbm>> -> memref<1x32x128xi32, #tpu.memory_space<hbm>>
      %dma_start3A_46 = tpu.memref_squeeze %dma_start3A_45 : memref<1x32x128xi32, #tpu.memory_space<hbm>> -> memref<32x128xi32, #tpu.memory_space<hbm>>
      tpu.enqueue_dma source(%dma_start3A_46 : memref<32x128xi32, #tpu.memory_space<hbm>>) target(%arg5 : memref<32x128xi32, #tpu.memory_space<vmem>>) target_semaphore(%run_scoped3A : memref<!tpu.dma_semaphore, #tpu.memory_space<semaphore_mem>>)
      %dma_wait3A = arith.constant 0 : i32
      %dma_wait3A_47 = arith.constant 0 : i32
      %dma_wait3A_48 = tpu.memref_slice %arg3[%add3A_33, %dma_wait3A, %dma_wait3A_47] : memref<128x32x128xi32, #tpu.memory_space<hbm>> -> memref<1x32x128xi32, #tpu.memory_space<hbm>>
      %dma_wait3A_49 = tpu.memref_squeeze %dma_wait3A_48 : memref<1x32x128xi32, #tpu.memory_space<hbm>> -> memref<32x128xi32, #tpu.memory_space<hbm>>
      %dma_wait3A_50 = arith.constant 0 : i32
      %dma_wait3A_51 = arith.constant 0 : i32
      %dma_wait3A_52 = tpu.memref_slice %arg3[%add3A_33, %dma_wait3A_50, %dma_wait3A_51] : memref<128x32x128xi32, #tpu.memory_space<hbm>> -> memref<1x32x128xi32, #tpu.memory_space<hbm>>
      %dma_wait3A_53 = tpu.memref_squeeze %dma_wait3A_52 : memref<1x32x128xi32, #tpu.memory_space<hbm>> -> memref<32x128xi32, #tpu.memory_space<hbm>>
      tpu.wait_dma2 semaphore(%run_scoped3A : memref<!tpu.dma_semaphore, #tpu.memory_space<semaphore_mem>>) src(%dma_wait3A_53 : memref<32x128xi32, #tpu.memory_space<hbm>>) dst(%arg5 : memref<32x128xi32, #tpu.memory_space<vmem>>)
      tpu.yield
    }) : () -> ()
    %scan3A_34 = arith.constant 0 : i32
    %scan3A_35 = arith.constant 0 : i32
    %scan3A_36 = arith.constant 8 : i32
    %scan3A_37 = arith.addi %scan3A_35, %scan3A_36 : i32
    %scan3A_38 = arith.constant 1 : i32
    scf.for %scan3A_40 = %scan3A_35 to %scan3A_37 step %scan3A_38  : i32 {
      %mul3A_41 = arith.constant 4 : i32
      %mul3A_42 = arith.muli %scan3A_40, %mul3A_41 : i32
      %add3A_43 = arith.constant 0 : i32
      %add3A_44 = arith.addi %mul3A_42, %add3A_43 : i32
      %dma_start3A = arith.constant 0 : i32
      %dma_start3A_45 = arith.constant 0 : i32
      %dma_start3A_46 = tpu.memref_slice %arg6[%dma_start3A, %dma_start3A_45] : memref<512x128xf32, #tpu.memory_space<vmem>> -> memref<128x128xf32, #tpu.memory_space<vmem>>
      %dma_start3A_47 = arith.constant 0 : i32
      %dma_start3A_48 = tpu.memref_slice %arg5[%add3A_44, %dma_start3A_47] : memref<32x128xi32, #tpu.memory_space<vmem>> -> memref<1x128xi32, #tpu.memory_space<vmem>>
      %dma_start3A_49 = tpu.memref_squeeze %dma_start3A_48 : memref<1x128xi32, #tpu.memory_space<vmem>> -> memref<128xi32, #tpu.memory_space<vmem>>
      %dma_start3A_50 = arith.constant 0 : i32
      %dma_start3A_51 = arith.constant 0 : i32
      %dma_start3A_52 = tpu.memref_slice %arg2[%dma_start3A_50, %dma_start3A_51] : memref<524288x128xf32, #tpu.memory_space<hbm>> -> memref<524288x128xf32, #tpu.memory_space<hbm>>
      tpu.enqueue_indirect_dma source(%dma_start3A_52 : memref<524288x128xf32, #tpu.memory_space<hbm>>) target(%dma_start3A_46 : memref<128x128xf32, #tpu.memory_space<vmem>>) offsets(%dma_start3A_49 : memref<128xi32, #tpu.memory_space<vmem>>) semaphore(%arg7 : memref<!tpu.dma_semaphore, #tpu.memory_space<semaphore_mem>>)
      %mul3A_53 = arith.constant 4 : i32
      %mul3A_54 = arith.muli %scan3A_40, %mul3A_53 : i32
      %add3A_55 = arith.constant 1 : i32
      %add3A_56 = arith.addi %mul3A_54, %add3A_55 : i32
      %dma_start3A_57 = arith.constant 128 : i32
      %dma_start3A_58 = arith.constant 0 : i32
      %dma_start3A_59 = tpu.memref_slice %arg6[%dma_start3A_57, %dma_start3A_58] : memref<512x128xf32, #tpu.memory_space<vmem>> -> memref<128x128xf32, #tpu.memory_space<vmem>>
      %dma_start3A_60 = arith.constant 0 : i32
      %dma_start3A_61 = tpu.memref_slice %arg5[%add3A_56, %dma_start3A_60] : memref<32x128xi32, #tpu.memory_space<vmem>> -> memref<1x128xi32, #tpu.memory_space<vmem>>
      %dma_start3A_62 = tpu.memref_squeeze %dma_start3A_61 : memref<1x128xi32, #tpu.memory_space<vmem>> -> memref<128xi32, #tpu.memory_space<vmem>>
      %dma_start3A_63 = arith.constant 0 : i32
      %dma_start3A_64 = arith.constant 0 : i32
      %dma_start3A_65 = tpu.memref_slice %arg2[%dma_start3A_63, %dma_start3A_64] : memref<524288x128xf32, #tpu.memory_space<hbm>> -> memref<524288x128xf32, #tpu.memory_space<hbm>>
      tpu.enqueue_indirect_dma source(%dma_start3A_65 : memref<524288x128xf32, #tpu.memory_space<hbm>>) target(%dma_start3A_59 : memref<128x128xf32, #tpu.memory_space<vmem>>) offsets(%dma_start3A_62 : memref<128xi32, #tpu.memory_space<vmem>>) semaphore(%arg7 : memref<!tpu.dma_semaphore, #tpu.memory_space<semaphore_mem>>)
      %mul3A_66 = arith.constant 4 : i32
      %mul3A_67 = arith.muli %scan3A_40, %mul3A_66 : i32
      %add3A_68 = arith.constant 2 : i32
      %add3A_69 = arith.addi %mul3A_67, %add3A_68 : i32
      %dma_start3A_70 = arith.constant 256 : i32
      %dma_start3A_71 = arith.constant 0 : i32
      %dma_start3A_72 = tpu.memref_slice %arg6[%dma_start3A_70, %dma_start3A_71] : memref<512x128xf32, #tpu.memory_space<vmem>> -> memref<128x128xf32, #tpu.memory_space<vmem>>
      %dma_start3A_73 = arith.constant 0 : i32
      %dma_start3A_74 = tpu.memref_slice %arg5[%add3A_69, %dma_start3A_73] : memref<32x128xi32, #tpu.memory_space<vmem>> -> memref<1x128xi32, #tpu.memory_space<vmem>>
      %dma_start3A_75 = tpu.memref_squeeze %dma_start3A_74 : memref<1x128xi32, #tpu.memory_space<vmem>> -> memref<128xi32, #tpu.memory_space<vmem>>
      %dma_start3A_76 = arith.constant 0 : i32
      %dma_start3A_77 = arith.constant 0 : i32
      %dma_start3A_78 = tpu.memref_slice %arg2[%dma_start3A_76, %dma_start3A_77] : memref<524288x128xf32, #tpu.memory_space<hbm>> -> memref<524288x128xf32, #tpu.memory_space<hbm>>
      tpu.enqueue_indirect_dma source(%dma_start3A_78 : memref<524288x128xf32, #tpu.memory_space<hbm>>) target(%dma_start3A_72 : memref<128x128xf32, #tpu.memory_space<vmem>>) offsets(%dma_start3A_75 : memref<128xi32, #tpu.memory_space<vmem>>) semaphore(%arg7 : memref<!tpu.dma_semaphore, #tpu.memory_space<semaphore_mem>>)
      %mul3A_79 = arith.constant 4 : i32
      %mul3A_80 = arith.muli %scan3A_40, %mul3A_79 : i32
      %add3A_81 = arith.constant 3 : i32
      %add3A_82 = arith.addi %mul3A_80, %add3A_81 : i32
      %dma_start3A_83 = arith.constant 384 : i32
      %dma_start3A_84 = arith.constant 0 : i32
      %dma_start3A_85 = tpu.memref_slice %arg6[%dma_start3A_83, %dma_start3A_84] : memref<512x128xf32, #tpu.memory_space<vmem>> -> memref<128x128xf32, #tpu.memory_space<vmem>>
      %dma_start3A_86 = arith.constant 0 : i32
      %dma_start3A_87 = tpu.memref_slice %arg5[%add3A_82, %dma_start3A_86] : memref<32x128xi32, #tpu.memory_space<vmem>> -> memref<1x128xi32, #tpu.memory_space<vmem>>
      %dma_start3A_88 = tpu.memref_squeeze %dma_start3A_87 : memref<1x128xi32, #tpu.memory_space<vmem>> -> memref<128xi32, #tpu.memory_space<vmem>>
      %dma_start3A_89 = arith.constant 0 : i32
      %dma_start3A_90 = arith.constant 0 : i32
      %dma_start3A_91 = tpu.memref_slice %arg2[%dma_start3A_89, %dma_start3A_90] : memref<524288x128xf32, #tpu.memory_space<hbm>> -> memref<524288x128xf32, #tpu.memory_space<hbm>>
      tpu.enqueue_indirect_dma source(%dma_start3A_91 : memref<524288x128xf32, #tpu.memory_space<hbm>>) target(%dma_start3A_85 : memref<128x128xf32, #tpu.memory_space<vmem>>) offsets(%dma_start3A_88 : memref<128xi32, #tpu.memory_space<vmem>>) semaphore(%arg7 : memref<!tpu.dma_semaphore, #tpu.memory_space<semaphore_mem>>)
      %dma_wait3A = arith.constant 0 : i32
      %dma_wait3A_92 = arith.constant 0 : i32
      %dma_wait3A_93 = tpu.memref_slice %arg6[%dma_wait3A, %dma_wait3A_92] : memref<512x128xf32, #tpu.memory_space<vmem>> -> memref<128x128xf32, #tpu.memory_space<vmem>>
      %dma_wait3A_94 = arith.constant 0 : i32
      %dma_wait3A_95 = tpu.memref_slice %arg5[%add3A_44, %dma_wait3A_94] : memref<32x128xi32, #tpu.memory_space<vmem>> -> memref<1x128xi32, #tpu.memory_space<vmem>>
      %dma_wait3A_96 = tpu.memref_squeeze %dma_wait3A_95 : memref<1x128xi32, #tpu.memory_space<vmem>> -> memref<128xi32, #tpu.memory_space<vmem>>
      %dma_wait3A_97 = arith.constant 0 : i32
      %dma_wait3A_98 = arith.constant 0 : i32
      %dma_wait3A_99 = tpu.memref_slice %arg2[%dma_wait3A_97, %dma_wait3A_98] : memref<524288x128xf32, #tpu.memory_space<hbm>> -> memref<524288x128xf32, #tpu.memory_space<hbm>>
      tpu.wait_indirect_dma semaphore(%arg7 : memref<!tpu.dma_semaphore, #tpu.memory_space<semaphore_mem>>) src(%dma_wait3A_99 : memref<524288x128xf32, #tpu.memory_space<hbm>>) dst(%dma_wait3A_93 : memref<128x128xf32, #tpu.memory_space<vmem>>)
      %dma_wait3A_100 = arith.constant 128 : i32
      %dma_wait3A_101 = arith.constant 0 : i32
      %dma_wait3A_102 = tpu.memref_slice %arg6[%dma_wait3A_100, %dma_wait3A_101] : memref<512x128xf32, #tpu.memory_space<vmem>> -> memref<128x128xf32, #tpu.memory_space<vmem>>
      %dma_wait3A_103 = arith.constant 0 : i32
      %dma_wait3A_104 = tpu.memref_slice %arg5[%add3A_56, %dma_wait3A_103] : memref<32x128xi32, #tpu.memory_space<vmem>> -> memref<1x128xi32, #tpu.memory_space<vmem>>
      %dma_wait3A_105 = tpu.memref_squeeze %dma_wait3A_104 : memref<1x128xi32, #tpu.memory_space<vmem>> -> memref<128xi32, #tpu.memory_space<vmem>>
      %dma_wait3A_106 = arith.constant 0 : i32
      %dma_wait3A_107 = arith.constant 0 : i32
      %dma_wait3A_108 = tpu.memref_slice %arg2[%dma_wait3A_106, %dma_wait3A_107] : memref<524288x128xf32, #tpu.memory_space<hbm>> -> memref<524288x128xf32, #tpu.memory_space<hbm>>
      tpu.wait_indirect_dma semaphore(%arg7 : memref<!tpu.dma_semaphore, #tpu.memory_space<semaphore_mem>>) src(%dma_wait3A_108 : memref<524288x128xf32, #tpu.memory_space<hbm>>) dst(%dma_wait3A_102 : memref<128x128xf32, #tpu.memory_space<vmem>>)
      %dma_wait3A_109 = arith.constant 256 : i32
      %dma_wait3A_110 = arith.constant 0 : i32
      %dma_wait3A_111 = tpu.memref_slice %arg6[%dma_wait3A_109, %dma_wait3A_110] : memref<512x128xf32, #tpu.memory_space<vmem>> -> memref<128x128xf32, #tpu.memory_space<vmem>>
      %dma_wait3A_112 = arith.constant 0 : i32
      %dma_wait3A_113 = tpu.memref_slice %arg5[%add3A_69, %dma_wait3A_112] : memref<32x128xi32, #tpu.memory_space<vmem>> -> memref<1x128xi32, #tpu.memory_space<vmem>>
      %dma_wait3A_114 = tpu.memref_squeeze %dma_wait3A_113 : memref<1x128xi32, #tpu.memory_space<vmem>> -> memref<128xi32, #tpu.memory_space<vmem>>
      %dma_wait3A_115 = arith.constant 0 : i32
      %dma_wait3A_116 = arith.constant 0 : i32
      %dma_wait3A_117 = tpu.memref_slice %arg2[%dma_wait3A_115, %dma_wait3A_116] : memref<524288x128xf32, #tpu.memory_space<hbm>> -> memref<524288x128xf32, #tpu.memory_space<hbm>>
      tpu.wait_indirect_dma semaphore(%arg7 : memref<!tpu.dma_semaphore, #tpu.memory_space<semaphore_mem>>) src(%dma_wait3A_117 : memref<524288x128xf32, #tpu.memory_space<hbm>>) dst(%dma_wait3A_111 : memref<128x128xf32, #tpu.memory_space<vmem>>)
      %dma_wait3A_118 = arith.constant 384 : i32
      %dma_wait3A_119 = arith.constant 0 : i32
      %dma_wait3A_120 = tpu.memref_slice %arg6[%dma_wait3A_118, %dma_wait3A_119] : memref<512x128xf32, #tpu.memory_space<vmem>> -> memref<128x128xf32, #tpu.memory_space<vmem>>
      %dma_wait3A_121 = arith.constant 0 : i32
      %dma_wait3A_122 = tpu.memref_slice %arg5[%add3A_82, %dma_wait3A_121] : memref<32x128xi32, #tpu.memory_space<vmem>> -> memref<1x128xi32, #tpu.memory_space<vmem>>
      %dma_wait3A_123 = tpu.memref_squeeze %dma_wait3A_122 : memref<1x128xi32, #tpu.memory_space<vmem>> -> memref<128xi32, #tpu.memory_space<vmem>>
      %dma_wait3A_124 = arith.constant 0 : i32
      %dma_wait3A_125 = arith.constant 0 : i32
      %dma_wait3A_126 = tpu.memref_slice %arg2[%dma_wait3A_124, %dma_wait3A_125] : memref<524288x128xf32, #tpu.memory_space<hbm>> -> memref<524288x128xf32, #tpu.memory_space<hbm>>
      tpu.wait_indirect_dma semaphore(%arg7 : memref<!tpu.dma_semaphore, #tpu.memory_space<semaphore_mem>>) src(%dma_wait3A_126 : memref<524288x128xf32, #tpu.memory_space<hbm>>) dst(%dma_wait3A_120 : memref<128x128xf32, #tpu.memory_space<vmem>>)
      %mul3A_127 = arith.constant 512 : i32
      %mul3A_128 = arith.muli %scan3A_40, %mul3A_127 : i32
      "tpu.region"() ({
        %run_scoped3A = tpu.sem_alloc : memref<!tpu.dma_semaphore, #tpu.memory_space<semaphore_mem>>
        %dma_start3A_129 = arith.constant 0 : i32
        %dma_start3A_130 = tpu.memref_slice %arg4[%add3A_33, %mul3A_128, %dma_start3A_129] : memref<128x4096x128xf32, #tpu.memory_space<hbm>> -> memref<1x512x128xf32, #tpu.memory_space<hbm>>
        %dma_start3A_131 = tpu.memref_squeeze %dma_start3A_130 : memref<1x512x128xf32, #tpu.memory_space<hbm>> -> memref<512x128xf32, #tpu.memory_space<hbm>>
        %dma_start3A_132 = arith.constant 0 : i32
        %dma_start3A_133 = tpu.memref_slice %arg4[%add3A_33, %mul3A_128, %dma_start3A_132] : memref<128x4096x128xf32, #tpu.memory_space<hbm>> -> memref<1x512x128xf32, #tpu.memory_space<hbm>>
        %dma_start3A_134 = tpu.memref_squeeze %dma_start3A_133 : memref<1x512x128xf32, #tpu.memory_space<hbm>> -> memref<512x128xf32, #tpu.memory_space<hbm>>
        tpu.enqueue_dma source(%arg6 : memref<512x128xf32, #tpu.memory_space<vmem>>) target(%dma_start3A_134 : memref<512x128xf32, #tpu.memory_space<hbm>>) target_semaphore(%run_scoped3A : memref<!tpu.dma_semaphore, #tpu.memory_space<semaphore_mem>>)
        %dma_wait3A_135 = arith.constant 0 : i32
        %dma_wait3A_136 = tpu.memref_slice %arg4[%add3A_33, %mul3A_128, %dma_wait3A_135] : memref<128x4096x128xf32, #tpu.memory_space<hbm>> -> memref<1x512x128xf32, #tpu.memory_space<hbm>>
        %dma_wait3A_137 = tpu.memref_squeeze %dma_wait3A_136 : memref<1x512x128xf32, #tpu.memory_space<hbm>> -> memref<512x128xf32, #tpu.memory_space<hbm>>
        %dma_wait3A_138 = arith.constant 0 : i32
        %dma_wait3A_139 = tpu.memref_slice %arg4[%add3A_33, %mul3A_128, %dma_wait3A_138] : memref<128x4096x128xf32, #tpu.memory_space<hbm>> -> memref<1x512x128xf32, #tpu.memory_space<hbm>>
        %dma_wait3A_140 = tpu.memref_squeeze %dma_wait3A_139 : memref<1x512x128xf32, #tpu.memory_space<hbm>> -> memref<512x128xf32, #tpu.memory_space<hbm>>
        tpu.wait_dma2 semaphore(%run_scoped3A : memref<!tpu.dma_semaphore, #tpu.memory_space<semaphore_mem>>) src(%arg6 : memref<512x128xf32, #tpu.memory_space<vmem>>) dst(%dma_wait3A_140 : memref<512x128xf32, #tpu.memory_space<hbm>>)
        tpu.yield
      }) : () -> ()
    }
    %scan3A_39 = arith.constant 8 : i32
    return
  }
}

#map = affine_map<(d0, d1) -> (0, 0, 0)>
#map1 = affine_map<(d0, d1) -> (0, 0)>
module attributes {stable_mosaic.version = 14 : i64} {
  func.func @_sc_scatter(%arg0: i32, %arg1: i32, %arg2: memref<16x4096x128xf32, #tpu.memory_space<hbm>>, %arg3: memref<128x32x128xi32, #tpu.memory_space<hbm>>, %arg4: memref<128x4096xi32, #tpu.memory_space<hbm>>, %arg5: memref<524288x128xf32, #tpu.memory_space<hbm>>, %arg6: memref<128x4096xi32, #tpu.memory_space<hbm>>, %arg7: memref<32x128xi32, #tpu.memory_space<vmem>>, %arg8: memref<4096xi32, #tpu.memory_space<vmem>>, %arg9: memref<4096xi32, #tpu.memory_space<vmem>>, %arg10: memref<512x128xf32, #tpu.memory_space<vmem>>, %arg11: memref<!tpu.dma_semaphore, #tpu.memory_space<semaphore_mem>>) attributes {dimension_semantics = [#tpu.dimension_semantics<core_parallel>, #tpu.dimension_semantics<subcore_parallel>], iteration_bounds = array<i64: 2, 16>, scalar_prefetch = 0 : i64, scratch_operands = 5 : i64, tpu.core_type = #tpu.core_type<sc_vector_subcore>, window_params = [{transform_indices = #map}, {transform_indices = #map}, {transform_indices = #map1}, {transform_indices = #map1}, {transform_indices = #map1}]} {
    %mul3A = arith.constant 2 : i32
    %mul3A_0 = arith.muli %arg1, %mul3A : i32
    %add3A = arith.addi %mul3A_0, %arg0 : i32
    %mul3A_1 = arith.constant 4 : i32
    %mul3A_2 = arith.muli %add3A, %mul3A_1 : i32
    %add3A_3 = arith.constant 0 : i32
    %add3A_4 = arith.addi %mul3A_2, %add3A_3 : i32
    %jit3A = arith.constant 8 : i32
    %div3A = arith.divsi %add3A_4, %jit3A : i32
    %sign3A = arith.constant 0 : i32
    %sign3A_5 = arith.cmpi sgt, %add3A_4, %sign3A : i32
    %sign3A_6 = arith.extui %sign3A_5 : i1 to i32
    %sign3A_7 = arith.constant 0 : i32
    %sign3A_8 = arith.cmpi slt, %add3A_4, %sign3A_7 : i32
    %sign3A_9 = arith.extui %sign3A_8 : i1 to i32
    %sign3A_10 = arith.subi %sign3A_6, %sign3A_9 : i32
    %sign3A_11 = arith.constant 0 : i32
    %sign3A_12 = arith.cmpi sgt, %jit3A, %sign3A_11 : i32
    %sign3A_13 = arith.extui %sign3A_12 : i1 to i32
    %sign3A_14 = arith.constant 0 : i32
    %sign3A_15 = arith.cmpi slt, %jit3A, %sign3A_14 : i32
    %sign3A_16 = arith.extui %sign3A_15 : i1 to i32
    %sign3A_17 = arith.subi %sign3A_13, %sign3A_16 : i32
    %ne3A = arith.cmpi ne, %sign3A_10, %sign3A_17 : i32
    %rem3A = arith.remsi %add3A_4, %jit3A : i32
    %ne3A_18 = arith.constant 0 : i32
    %ne3A_19 = arith.cmpi ne, %rem3A, %ne3A_18 : i32
    %and3A = arith.andi %ne3A, %ne3A_19 : i1
    %sub3A = arith.constant 1 : i32
    %sub3A_20 = arith.subi %div3A, %sub3A : i32
    %select_n3A = arith.select %and3A, %sub3A_20, %div3A : i32
    "tpu.region"() ({
      %run_scoped3A = tpu.sem_alloc : memref<!tpu.dma_semaphore, #tpu.memory_space<semaphore_mem>>
      %dma_start3A = arith.constant 0 : i32
      %dma_start3A_152 = arith.constant 0 : i32
      %dma_start3A_153 = tpu.memref_slice %arg3[%add3A_4, %dma_start3A, %dma_start3A_152] : memref<128x32x128xi32, #tpu.memory_space<hbm>> -> memref<1x32x128xi32, #tpu.memory_space<hbm>>
      %dma_start3A_154 = tpu.memref_squeeze %dma_start3A_153 : memref<1x32x128xi32, #tpu.memory_space<hbm>> -> memref<32x128xi32, #tpu.memory_space<hbm>>
      %dma_start3A_155 = arith.constant 0 : i32
      %dma_start3A_156 = arith.constant 0 : i32
      %dma_start3A_157 = tpu.memref_slice %arg3[%add3A_4, %dma_start3A_155, %dma_start3A_156] : memref<128x32x128xi32, #tpu.memory_space<hbm>> -> memref<1x32x128xi32, #tpu.memory_space<hbm>>
      %dma_start3A_158 = tpu.memref_squeeze %dma_start3A_157 : memref<1x32x128xi32, #tpu.memory_space<hbm>> -> memref<32x128xi32, #tpu.memory_space<hbm>>
      tpu.enqueue_dma source(%dma_start3A_158 : memref<32x128xi32, #tpu.memory_space<hbm>>) target(%arg7 : memref<32x128xi32, #tpu.memory_space<vmem>>) target_semaphore(%run_scoped3A : memref<!tpu.dma_semaphore, #tpu.memory_space<semaphore_mem>>)
      %dma_wait3A = arith.constant 0 : i32
      %dma_wait3A_159 = arith.constant 0 : i32
      %dma_wait3A_160 = tpu.memref_slice %arg3[%add3A_4, %dma_wait3A, %dma_wait3A_159] : memref<128x32x128xi32, #tpu.memory_space<hbm>> -> memref<1x32x128xi32, #tpu.memory_space<hbm>>
      %dma_wait3A_161 = tpu.memref_squeeze %dma_wait3A_160 : memref<1x32x128xi32, #tpu.memory_space<hbm>> -> memref<32x128xi32, #tpu.memory_space<hbm>>
      %dma_wait3A_162 = arith.constant 0 : i32
      %dma_wait3A_163 = arith.constant 0 : i32
      %dma_wait3A_164 = tpu.memref_slice %arg3[%add3A_4, %dma_wait3A_162, %dma_wait3A_163] : memref<128x32x128xi32, #tpu.memory_space<hbm>> -> memref<1x32x128xi32, #tpu.memory_space<hbm>>
      %dma_wait3A_165 = tpu.memref_squeeze %dma_wait3A_164 : memref<1x32x128xi32, #tpu.memory_space<hbm>> -> memref<32x128xi32, #tpu.memory_space<hbm>>
      tpu.wait_dma2 semaphore(%run_scoped3A : memref<!tpu.dma_semaphore, #tpu.memory_space<semaphore_mem>>) src(%dma_wait3A_165 : memref<32x128xi32, #tpu.memory_space<hbm>>) dst(%arg7 : memref<32x128xi32, #tpu.memory_space<vmem>>)
      tpu.yield
    }) : () -> ()
    "tpu.region"() ({
      %run_scoped3A = tpu.sem_alloc : memref<!tpu.dma_semaphore, #tpu.memory_space<semaphore_mem>>
      %dma_start3A = arith.constant 0 : i32
      %dma_start3A_152 = tpu.memref_slice %arg4[%add3A_4, %dma_start3A] : memref<128x4096xi32, #tpu.memory_space<hbm>> -> memref<1x4096xi32, #tpu.memory_space<hbm>>
      %dma_start3A_153 = tpu.memref_squeeze %dma_start3A_152 : memref<1x4096xi32, #tpu.memory_space<hbm>> -> memref<4096xi32, #tpu.memory_space<hbm>>
      %dma_start3A_154 = arith.constant 0 : i32
      %dma_start3A_155 = tpu.memref_slice %arg4[%add3A_4, %dma_start3A_154] : memref<128x4096xi32, #tpu.memory_space<hbm>> -> memref<1x4096xi32, #tpu.memory_space<hbm>>
      %dma_start3A_156 = tpu.memref_squeeze %dma_start3A_155 : memref<1x4096xi32, #tpu.memory_space<hbm>> -> memref<4096xi32, #tpu.memory_space<hbm>>
      tpu.enqueue_dma source(%dma_start3A_156 : memref<4096xi32, #tpu.memory_space<hbm>>) target(%arg8 : memref<4096xi32, #tpu.memory_space<vmem>>) target_semaphore(%run_scoped3A : memref<!tpu.dma_semaphore, #tpu.memory_space<semaphore_mem>>)
      %dma_wait3A = arith.constant 0 : i32
      %dma_wait3A_157 = tpu.memref_slice %arg4[%add3A_4, %dma_wait3A] : memref<128x4096xi32, #tpu.memory_space<hbm>> -> memref<1x4096xi32, #tpu.memory_space<hbm>>
      %dma_wait3A_158 = tpu.memref_squeeze %dma_wait3A_157 : memref<1x4096xi32, #tpu.memory_space<hbm>> -> memref<4096xi32, #tpu.memory_space<hbm>>
      %dma_wait3A_159 = arith.constant 0 : i32
      %dma_wait3A_160 = tpu.memref_slice %arg4[%add3A_4, %dma_wait3A_159] : memref<128x4096xi32, #tpu.memory_space<hbm>> -> memref<1x4096xi32, #tpu.memory_space<hbm>>
      %dma_wait3A_161 = tpu.memref_squeeze %dma_wait3A_160 : memref<1x4096xi32, #tpu.memory_space<hbm>> -> memref<4096xi32, #tpu.memory_space<hbm>>
      tpu.wait_dma2 semaphore(%run_scoped3A : memref<!tpu.dma_semaphore, #tpu.memory_space<semaphore_mem>>) src(%dma_wait3A_161 : memref<4096xi32, #tpu.memory_space<hbm>>) dst(%arg8 : memref<4096xi32, #tpu.memory_space<vmem>>)
      tpu.yield
    }) : () -> ()
    %scan3A = arith.constant 0 : i32
    %scan3A_21 = arith.constant 0 : i32
    %scan3A_22 = arith.constant 256 : i32
    %scan3A_23 = arith.addi %scan3A_21, %scan3A_22 : i32
    %scan3A_24 = arith.constant 1 : i32
    scf.for %scan3A_152 = %scan3A_21 to %scan3A_23 step %scan3A_24  : i32 {
      %mul3A_153 = arith.constant 16 : i32
      %mul3A_154 = arith.muli %scan3A_152, %mul3A_153 : i32
      %get3A = arith.index_cast %mul3A_154 : i32 to index
      %get3A_155 = tpu.vector_load %arg8[%get3A] {strides = array<i32>} : memref<4096xi32, #tpu.memory_space<vmem>>, vector<16xi32>,
      %iota3A = tpu.iota {dimensions = array<i32: 0>} : vector<16xi32>
      %mul3A_156 = arith.constant 16 : i32
      %mul3A_157 = arith.muli %scan3A_152, %mul3A_156 : i32
      %add3A_158 = vector.broadcast %mul3A_157 : i32 to vector<16xi32>
      %add3A_159 = arith.addi %iota3A, %add3A_158 : vector<16xi32>
      tpu.vector_store_idx %arg9[%get3A_155], %add3A_159 : memref<4096xi32, #tpu.memory_space<vmem>>[vector<16xi32>], vector<16xi32>,
    }
    %scan3A_25 = arith.constant 256 : i32
    "tpu.region"() ({
      %run_scoped3A = tpu.sem_alloc : memref<!tpu.dma_semaphore, #tpu.memory_space<semaphore_mem>>
      %dma_start3A = arith.constant 0 : i32
      %dma_start3A_152 = tpu.memref_slice %arg6[%add3A_4, %dma_start3A] : memref<128x4096xi32, #tpu.memory_space<hbm>> -> memref<1x4096xi32, #tpu.memory_space<hbm>>
      %dma_start3A_153 = tpu.memref_squeeze %dma_start3A_152 : memref<1x4096xi32, #tpu.memory_space<hbm>> -> memref<4096xi32, #tpu.memory_space<hbm>>
      %dma_start3A_154 = arith.constant 0 : i32
      %dma_start3A_155 = tpu.memref_slice %arg6[%add3A_4, %dma_start3A_154] : memref<128x4096xi32, #tpu.memory_space<hbm>> -> memref<1x4096xi32, #tpu.memory_space<hbm>>
      %dma_start3A_156 = tpu.memref_squeeze %dma_start3A_155 : memref<1x4096xi32, #tpu.memory_space<hbm>> -> memref<4096xi32, #tpu.memory_space<hbm>>
      tpu.enqueue_dma source(%arg9 : memref<4096xi32, #tpu.memory_space<vmem>>) target(%dma_start3A_156 : memref<4096xi32, #tpu.memory_space<hbm>>) target_semaphore(%run_scoped3A : memref<!tpu.dma_semaphore, #tpu.memory_space<semaphore_mem>>)
      %dma_wait3A = arith.constant 0 : i32
      %dma_wait3A_157 = tpu.memref_slice %arg6[%add3A_4, %dma_wait3A] : memref<128x4096xi32, #tpu.memory_space<hbm>> -> memref<1x4096xi32, #tpu.memory_space<hbm>>
      %dma_wait3A_158 = tpu.memref_squeeze %dma_wait3A_157 : memref<1x4096xi32, #tpu.memory_space<hbm>> -> memref<4096xi32, #tpu.memory_space<hbm>>
      %dma_wait3A_159 = arith.constant 0 : i32
      %dma_wait3A_160 = tpu.memref_slice %arg6[%add3A_4, %dma_wait3A_159] : memref<128x4096xi32, #tpu.memory_space<hbm>> -> memref<1x4096xi32, #tpu.memory_space<hbm>>
      %dma_wait3A_161 = tpu.memref_squeeze %dma_wait3A_160 : memref<1x4096xi32, #tpu.memory_space<hbm>> -> memref<4096xi32, #tpu.memory_space<hbm>>
      tpu.wait_dma2 semaphore(%run_scoped3A : memref<!tpu.dma_semaphore, #tpu.memory_space<semaphore_mem>>) src(%arg9 : memref<4096xi32, #tpu.memory_space<vmem>>) dst(%dma_wait3A_161 : memref<4096xi32, #tpu.memory_space<hbm>>)
      tpu.yield
    }) : () -> ()
    %scan3A_26 = arith.constant 0 : i32
    %scan3A_27 = arith.constant 0 : i32
    %scan3A_28 = arith.constant 8 : i32
    %scan3A_29 = arith.addi %scan3A_27, %scan3A_28 : i32
    %scan3A_30 = arith.constant 1 : i32
    scf.for %scan3A_152 = %scan3A_27 to %scan3A_29 step %scan3A_30  : i32 {
      %mul3A_153 = arith.constant 512 : i32
      %mul3A_154 = arith.muli %scan3A_152, %mul3A_153 : i32
      "tpu.region"() ({
        %run_scoped3A = tpu.sem_alloc : memref<!tpu.dma_semaphore, #tpu.memory_space<semaphore_mem>>
        %dma_start3A_241 = arith.constant 0 : i32
        %dma_start3A_242 = tpu.memref_slice %arg2[%select_n3A, %mul3A_154, %dma_start3A_241] : memref<16x4096x128xf32, #tpu.memory_space<hbm>> -> memref<1x512x128xf32, #tpu.memory_space<hbm>>
        %dma_start3A_243 = tpu.memref_squeeze %dma_start3A_242 : memref<1x512x128xf32, #tpu.memory_space<hbm>> -> memref<512x128xf32, #tpu.memory_space<hbm>>
        %dma_start3A_244 = arith.constant 0 : i32
        %dma_start3A_245 = tpu.memref_slice %arg2[%select_n3A, %mul3A_154, %dma_start3A_244] : memref<16x4096x128xf32, #tpu.memory_space<hbm>> -> memref<1x512x128xf32, #tpu.memory_space<hbm>>
        %dma_start3A_246 = tpu.memref_squeeze %dma_start3A_245 : memref<1x512x128xf32, #tpu.memory_space<hbm>> -> memref<512x128xf32, #tpu.memory_space<hbm>>
        tpu.enqueue_dma source(%dma_start3A_246 : memref<512x128xf32, #tpu.memory_space<hbm>>) target(%arg10 : memref<512x128xf32, #tpu.memory_space<vmem>>) target_semaphore(%run_scoped3A : memref<!tpu.dma_semaphore, #tpu.memory_space<semaphore_mem>>)
        %dma_wait3A_247 = arith.constant 0 : i32
        %dma_wait3A_248 = tpu.memref_slice %arg2[%select_n3A, %mul3A_154, %dma_wait3A_247] : memref<16x4096x128xf32, #tpu.memory_space<hbm>> -> memref<1x512x128xf32, #tpu.memory_space<hbm>>
        %dma_wait3A_249 = tpu.memref_squeeze %dma_wait3A_248 : memref<1x512x128xf32, #tpu.memory_space<hbm>> -> memref<512x128xf32, #tpu.memory_space<hbm>>
        %dma_wait3A_250 = arith.constant 0 : i32
        %dma_wait3A_251 = tpu.memref_slice %arg2[%select_n3A, %mul3A_154, %dma_wait3A_250] : memref<16x4096x128xf32, #tpu.memory_space<hbm>> -> memref<1x512x128xf32, #tpu.memory_space<hbm>>
        %dma_wait3A_252 = tpu.memref_squeeze %dma_wait3A_251 : memref<1x512x128xf32, #tpu.memory_space<hbm>> -> memref<512x128xf32, #tpu.memory_space<hbm>>
        tpu.wait_dma2 semaphore(%run_scoped3A : memref<!tpu.dma_semaphore, #tpu.memory_space<semaphore_mem>>) src(%dma_wait3A_252 : memref<512x128xf32, #tpu.memory_space<hbm>>) dst(%arg10 : memref<512x128xf32, #tpu.memory_space<vmem>>)
        tpu.yield
      }) : () -> ()
      %mul3A_155 = arith.constant 4 : i32
      %mul3A_156 = arith.muli %scan3A_152, %mul3A_155 : i32
      %add3A_157 = arith.constant 0 : i32
      %add3A_158 = arith.addi %mul3A_156, %add3A_157 : i32
      %dma_start3A = arith.constant 0 : i32
      %dma_start3A_159 = arith.constant 0 : i32
      %dma_start3A_160 = tpu.memref_slice %arg10[%dma_start3A, %dma_start3A_159] : memref<512x128xf32, #tpu.memory_space<vmem>> -> memref<128x128xf32, #tpu.memory_space<vmem>>
      %dma_start3A_161 = arith.constant 0 : i32
      %dma_start3A_162 = tpu.memref_slice %arg7[%add3A_158, %dma_start3A_161] : memref<32x128xi32, #tpu.memory_space<vmem>> -> memref<1x128xi32, #tpu.memory_space<vmem>>
      %dma_start3A_163 = tpu.memref_squeeze %dma_start3A_162 : memref<1x128xi32, #tpu.memory_space<vmem>> -> memref<128xi32, #tpu.memory_space<vmem>>
      %dma_start3A_164 = arith.constant 0 : i32
      %dma_start3A_165 = arith.constant 0 : i32
      %dma_start3A_166 = tpu.memref_slice %arg5[%dma_start3A_164, %dma_start3A_165] : memref<524288x128xf32, #tpu.memory_space<hbm>> -> memref<524288x128xf32, #tpu.memory_space<hbm>>
      tpu.enqueue_indirect_dma source(%dma_start3A_160 : memref<128x128xf32, #tpu.memory_space<vmem>>) target(%dma_start3A_166 : memref<524288x128xf32, #tpu.memory_space<hbm>>) offsets(%dma_start3A_163 : memref<128xi32, #tpu.memory_space<vmem>>) semaphore(%arg11 : memref<!tpu.dma_semaphore, #tpu.memory_space<semaphore_mem>>)
      %mul3A_167 = arith.constant 4 : i32
      %mul3A_168 = arith.muli %scan3A_152, %mul3A_167 : i32
      %add3A_169 = arith.constant 1 : i32
      %add3A_170 = arith.addi %mul3A_168, %add3A_169 : i32
      %dma_start3A_171 = arith.constant 128 : i32
      %dma_start3A_172 = arith.constant 0 : i32
      %dma_start3A_173 = tpu.memref_slice %arg10[%dma_start3A_171, %dma_start3A_172] : memref<512x128xf32, #tpu.memory_space<vmem>> -> memref<128x128xf32, #tpu.memory_space<vmem>>
      %dma_start3A_174 = arith.constant 0 : i32
      %dma_start3A_175 = tpu.memref_slice %arg7[%add3A_170, %dma_start3A_174] : memref<32x128xi32, #tpu.memory_space<vmem>> -> memref<1x128xi32, #tpu.memory_space<vmem>>
      %dma_start3A_176 = tpu.memref_squeeze %dma_start3A_175 : memref<1x128xi32, #tpu.memory_space<vmem>> -> memref<128xi32, #tpu.memory_space<vmem>>
      %dma_start3A_177 = arith.constant 0 : i32
      %dma_start3A_178 = arith.constant 0 : i32
      %dma_start3A_179 = tpu.memref_slice %arg5[%dma_start3A_177, %dma_start3A_178] : memref<524288x128xf32, #tpu.memory_space<hbm>> -> memref<524288x128xf32, #tpu.memory_space<hbm>>
      tpu.enqueue_indirect_dma source(%dma_start3A_173 : memref<128x128xf32, #tpu.memory_space<vmem>>) target(%dma_start3A_179 : memref<524288x128xf32, #tpu.memory_space<hbm>>) offsets(%dma_start3A_176 : memref<128xi32, #tpu.memory_space<vmem>>) semaphore(%arg11 : memref<!tpu.dma_semaphore, #tpu.memory_space<semaphore_mem>>)
      %mul3A_180 = arith.constant 4 : i32
      %mul3A_181 = arith.muli %scan3A_152, %mul3A_180 : i32
      %add3A_182 = arith.constant 2 : i32
      %add3A_183 = arith.addi %mul3A_181, %add3A_182 : i32
      %dma_start3A_184 = arith.constant 256 : i32
      %dma_start3A_185 = arith.constant 0 : i32
      %dma_start3A_186 = tpu.memref_slice %arg10[%dma_start3A_184, %dma_start3A_185] : memref<512x128xf32, #tpu.memory_space<vmem>> -> memref<128x128xf32, #tpu.memory_space<vmem>>
      %dma_start3A_187 = arith.constant 0 : i32
      %dma_start3A_188 = tpu.memref_slice %arg7[%add3A_183, %dma_start3A_187] : memref<32x128xi32, #tpu.memory_space<vmem>> -> memref<1x128xi32, #tpu.memory_space<vmem>>
      %dma_start3A_189 = tpu.memref_squeeze %dma_start3A_188 : memref<1x128xi32, #tpu.memory_space<vmem>> -> memref<128xi32, #tpu.memory_space<vmem>>
      %dma_start3A_190 = arith.constant 0 : i32
      %dma_start3A_191 = arith.constant 0 : i32
      %dma_start3A_192 = tpu.memref_slice %arg5[%dma_start3A_190, %dma_start3A_191] : memref<524288x128xf32, #tpu.memory_space<hbm>> -> memref<524288x128xf32, #tpu.memory_space<hbm>>
      tpu.enqueue_indirect_dma source(%dma_start3A_186 : memref<128x128xf32, #tpu.memory_space<vmem>>) target(%dma_start3A_192 : memref<524288x128xf32, #tpu.memory_space<hbm>>) offsets(%dma_start3A_189 : memref<128xi32, #tpu.memory_space<vmem>>) semaphore(%arg11 : memref<!tpu.dma_semaphore, #tpu.memory_space<semaphore_mem>>)
      %mul3A_193 = arith.constant 4 : i32
      %mul3A_194 = arith.muli %scan3A_152, %mul3A_193 : i32
      %add3A_195 = arith.constant 3 : i32
      %add3A_196 = arith.addi %mul3A_194, %add3A_195 : i32
      %dma_start3A_197 = arith.constant 384 : i32
      %dma_start3A_198 = arith.constant 0 : i32
      %dma_start3A_199 = tpu.memref_slice %arg10[%dma_start3A_197, %dma_start3A_198] : memref<512x128xf32, #tpu.memory_space<vmem>> -> memref<128x128xf32, #tpu.memory_space<vmem>>
      %dma_start3A_200 = arith.constant 0 : i32
      %dma_start3A_201 = tpu.memref_slice %arg7[%add3A_196, %dma_start3A_200] : memref<32x128xi32, #tpu.memory_space<vmem>> -> memref<1x128xi32, #tpu.memory_space<vmem>>
      %dma_start3A_202 = tpu.memref_squeeze %dma_start3A_201 : memref<1x128xi32, #tpu.memory_space<vmem>> -> memref<128xi32, #tpu.memory_space<vmem>>
      %dma_start3A_203 = arith.constant 0 : i32
      %dma_start3A_204 = arith.constant 0 : i32
      %dma_start3A_205 = tpu.memref_slice %arg5[%dma_start3A_203, %dma_start3A_204] : memref<524288x128xf32, #tpu.memory_space<hbm>> -> memref<524288x128xf32, #tpu.memory_space<hbm>>
      tpu.enqueue_indirect_dma source(%dma_start3A_199 : memref<128x128xf32, #tpu.memory_space<vmem>>) target(%dma_start3A_205 : memref<524288x128xf32, #tpu.memory_space<hbm>>) offsets(%dma_start3A_202 : memref<128xi32, #tpu.memory_space<vmem>>) semaphore(%arg11 : memref<!tpu.dma_semaphore, #tpu.memory_space<semaphore_mem>>)
      %dma_wait3A = arith.constant 0 : i32
      %dma_wait3A_206 = arith.constant 0 : i32
      %dma_wait3A_207 = tpu.memref_slice %arg10[%dma_wait3A, %dma_wait3A_206] : memref<512x128xf32, #tpu.memory_space<vmem>> -> memref<128x128xf32, #tpu.memory_space<vmem>>
      %dma_wait3A_208 = arith.constant 0 : i32
      %dma_wait3A_209 = tpu.memref_slice %arg7[%add3A_158, %dma_wait3A_208] : memref<32x128xi32, #tpu.memory_space<vmem>> -> memref<1x128xi32, #tpu.memory_space<vmem>>
      %dma_wait3A_210 = tpu.memref_squeeze %dma_wait3A_209 : memref<1x128xi32, #tpu.memory_space<vmem>> -> memref<128xi32, #tpu.memory_space<vmem>>
      %dma_wait3A_211 = arith.constant 0 : i32
      %dma_wait3A_212 = arith.constant 0 : i32
      %dma_wait3A_213 = tpu.memref_slice %arg5[%dma_wait3A_211, %dma_wait3A_212] : memref<524288x128xf32, #tpu.memory_space<hbm>> -> memref<524288x128xf32, #tpu.memory_space<hbm>>
      tpu.wait_indirect_dma semaphore(%arg11 : memref<!tpu.dma_semaphore, #tpu.memory_space<semaphore_mem>>) src(%dma_wait3A_207 : memref<128x128xf32, #tpu.memory_space<vmem>>) dst(%dma_wait3A_213 : memref<524288x128xf32, #tpu.memory_space<hbm>>)
      %dma_wait3A_214 = arith.constant 128 : i32
      %dma_wait3A_215 = arith.constant 0 : i32
      %dma_wait3A_216 = tpu.memref_slice %arg10[%dma_wait3A_214, %dma_wait3A_215] : memref<512x128xf32, #tpu.memory_space<vmem>> -> memref<128x128xf32, #tpu.memory_space<vmem>>
      %dma_wait3A_217 = arith.constant 0 : i32
      %dma_wait3A_218 = tpu.memref_slice %arg7[%add3A_170, %dma_wait3A_217] : memref<32x128xi32, #tpu.memory_space<vmem>> -> memref<1x128xi32, #tpu.memory_space<vmem>>
      %dma_wait3A_219 = tpu.memref_squeeze %dma_wait3A_218 : memref<1x128xi32, #tpu.memory_space<vmem>> -> memref<128xi32, #tpu.memory_space<vmem>>
      %dma_wait3A_220 = arith.constant 0 : i32
      %dma_wait3A_221 = arith.constant 0 : i32
      %dma_wait3A_222 = tpu.memref_slice %arg5[%dma_wait3A_220, %dma_wait3A_221] : memref<524288x128xf32, #tpu.memory_space<hbm>> -> memref<524288x128xf32, #tpu.memory_space<hbm>>
      tpu.wait_indirect_dma semaphore(%arg11 : memref<!tpu.dma_semaphore, #tpu.memory_space<semaphore_mem>>) src(%dma_wait3A_216 : memref<128x128xf32, #tpu.memory_space<vmem>>) dst(%dma_wait3A_222 : memref<524288x128xf32, #tpu.memory_space<hbm>>)
      %dma_wait3A_223 = arith.constant 256 : i32
      %dma_wait3A_224 = arith.constant 0 : i32
      %dma_wait3A_225 = tpu.memref_slice %arg10[%dma_wait3A_223, %dma_wait3A_224] : memref<512x128xf32, #tpu.memory_space<vmem>> -> memref<128x128xf32, #tpu.memory_space<vmem>>
      %dma_wait3A_226 = arith.constant 0 : i32
      %dma_wait3A_227 = tpu.memref_slice %arg7[%add3A_183, %dma_wait3A_226] : memref<32x128xi32, #tpu.memory_space<vmem>> -> memref<1x128xi32, #tpu.memory_space<vmem>>
      %dma_wait3A_228 = tpu.memref_squeeze %dma_wait3A_227 : memref<1x128xi32, #tpu.memory_space<vmem>> -> memref<128xi32, #tpu.memory_space<vmem>>
      %dma_wait3A_229 = arith.constant 0 : i32
      %dma_wait3A_230 = arith.constant 0 : i32
      %dma_wait3A_231 = tpu.memref_slice %arg5[%dma_wait3A_229, %dma_wait3A_230] : memref<524288x128xf32, #tpu.memory_space<hbm>> -> memref<524288x128xf32, #tpu.memory_space<hbm>>
      tpu.wait_indirect_dma semaphore(%arg11 : memref<!tpu.dma_semaphore, #tpu.memory_space<semaphore_mem>>) src(%dma_wait3A_225 : memref<128x128xf32, #tpu.memory_space<vmem>>) dst(%dma_wait3A_231 : memref<524288x128xf32, #tpu.memory_space<hbm>>)
      %dma_wait3A_232 = arith.constant 384 : i32
      %dma_wait3A_233 = arith.constant 0 : i32
      %dma_wait3A_234 = tpu.memref_slice %arg10[%dma_wait3A_232, %dma_wait3A_233] : memref<512x128xf32, #tpu.memory_space<vmem>> -> memref<128x128xf32, #tpu.memory_space<vmem>>
      %dma_wait3A_235 = arith.constant 0 : i32
      %dma_wait3A_236 = tpu.memref_slice %arg7[%add3A_196, %dma_wait3A_235] : memref<32x128xi32, #tpu.memory_space<vmem>> -> memref<1x128xi32, #tpu.memory_space<vmem>>
      %dma_wait3A_237 = tpu.memref_squeeze %dma_wait3A_236 : memref<1x128xi32, #tpu.memory_space<vmem>> -> memref<128xi32, #tpu.memory_space<vmem>>
      %dma_wait3A_238 = arith.constant 0 : i32
      %dma_wait3A_239 = arith.constant 0 : i32
      %dma_wait3A_240 = tpu.memref_slice %arg5[%dma_wait3A_238, %dma_wait3A_239] : memref<524288x128xf32, #tpu.memory_space<hbm>> -> memref<524288x128xf32, #tpu.memory_space<hbm>>
      tpu.wait_indirect_dma semaphore(%arg11 : memref<!tpu.dma_semaphore, #tpu.memory_space<semaphore_mem>>) src(%dma_wait3A_234 : memref<128x128xf32, #tpu.memory_space<vmem>>) dst(%dma_wait3A_240 : memref<524288x128xf32, #tpu.memory_space<hbm>>)
    }
    %scan3A_31 = arith.constant 8 : i32
    %mul3A_32 = arith.constant 4 : i32
    %mul3A_33 = arith.muli %add3A, %mul3A_32 : i32
    %add3A_34 = arith.constant 1 : i32
    %add3A_35 = arith.addi %mul3A_33, %add3A_34 : i32
    %jit3A_36 = arith.constant 8 : i32
    %div3A_37 = arith.divsi %add3A_35, %jit3A_36 : i32
    %sign3A_38 = arith.constant 0 : i32
    %sign3A_39 = arith.cmpi sgt, %add3A_35, %sign3A_38 : i32
    %sign3A_40 = arith.extui %sign3A_39 : i1 to i32
    %sign3A_41 = arith.constant 0 : i32
    %sign3A_42 = arith.cmpi slt, %add3A_35, %sign3A_41 : i32
    %sign3A_43 = arith.extui %sign3A_42 : i1 to i32
    %sign3A_44 = arith.subi %sign3A_40, %sign3A_43 : i32
    %sign3A_45 = arith.constant 0 : i32
    %sign3A_46 = arith.cmpi sgt, %jit3A_36, %sign3A_45 : i32
    %sign3A_47 = arith.extui %sign3A_46 : i1 to i32
    %sign3A_48 = arith.constant 0 : i32
    %sign3A_49 = arith.cmpi slt, %jit3A_36, %sign3A_48 : i32
    %sign3A_50 = arith.extui %sign3A_49 : i1 to i32
    %sign3A_51 = arith.subi %sign3A_47, %sign3A_50 : i32
    %ne3A_52 = arith.cmpi ne, %sign3A_44, %sign3A_51 : i32
    %rem3A_53 = arith.remsi %add3A_35, %jit3A_36 : i32
    %ne3A_54 = arith.constant 0 : i32
    %ne3A_55 = arith.cmpi ne, %rem3A_53, %ne3A_54 : i32
    %and3A_56 = arith.andi %ne3A_52, %ne3A_55 : i1
    %sub3A_57 = arith.constant 1 : i32
    %sub3A_58 = arith.subi %div3A_37, %sub3A_57 : i32
    %select_n3A_59 = arith.select %and3A_56, %sub3A_58, %div3A_37 : i32
    "tpu.region"() ({
      %run_scoped3A = tpu.sem_alloc : memref<!tpu.dma_semaphore, #tpu.memory_space<semaphore_mem>>
      %dma_start3A = arith.constant 0 : i32
      %dma_start3A_152 = arith.constant 0 : i32
      %dma_start3A_153 = tpu.memref_slice %arg3[%add3A_35, %dma_start3A, %dma_start3A_152] : memref<128x32x128xi32, #tpu.memory_space<hbm>> -> memref<1x32x128xi32, #tpu.memory_space<hbm>>
      %dma_start3A_154 = tpu.memref_squeeze %dma_start3A_153 : memref<1x32x128xi32, #tpu.memory_space<hbm>> -> memref<32x128xi32, #tpu.memory_space<hbm>>
      %dma_start3A_155 = arith.constant 0 : i32
      %dma_start3A_156 = arith.constant 0 : i32
      %dma_start3A_157 = tpu.memref_slice %arg3[%add3A_35, %dma_start3A_155, %dma_start3A_156] : memref<128x32x128xi32, #tpu.memory_space<hbm>> -> memref<1x32x128xi32, #tpu.memory_space<hbm>>
      %dma_start3A_158 = tpu.memref_squeeze %dma_start3A_157 : memref<1x32x128xi32, #tpu.memory_space<hbm>> -> memref<32x128xi32, #tpu.memory_space<hbm>>
      tpu.enqueue_dma source(%dma_start3A_158 : memref<32x128xi32, #tpu.memory_space<hbm>>) target(%arg7 : memref<32x128xi32, #tpu.memory_space<vmem>>) target_semaphore(%run_scoped3A : memref<!tpu.dma_semaphore, #tpu.memory_space<semaphore_mem>>)
      %dma_wait3A = arith.constant 0 : i32
      %dma_wait3A_159 = arith.constant 0 : i32
      %dma_wait3A_160 = tpu.memref_slice %arg3[%add3A_35, %dma_wait3A, %dma_wait3A_159] : memref<128x32x128xi32, #tpu.memory_space<hbm>> -> memref<1x32x128xi32, #tpu.memory_space<hbm>>
      %dma_wait3A_161 = tpu.memref_squeeze %dma_wait3A_160 : memref<1x32x128xi32, #tpu.memory_space<hbm>> -> memref<32x128xi32, #tpu.memory_space<hbm>>
      %dma_wait3A_162 = arith.constant 0 : i32
      %dma_wait3A_163 = arith.constant 0 : i32
      %dma_wait3A_164 = tpu.memref_slice %arg3[%add3A_35, %dma_wait3A_162, %dma_wait3A_163] : memref<128x32x128xi32, #tpu.memory_space<hbm>> -> memref<1x32x128xi32, #tpu.memory_space<hbm>>
      %dma_wait3A_165 = tpu.memref_squeeze %dma_wait3A_164 : memref<1x32x128xi32, #tpu.memory_space<hbm>> -> memref<32x128xi32, #tpu.memory_space<hbm>>
      tpu.wait_dma2 semaphore(%run_scoped3A : memref<!tpu.dma_semaphore, #tpu.memory_space<semaphore_mem>>) src(%dma_wait3A_165 : memref<32x128xi32, #tpu.memory_space<hbm>>) dst(%arg7 : memref<32x128xi32, #tpu.memory_space<vmem>>)
      tpu.yield
    }) : () -> ()
    "tpu.region"() ({
      %run_scoped3A = tpu.sem_alloc : memref<!tpu.dma_semaphore, #tpu.memory_space<semaphore_mem>>
      %dma_start3A = arith.constant 0 : i32
      %dma_start3A_152 = tpu.memref_slice %arg4[%add3A_35, %dma_start3A] : memref<128x4096xi32, #tpu.memory_space<hbm>> -> memref<1x4096xi32, #tpu.memory_space<hbm>>
      %dma_start3A_153 = tpu.memref_squeeze %dma_start3A_152 : memref<1x4096xi32, #tpu.memory_space<hbm>> -> memref<4096xi32, #tpu.memory_space<hbm>>
      %dma_start3A_154 = arith.constant 0 : i32
      %dma_start3A_155 = tpu.memref_slice %arg4[%add3A_35, %dma_start3A_154] : memref<128x4096xi32, #tpu.memory_space<hbm>> -> memref<1x4096xi32, #tpu.memory_space<hbm>>
      %dma_start3A_156 = tpu.memref_squeeze %dma_start3A_155 : memref<1x4096xi32, #tpu.memory_space<hbm>> -> memref<4096xi32, #tpu.memory_space<hbm>>
      tpu.enqueue_dma source(%dma_start3A_156 : memref<4096xi32, #tpu.memory_space<hbm>>) target(%arg8 : memref<4096xi32, #tpu.memory_space<vmem>>) target_semaphore(%run_scoped3A : memref<!tpu.dma_semaphore, #tpu.memory_space<semaphore_mem>>)
      %dma_wait3A = arith.constant 0 : i32
      %dma_wait3A_157 = tpu.memref_slice %arg4[%add3A_35, %dma_wait3A] : memref<128x4096xi32, #tpu.memory_space<hbm>> -> memref<1x4096xi32, #tpu.memory_space<hbm>>
      %dma_wait3A_158 = tpu.memref_squeeze %dma_wait3A_157 : memref<1x4096xi32, #tpu.memory_space<hbm>> -> memref<4096xi32, #tpu.memory_space<hbm>>
      %dma_wait3A_159 = arith.constant 0 : i32
      %dma_wait3A_160 = tpu.memref_slice %arg4[%add3A_35, %dma_wait3A_159] : memref<128x4096xi32, #tpu.memory_space<hbm>> -> memref<1x4096xi32, #tpu.memory_space<hbm>>
      %dma_wait3A_161 = tpu.memref_squeeze %dma_wait3A_160 : memref<1x4096xi32, #tpu.memory_space<hbm>> -> memref<4096xi32, #tpu.memory_space<hbm>>
      tpu.wait_dma2 semaphore(%run_scoped3A : memref<!tpu.dma_semaphore, #tpu.memory_space<semaphore_mem>>) src(%dma_wait3A_161 : memref<4096xi32, #tpu.memory_space<hbm>>) dst(%arg8 : memref<4096xi32, #tpu.memory_space<vmem>>)
      tpu.yield
    }) : () -> ()
    %scan3A_60 = arith.constant 0 : i32
    %scan3A_61 = arith.constant 0 : i32
    %scan3A_62 = arith.constant 256 : i32
    %scan3A_63 = arith.addi %scan3A_61, %scan3A_62 : i32
    %scan3A_64 = arith.constant 1 : i32
    scf.for %scan3A_152 = %scan3A_61 to %scan3A_63 step %scan3A_64  : i32 {
      %mul3A_153 = arith.constant 16 : i32
      %mul3A_154 = arith.muli %scan3A_152, %mul3A_153 : i32
      %get3A = arith.index_cast %mul3A_154 : i32 to index
      %get3A_155 = tpu.vector_load %arg8[%get3A] {strides = array<i32>} : memref<4096xi32, #tpu.memory_space<vmem>>, vector<16xi32>,
      %iota3A = tpu.iota {dimensions = array<i32: 0>} : vector<16xi32>
      %mul3A_156 = arith.constant 16 : i32
      %mul3A_157 = arith.muli %scan3A_152, %mul3A_156 : i32
      %add3A_158 = vector.broadcast %mul3A_157 : i32 to vector<16xi32>
      %add3A_159 = arith.addi %iota3A, %add3A_158 : vector<16xi32>
      tpu.vector_store_idx %arg9[%get3A_155], %add3A_159 : memref<4096xi32, #tpu.memory_space<vmem>>[vector<16xi32>], vector<16xi32>,
    }
    %scan3A_65 = arith.constant 256 : i32
    "tpu.region"() ({
      %run_scoped3A = tpu.sem_alloc : memref<!tpu.dma_semaphore, #tpu.memory_space<semaphore_mem>>
      %dma_start3A = arith.constant 0 : i32
      %dma_start3A_152 = tpu.memref_slice %arg6[%add3A_35, %dma_start3A] : memref<128x4096xi32, #tpu.memory_space<hbm>> -> memref<1x4096xi32, #tpu.memory_space<hbm>>
      %dma_start3A_153 = tpu.memref_squeeze %dma_start3A_152 : memref<1x4096xi32, #tpu.memory_space<hbm>> -> memref<4096xi32, #tpu.memory_space<hbm>>
      %dma_start3A_154 = arith.constant 0 : i32
      %dma_start3A_155 = tpu.memref_slice %arg6[%add3A_35, %dma_start3A_154] : memref<128x4096xi32, #tpu.memory_space<hbm>> -> memref<1x4096xi32, #tpu.memory_space<hbm>>
      %dma_start3A_156 = tpu.memref_squeeze %dma_start3A_155 : memref<1x4096xi32, #tpu.memory_space<hbm>> -> memref<4096xi32, #tpu.memory_space<hbm>>
      tpu.enqueue_dma source(%arg9 : memref<4096xi32, #tpu.memory_space<vmem>>) target(%dma_start3A_156 : memref<4096xi32, #tpu.memory_space<hbm>>) target_semaphore(%run_scoped3A : memref<!tpu.dma_semaphore, #tpu.memory_space<semaphore_mem>>)
      %dma_wait3A = arith.constant 0 : i32
      %dma_wait3A_157 = tpu.memref_slice %arg6[%add3A_35, %dma_wait3A] : memref<128x4096xi32, #tpu.memory_space<hbm>> -> memref<1x4096xi32, #tpu.memory_space<hbm>>
      %dma_wait3A_158 = tpu.memref_squeeze %dma_wait3A_157 : memref<1x4096xi32, #tpu.memory_space<hbm>> -> memref<4096xi32, #tpu.memory_space<hbm>>
      %dma_wait3A_159 = arith.constant 0 : i32
      %dma_wait3A_160 = tpu.memref_slice %arg6[%add3A_35, %dma_wait3A_159] : memref<128x4096xi32, #tpu.memory_space<hbm>> -> memref<1x4096xi32, #tpu.memory_space<hbm>>
      %dma_wait3A_161 = tpu.memref_squeeze %dma_wait3A_160 : memref<1x4096xi32, #tpu.memory_space<hbm>> -> memref<4096xi32, #tpu.memory_space<hbm>>
      tpu.wait_dma2 semaphore(%run_scoped3A : memref<!tpu.dma_semaphore, #tpu.memory_space<semaphore_mem>>) src(%arg9 : memref<4096xi32, #tpu.memory_space<vmem>>) dst(%dma_wait3A_161 : memref<4096xi32, #tpu.memory_space<hbm>>)
      tpu.yield
    }) : () -> ()
    %scan3A_66 = arith.constant 0 : i32
    %scan3A_67 = arith.constant 0 : i32
    %scan3A_68 = arith.constant 8 : i32
    %scan3A_69 = arith.addi %scan3A_67, %scan3A_68 : i32
    %scan3A_70 = arith.constant 1 : i32
    scf.for %scan3A_152 = %scan3A_67 to %scan3A_69 step %scan3A_70  : i32 {
      %mul3A_153 = arith.constant 512 : i32
      %mul3A_154 = arith.muli %scan3A_152, %mul3A_153 : i32
      "tpu.region"() ({
        %run_scoped3A = tpu.sem_alloc : memref<!tpu.dma_semaphore, #tpu.memory_space<semaphore_mem>>
        %dma_start3A_241 = arith.constant 0 : i32
        %dma_start3A_242 = tpu.memref_slice %arg2[%select_n3A_59, %mul3A_154, %dma_start3A_241] : memref<16x4096x128xf32, #tpu.memory_space<hbm>> -> memref<1x512x128xf32, #tpu.memory_space<hbm>>
        %dma_start3A_243 = tpu.memref_squeeze %dma_start3A_242 : memref<1x512x128xf32, #tpu.memory_space<hbm>> -> memref<512x128xf32, #tpu.memory_space<hbm>>
        %dma_start3A_244 = arith.constant 0 : i32
        %dma_start3A_245 = tpu.memref_slice %arg2[%select_n3A_59, %mul3A_154, %dma_start3A_244] : memref<16x4096x128xf32, #tpu.memory_space<hbm>> -> memref<1x512x128xf32, #tpu.memory_space<hbm>>
        %dma_start3A_246 = tpu.memref_squeeze %dma_start3A_245 : memref<1x512x128xf32, #tpu.memory_space<hbm>> -> memref<512x128xf32, #tpu.memory_space<hbm>>
        tpu.enqueue_dma source(%dma_start3A_246 : memref<512x128xf32, #tpu.memory_space<hbm>>) target(%arg10 : memref<512x128xf32, #tpu.memory_space<vmem>>) target_semaphore(%run_scoped3A : memref<!tpu.dma_semaphore, #tpu.memory_space<semaphore_mem>>)
        %dma_wait3A_247 = arith.constant 0 : i32
        %dma_wait3A_248 = tpu.memref_slice %arg2[%select_n3A_59, %mul3A_154, %dma_wait3A_247] : memref<16x4096x128xf32, #tpu.memory_space<hbm>> -> memref<1x512x128xf32, #tpu.memory_space<hbm>>
        %dma_wait3A_249 = tpu.memref_squeeze %dma_wait3A_248 : memref<1x512x128xf32, #tpu.memory_space<hbm>> -> memref<512x128xf32, #tpu.memory_space<hbm>>
        %dma_wait3A_250 = arith.constant 0 : i32
        %dma_wait3A_251 = tpu.memref_slice %arg2[%select_n3A_59, %mul3A_154, %dma_wait3A_250] : memref<16x4096x128xf32, #tpu.memory_space<hbm>> -> memref<1x512x128xf32, #tpu.memory_space<hbm>>
        %dma_wait3A_252 = tpu.memref_squeeze %dma_wait3A_251 : memref<1x512x128xf32, #tpu.memory_space<hbm>> -> memref<512x128xf32, #tpu.memory_space<hbm>>
        tpu.wait_dma2 semaphore(%run_scoped3A : memref<!tpu.dma_semaphore, #tpu.memory_space<semaphore_mem>>) src(%dma_wait3A_252 : memref<512x128xf32, #tpu.memory_space<hbm>>) dst(%arg10 : memref<512x128xf32, #tpu.memory_space<vmem>>)
        tpu.yield
      }) : () -> ()
      %mul3A_155 = arith.constant 4 : i32
      %mul3A_156 = arith.muli %scan3A_152, %mul3A_155 : i32
      %add3A_157 = arith.constant 0 : i32
      %add3A_158 = arith.addi %mul3A_156, %add3A_157 : i32
      %dma_start3A = arith.constant 0 : i32
      %dma_start3A_159 = arith.constant 0 : i32
      %dma_start3A_160 = tpu.memref_slice %arg10[%dma_start3A, %dma_start3A_159] : memref<512x128xf32, #tpu.memory_space<vmem>> -> memref<128x128xf32, #tpu.memory_space<vmem>>
      %dma_start3A_161 = arith.constant 0 : i32
      %dma_start3A_162 = tpu.memref_slice %arg7[%add3A_158, %dma_start3A_161] : memref<32x128xi32, #tpu.memory_space<vmem>> -> memref<1x128xi32, #tpu.memory_space<vmem>>
      %dma_start3A_163 = tpu.memref_squeeze %dma_start3A_162 : memref<1x128xi32, #tpu.memory_space<vmem>> -> memref<128xi32, #tpu.memory_space<vmem>>
      %dma_start3A_164 = arith.constant 0 : i32
      %dma_start3A_165 = arith.constant 0 : i32
      %dma_start3A_166 = tpu.memref_slice %arg5[%dma_start3A_164, %dma_start3A_165] : memref<524288x128xf32, #tpu.memory_space<hbm>> -> memref<524288x128xf32, #tpu.memory_space<hbm>>
      tpu.enqueue_indirect_dma source(%dma_start3A_160 : memref<128x128xf32, #tpu.memory_space<vmem>>) target(%dma_start3A_166 : memref<524288x128xf32, #tpu.memory_space<hbm>>) offsets(%dma_start3A_163 : memref<128xi32, #tpu.memory_space<vmem>>) semaphore(%arg11 : memref<!tpu.dma_semaphore, #tpu.memory_space<semaphore_mem>>)
      %mul3A_167 = arith.constant 4 : i32
      %mul3A_168 = arith.muli %scan3A_152, %mul3A_167 : i32
      %add3A_169 = arith.constant 1 : i32
      %add3A_170 = arith.addi %mul3A_168, %add3A_169 : i32
      %dma_start3A_171 = arith.constant 128 : i32
      %dma_start3A_172 = arith.constant 0 : i32
      %dma_start3A_173 = tpu.memref_slice %arg10[%dma_start3A_171, %dma_start3A_172] : memref<512x128xf32, #tpu.memory_space<vmem>> -> memref<128x128xf32, #tpu.memory_space<vmem>>
      %dma_start3A_174 = arith.constant 0 : i32
      %dma_start3A_175 = tpu.memref_slice %arg7[%add3A_170, %dma_start3A_174] : memref<32x128xi32, #tpu.memory_space<vmem>> -> memref<1x128xi32, #tpu.memory_space<vmem>>
      %dma_start3A_176 = tpu.memref_squeeze %dma_start3A_175 : memref<1x128xi32, #tpu.memory_space<vmem>> -> memref<128xi32, #tpu.memory_space<vmem>>
      %dma_start3A_177 = arith.constant 0 : i32
      %dma_start3A_178 = arith.constant 0 : i32
      %dma_start3A_179 = tpu.memref_slice %arg5[%dma_start3A_177, %dma_start3A_178] : memref<524288x128xf32, #tpu.memory_space<hbm>> -> memref<524288x128xf32, #tpu.memory_space<hbm>>
      tpu.enqueue_indirect_dma source(%dma_start3A_173 : memref<128x128xf32, #tpu.memory_space<vmem>>) target(%dma_start3A_179 : memref<524288x128xf32, #tpu.memory_space<hbm>>) offsets(%dma_start3A_176 : memref<128xi32, #tpu.memory_space<vmem>>) semaphore(%arg11 : memref<!tpu.dma_semaphore, #tpu.memory_space<semaphore_mem>>)
      %mul3A_180 = arith.constant 4 : i32
      %mul3A_181 = arith.muli %scan3A_152, %mul3A_180 : i32
      %add3A_182 = arith.constant 2 : i32
      %add3A_183 = arith.addi %mul3A_181, %add3A_182 : i32
      %dma_start3A_184 = arith.constant 256 : i32
      %dma_start3A_185 = arith.constant 0 : i32
      %dma_start3A_186 = tpu.memref_slice %arg10[%dma_start3A_184, %dma_start3A_185] : memref<512x128xf32, #tpu.memory_space<vmem>> -> memref<128x128xf32, #tpu.memory_space<vmem>>
      %dma_start3A_187 = arith.constant 0 : i32
      %dma_start3A_188 = tpu.memref_slice %arg7[%add3A_183, %dma_start3A_187] : memref<32x128xi32, #tpu.memory_space<vmem>> -> memref<1x128xi32, #tpu.memory_space<vmem>>
      %dma_start3A_189 = tpu.memref_squeeze %dma_start3A_188 : memref<1x128xi32, #tpu.memory_space<vmem>> -> memref<128xi32, #tpu.memory_space<vmem>>
      %dma_start3A_190 = arith.constant 0 : i32
      %dma_start3A_191 = arith.constant 0 : i32
      %dma_start3A_192 = tpu.memref_slice %arg5[%dma_start3A_190, %dma_start3A_191] : memref<524288x128xf32, #tpu.memory_space<hbm>> -> memref<524288x128xf32, #tpu.memory_space<hbm>>
      tpu.enqueue_indirect_dma source(%dma_start3A_186 : memref<128x128xf32, #tpu.memory_space<vmem>>) target(%dma_start3A_192 : memref<524288x128xf32, #tpu.memory_space<hbm>>) offsets(%dma_start3A_189 : memref<128xi32, #tpu.memory_space<vmem>>) semaphore(%arg11 : memref<!tpu.dma_semaphore, #tpu.memory_space<semaphore_mem>>)
      %mul3A_193 = arith.constant 4 : i32
      %mul3A_194 = arith.muli %scan3A_152, %mul3A_193 : i32
      %add3A_195 = arith.constant 3 : i32
      %add3A_196 = arith.addi %mul3A_194, %add3A_195 : i32
      %dma_start3A_197 = arith.constant 384 : i32
      %dma_start3A_198 = arith.constant 0 : i32
      %dma_start3A_199 = tpu.memref_slice %arg10[%dma_start3A_197, %dma_start3A_198] : memref<512x128xf32, #tpu.memory_space<vmem>> -> memref<128x128xf32, #tpu.memory_space<vmem>>
      %dma_start3A_200 = arith.constant 0 : i32
      %dma_start3A_201 = tpu.memref_slice %arg7[%add3A_196, %dma_start3A_200] : memref<32x128xi32, #tpu.memory_space<vmem>> -> memref<1x128xi32, #tpu.memory_space<vmem>>
      %dma_start3A_202 = tpu.memref_squeeze %dma_start3A_201 : memref<1x128xi32, #tpu.memory_space<vmem>> -> memref<128xi32, #tpu.memory_space<vmem>>
      %dma_start3A_203 = arith.constant 0 : i32
      %dma_start3A_204 = arith.constant 0 : i32
      %dma_start3A_205 = tpu.memref_slice %arg5[%dma_start3A_203, %dma_start3A_204] : memref<524288x128xf32, #tpu.memory_space<hbm>> -> memref<524288x128xf32, #tpu.memory_space<hbm>>
      tpu.enqueue_indirect_dma source(%dma_start3A_199 : memref<128x128xf32, #tpu.memory_space<vmem>>) target(%dma_start3A_205 : memref<524288x128xf32, #tpu.memory_space<hbm>>) offsets(%dma_start3A_202 : memref<128xi32, #tpu.memory_space<vmem>>) semaphore(%arg11 : memref<!tpu.dma_semaphore, #tpu.memory_space<semaphore_mem>>)
      %dma_wait3A = arith.constant 0 : i32
      %dma_wait3A_206 = arith.constant 0 : i32
      %dma_wait3A_207 = tpu.memref_slice %arg10[%dma_wait3A, %dma_wait3A_206] : memref<512x128xf32, #tpu.memory_space<vmem>> -> memref<128x128xf32, #tpu.memory_space<vmem>>
      %dma_wait3A_208 = arith.constant 0 : i32
      %dma_wait3A_209 = tpu.memref_slice %arg7[%add3A_158, %dma_wait3A_208] : memref<32x128xi32, #tpu.memory_space<vmem>> -> memref<1x128xi32, #tpu.memory_space<vmem>>
      %dma_wait3A_210 = tpu.memref_squeeze %dma_wait3A_209 : memref<1x128xi32, #tpu.memory_space<vmem>> -> memref<128xi32, #tpu.memory_space<vmem>>
      %dma_wait3A_211 = arith.constant 0 : i32
      %dma_wait3A_212 = arith.constant 0 : i32
      %dma_wait3A_213 = tpu.memref_slice %arg5[%dma_wait3A_211, %dma_wait3A_212] : memref<524288x128xf32, #tpu.memory_space<hbm>> -> memref<524288x128xf32, #tpu.memory_space<hbm>>
      tpu.wait_indirect_dma semaphore(%arg11 : memref<!tpu.dma_semaphore, #tpu.memory_space<semaphore_mem>>) src(%dma_wait3A_207 : memref<128x128xf32, #tpu.memory_space<vmem>>) dst(%dma_wait3A_213 : memref<524288x128xf32, #tpu.memory_space<hbm>>)
      %dma_wait3A_214 = arith.constant 128 : i32
      %dma_wait3A_215 = arith.constant 0 : i32
      %dma_wait3A_216 = tpu.memref_slice %arg10[%dma_wait3A_214, %dma_wait3A_215] : memref<512x128xf32, #tpu.memory_space<vmem>> -> memref<128x128xf32, #tpu.memory_space<vmem>>
      %dma_wait3A_217 = arith.constant 0 : i32
      %dma_wait3A_218 = tpu.memref_slice %arg7[%add3A_170, %dma_wait3A_217] : memref<32x128xi32, #tpu.memory_space<vmem>> -> memref<1x128xi32, #tpu.memory_space<vmem>>
      %dma_wait3A_219 = tpu.memref_squeeze %dma_wait3A_218 : memref<1x128xi32, #tpu.memory_space<vmem>> -> memref<128xi32, #tpu.memory_space<vmem>>
      %dma_wait3A_220 = arith.constant 0 : i32
      %dma_wait3A_221 = arith.constant 0 : i32
      %dma_wait3A_222 = tpu.memref_slice %arg5[%dma_wait3A_220, %dma_wait3A_221] : memref<524288x128xf32, #tpu.memory_space<hbm>> -> memref<524288x128xf32, #tpu.memory_space<hbm>>
      tpu.wait_indirect_dma semaphore(%arg11 : memref<!tpu.dma_semaphore, #tpu.memory_space<semaphore_mem>>) src(%dma_wait3A_216 : memref<128x128xf32, #tpu.memory_space<vmem>>) dst(%dma_wait3A_222 : memref<524288x128xf32, #tpu.memory_space<hbm>>)
      %dma_wait3A_223 = arith.constant 256 : i32
      %dma_wait3A_224 = arith.constant 0 : i32
      %dma_wait3A_225 = tpu.memref_slice %arg10[%dma_wait3A_223, %dma_wait3A_224] : memref<512x128xf32, #tpu.memory_space<vmem>> -> memref<128x128xf32, #tpu.memory_space<vmem>>
      %dma_wait3A_226 = arith.constant 0 : i32
      %dma_wait3A_227 = tpu.memref_slice %arg7[%add3A_183, %dma_wait3A_226] : memref<32x128xi32, #tpu.memory_space<vmem>> -> memref<1x128xi32, #tpu.memory_space<vmem>>
      %dma_wait3A_228 = tpu.memref_squeeze %dma_wait3A_227 : memref<1x128xi32, #tpu.memory_space<vmem>> -> memref<128xi32, #tpu.memory_space<vmem>>
      %dma_wait3A_229 = arith.constant 0 : i32
      %dma_wait3A_230 = arith.constant 0 : i32
      %dma_wait3A_231 = tpu.memref_slice %arg5[%dma_wait3A_229, %dma_wait3A_230] : memref<524288x128xf32, #tpu.memory_space<hbm>> -> memref<524288x128xf32, #tpu.memory_space<hbm>>
      tpu.wait_indirect_dma semaphore(%arg11 : memref<!tpu.dma_semaphore, #tpu.memory_space<semaphore_mem>>) src(%dma_wait3A_225 : memref<128x128xf32, #tpu.memory_space<vmem>>) dst(%dma_wait3A_231 : memref<524288x128xf32, #tpu.memory_space<hbm>>)
      %dma_wait3A_232 = arith.constant 384 : i32
      %dma_wait3A_233 = arith.constant 0 : i32
      %dma_wait3A_234 = tpu.memref_slice %arg10[%dma_wait3A_232, %dma_wait3A_233] : memref<512x128xf32, #tpu.memory_space<vmem>> -> memref<128x128xf32, #tpu.memory_space<vmem>>
      %dma_wait3A_235 = arith.constant 0 : i32
      %dma_wait3A_236 = tpu.memref_slice %arg7[%add3A_196, %dma_wait3A_235] : memref<32x128xi32, #tpu.memory_space<vmem>> -> memref<1x128xi32, #tpu.memory_space<vmem>>
      %dma_wait3A_237 = tpu.memref_squeeze %dma_wait3A_236 : memref<1x128xi32, #tpu.memory_space<vmem>> -> memref<128xi32, #tpu.memory_space<vmem>>
      %dma_wait3A_238 = arith.constant 0 : i32
      %dma_wait3A_239 = arith.constant 0 : i32
      %dma_wait3A_240 = tpu.memref_slice %arg5[%dma_wait3A_238, %dma_wait3A_239] : memref<524288x128xf32, #tpu.memory_space<hbm>> -> memref<524288x128xf32, #tpu.memory_space<hbm>>
      tpu.wait_indirect_dma semaphore(%arg11 : memref<!tpu.dma_semaphore, #tpu.memory_space<semaphore_mem>>) src(%dma_wait3A_234 : memref<128x128xf32, #tpu.memory_space<vmem>>) dst(%dma_wait3A_240 : memref<524288x128xf32, #tpu.memory_space<hbm>>)
    }
    %scan3A_71 = arith.constant 8 : i32
    %mul3A_72 = arith.constant 4 : i32
    %mul3A_73 = arith.muli %add3A, %mul3A_72 : i32
    %add3A_74 = arith.constant 2 : i32
    %add3A_75 = arith.addi %mul3A_73, %add3A_74 : i32
    %jit3A_76 = arith.constant 8 : i32
    %div3A_77 = arith.divsi %add3A_75, %jit3A_76 : i32
    %sign3A_78 = arith.constant 0 : i32
    %sign3A_79 = arith.cmpi sgt, %add3A_75, %sign3A_78 : i32
    %sign3A_80 = arith.extui %sign3A_79 : i1 to i32
    %sign3A_81 = arith.constant 0 : i32
    %sign3A_82 = arith.cmpi slt, %add3A_75, %sign3A_81 : i32
    %sign3A_83 = arith.extui %sign3A_82 : i1 to i32
    %sign3A_84 = arith.subi %sign3A_80, %sign3A_83 : i32
    %sign3A_85 = arith.constant 0 : i32
    %sign3A_86 = arith.cmpi sgt, %jit3A_76, %sign3A_85 : i32
    %sign3A_87 = arith.extui %sign3A_86 : i1 to i32
    %sign3A_88 = arith.constant 0 : i32
    %sign3A_89 = arith.cmpi slt, %jit3A_76, %sign3A_88 : i32
    %sign3A_90 = arith.extui %sign3A_89 : i1 to i32
    %sign3A_91 = arith.subi %sign3A_87, %sign3A_90 : i32
    %ne3A_92 = arith.cmpi ne, %sign3A_84, %sign3A_91 : i32
    %rem3A_93 = arith.remsi %add3A_75, %jit3A_76 : i32
    %ne3A_94 = arith.constant 0 : i32
    %ne3A_95 = arith.cmpi ne, %rem3A_93, %ne3A_94 : i32
    %and3A_96 = arith.andi %ne3A_92, %ne3A_95 : i1
    %sub3A_97 = arith.constant 1 : i32
    %sub3A_98 = arith.subi %div3A_77, %sub3A_97 : i32
    %select_n3A_99 = arith.select %and3A_96, %sub3A_98, %div3A_77 : i32
    "tpu.region"() ({
      %run_scoped3A = tpu.sem_alloc : memref<!tpu.dma_semaphore, #tpu.memory_space<semaphore_mem>>
      %dma_start3A = arith.constant 0 : i32
      %dma_start3A_152 = arith.constant 0 : i32
      %dma_start3A_153 = tpu.memref_slice %arg3[%add3A_75, %dma_start3A, %dma_start3A_152] : memref<128x32x128xi32, #tpu.memory_space<hbm>> -> memref<1x32x128xi32, #tpu.memory_space<hbm>>
      %dma_start3A_154 = tpu.memref_squeeze %dma_start3A_153 : memref<1x32x128xi32, #tpu.memory_space<hbm>> -> memref<32x128xi32, #tpu.memory_space<hbm>>
      %dma_start3A_155 = arith.constant 0 : i32
      %dma_start3A_156 = arith.constant 0 : i32
      %dma_start3A_157 = tpu.memref_slice %arg3[%add3A_75, %dma_start3A_155, %dma_start3A_156] : memref<128x32x128xi32, #tpu.memory_space<hbm>> -> memref<1x32x128xi32, #tpu.memory_space<hbm>>
      %dma_start3A_158 = tpu.memref_squeeze %dma_start3A_157 : memref<1x32x128xi32, #tpu.memory_space<hbm>> -> memref<32x128xi32, #tpu.memory_space<hbm>>
      tpu.enqueue_dma source(%dma_start3A_158 : memref<32x128xi32, #tpu.memory_space<hbm>>) target(%arg7 : memref<32x128xi32, #tpu.memory_space<vmem>>) target_semaphore(%run_scoped3A : memref<!tpu.dma_semaphore, #tpu.memory_space<semaphore_mem>>)
      %dma_wait3A = arith.constant 0 : i32
      %dma_wait3A_159 = arith.constant 0 : i32
      %dma_wait3A_160 = tpu.memref_slice %arg3[%add3A_75, %dma_wait3A, %dma_wait3A_159] : memref<128x32x128xi32, #tpu.memory_space<hbm>> -> memref<1x32x128xi32, #tpu.memory_space<hbm>>
      %dma_wait3A_161 = tpu.memref_squeeze %dma_wait3A_160 : memref<1x32x128xi32, #tpu.memory_space<hbm>> -> memref<32x128xi32, #tpu.memory_space<hbm>>
      %dma_wait3A_162 = arith.constant 0 : i32
      %dma_wait3A_163 = arith.constant 0 : i32
      %dma_wait3A_164 = tpu.memref_slice %arg3[%add3A_75, %dma_wait3A_162, %dma_wait3A_163] : memref<128x32x128xi32, #tpu.memory_space<hbm>> -> memref<1x32x128xi32, #tpu.memory_space<hbm>>
      %dma_wait3A_165 = tpu.memref_squeeze %dma_wait3A_164 : memref<1x32x128xi32, #tpu.memory_space<hbm>> -> memref<32x128xi32, #tpu.memory_space<hbm>>
      tpu.wait_dma2 semaphore(%run_scoped3A : memref<!tpu.dma_semaphore, #tpu.memory_space<semaphore_mem>>) src(%dma_wait3A_165 : memref<32x128xi32, #tpu.memory_space<hbm>>) dst(%arg7 : memref<32x128xi32, #tpu.memory_space<vmem>>)
      tpu.yield
    }) : () -> ()
    "tpu.region"() ({
      %run_scoped3A = tpu.sem_alloc : memref<!tpu.dma_semaphore, #tpu.memory_space<semaphore_mem>>
      %dma_start3A = arith.constant 0 : i32
      %dma_start3A_152 = tpu.memref_slice %arg4[%add3A_75, %dma_start3A] : memref<128x4096xi32, #tpu.memory_space<hbm>> -> memref<1x4096xi32, #tpu.memory_space<hbm>>
      %dma_start3A_153 = tpu.memref_squeeze %dma_start3A_152 : memref<1x4096xi32, #tpu.memory_space<hbm>> -> memref<4096xi32, #tpu.memory_space<hbm>>
      %dma_start3A_154 = arith.constant 0 : i32
      %dma_start3A_155 = tpu.memref_slice %arg4[%add3A_75, %dma_start3A_154] : memref<128x4096xi32, #tpu.memory_space<hbm>> -> memref<1x4096xi32, #tpu.memory_space<hbm>>
      %dma_start3A_156 = tpu.memref_squeeze %dma_start3A_155 : memref<1x4096xi32, #tpu.memory_space<hbm>> -> memref<4096xi32, #tpu.memory_space<hbm>>
      tpu.enqueue_dma source(%dma_start3A_156 : memref<4096xi32, #tpu.memory_space<hbm>>) target(%arg8 : memref<4096xi32, #tpu.memory_space<vmem>>) target_semaphore(%run_scoped3A : memref<!tpu.dma_semaphore, #tpu.memory_space<semaphore_mem>>)
      %dma_wait3A = arith.constant 0 : i32
      %dma_wait3A_157 = tpu.memref_slice %arg4[%add3A_75, %dma_wait3A] : memref<128x4096xi32, #tpu.memory_space<hbm>> -> memref<1x4096xi32, #tpu.memory_space<hbm>>
      %dma_wait3A_158 = tpu.memref_squeeze %dma_wait3A_157 : memref<1x4096xi32, #tpu.memory_space<hbm>> -> memref<4096xi32, #tpu.memory_space<hbm>>
      %dma_wait3A_159 = arith.constant 0 : i32
      %dma_wait3A_160 = tpu.memref_slice %arg4[%add3A_75, %dma_wait3A_159] : memref<128x4096xi32, #tpu.memory_space<hbm>> -> memref<1x4096xi32, #tpu.memory_space<hbm>>
      %dma_wait3A_161 = tpu.memref_squeeze %dma_wait3A_160 : memref<1x4096xi32, #tpu.memory_space<hbm>> -> memref<4096xi32, #tpu.memory_space<hbm>>
      tpu.wait_dma2 semaphore(%run_scoped3A : memref<!tpu.dma_semaphore, #tpu.memory_space<semaphore_mem>>) src(%dma_wait3A_161 : memref<4096xi32, #tpu.memory_space<hbm>>) dst(%arg8 : memref<4096xi32, #tpu.memory_space<vmem>>)
      tpu.yield
    }) : () -> ()
    %scan3A_100 = arith.constant 0 : i32
    %scan3A_101 = arith.constant 0 : i32
    %scan3A_102 = arith.constant 256 : i32
    %scan3A_103 = arith.addi %scan3A_101, %scan3A_102 : i32
    %scan3A_104 = arith.constant 1 : i32
    scf.for %scan3A_152 = %scan3A_101 to %scan3A_103 step %scan3A_104  : i32 {
      %mul3A_153 = arith.constant 16 : i32
      %mul3A_154 = arith.muli %scan3A_152, %mul3A_153 : i32
      %get3A = arith.index_cast %mul3A_154 : i32 to index
      %get3A_155 = tpu.vector_load %arg8[%get3A] {strides = array<i32>} : memref<4096xi32, #tpu.memory_space<vmem>>, vector<16xi32>,
      %iota3A = tpu.iota {dimensions = array<i32: 0>} : vector<16xi32>
      %mul3A_156 = arith.constant 16 : i32
      %mul3A_157 = arith.muli %scan3A_152, %mul3A_156 : i32
      %add3A_158 = vector.broadcast %mul3A_157 : i32 to vector<16xi32>
      %add3A_159 = arith.addi %iota3A, %add3A_158 : vector<16xi32>
      tpu.vector_store_idx %arg9[%get3A_155], %add3A_159 : memref<4096xi32, #tpu.memory_space<vmem>>[vector<16xi32>], vector<16xi32>,
    }
    %scan3A_105 = arith.constant 256 : i32
    "tpu.region"() ({
      %run_scoped3A = tpu.sem_alloc : memref<!tpu.dma_semaphore, #tpu.memory_space<semaphore_mem>>
      %dma_start3A = arith.constant 0 : i32
      %dma_start3A_152 = tpu.memref_slice %arg6[%add3A_75, %dma_start3A] : memref<128x4096xi32, #tpu.memory_space<hbm>> -> memref<1x4096xi32, #tpu.memory_space<hbm>>
      %dma_start3A_153 = tpu.memref_squeeze %dma_start3A_152 : memref<1x4096xi32, #tpu.memory_space<hbm>> -> memref<4096xi32, #tpu.memory_space<hbm>>
      %dma_start3A_154 = arith.constant 0 : i32
      %dma_start3A_155 = tpu.memref_slice %arg6[%add3A_75, %dma_start3A_154] : memref<128x4096xi32, #tpu.memory_space<hbm>> -> memref<1x4096xi32, #tpu.memory_space<hbm>>
      %dma_start3A_156 = tpu.memref_squeeze %dma_start3A_155 : memref<1x4096xi32, #tpu.memory_space<hbm>> -> memref<4096xi32, #tpu.memory_space<hbm>>
      tpu.enqueue_dma source(%arg9 : memref<4096xi32, #tpu.memory_space<vmem>>) target(%dma_start3A_156 : memref<4096xi32, #tpu.memory_space<hbm>>) target_semaphore(%run_scoped3A : memref<!tpu.dma_semaphore, #tpu.memory_space<semaphore_mem>>)
      %dma_wait3A = arith.constant 0 : i32
      %dma_wait3A_157 = tpu.memref_slice %arg6[%add3A_75, %dma_wait3A] : memref<128x4096xi32, #tpu.memory_space<hbm>> -> memref<1x4096xi32, #tpu.memory_space<hbm>>
      %dma_wait3A_158 = tpu.memref_squeeze %dma_wait3A_157 : memref<1x4096xi32, #tpu.memory_space<hbm>> -> memref<4096xi32, #tpu.memory_space<hbm>>
      %dma_wait3A_159 = arith.constant 0 : i32
      %dma_wait3A_160 = tpu.memref_slice %arg6[%add3A_75, %dma_wait3A_159] : memref<128x4096xi32, #tpu.memory_space<hbm>> -> memref<1x4096xi32, #tpu.memory_space<hbm>>
      %dma_wait3A_161 = tpu.memref_squeeze %dma_wait3A_160 : memref<1x4096xi32, #tpu.memory_space<hbm>> -> memref<4096xi32, #tpu.memory_space<hbm>>
      tpu.wait_dma2 semaphore(%run_scoped3A : memref<!tpu.dma_semaphore, #tpu.memory_space<semaphore_mem>>) src(%arg9 : memref<4096xi32, #tpu.memory_space<vmem>>) dst(%dma_wait3A_161 : memref<4096xi32, #tpu.memory_space<hbm>>)
      tpu.yield
    }) : () -> ()
    %scan3A_106 = arith.constant 0 : i32
    %scan3A_107 = arith.constant 0 : i32
    %scan3A_108 = arith.constant 8 : i32
    %scan3A_109 = arith.addi %scan3A_107, %scan3A_108 : i32
    %scan3A_110 = arith.constant 1 : i32
    scf.for %scan3A_152 = %scan3A_107 to %scan3A_109 step %scan3A_110  : i32 {
      %mul3A_153 = arith.constant 512 : i32
      %mul3A_154 = arith.muli %scan3A_152, %mul3A_153 : i32
      "tpu.region"() ({
        %run_scoped3A = tpu.sem_alloc : memref<!tpu.dma_semaphore, #tpu.memory_space<semaphore_mem>>
        %dma_start3A_241 = arith.constant 0 : i32
        %dma_start3A_242 = tpu.memref_slice %arg2[%select_n3A_99, %mul3A_154, %dma_start3A_241] : memref<16x4096x128xf32, #tpu.memory_space<hbm>> -> memref<1x512x128xf32, #tpu.memory_space<hbm>>
        %dma_start3A_243 = tpu.memref_squeeze %dma_start3A_242 : memref<1x512x128xf32, #tpu.memory_space<hbm>> -> memref<512x128xf32, #tpu.memory_space<hbm>>
        %dma_start3A_244 = arith.constant 0 : i32
        %dma_start3A_245 = tpu.memref_slice %arg2[%select_n3A_99, %mul3A_154, %dma_start3A_244] : memref<16x4096x128xf32, #tpu.memory_space<hbm>> -> memref<1x512x128xf32, #tpu.memory_space<hbm>>
        %dma_start3A_246 = tpu.memref_squeeze %dma_start3A_245 : memref<1x512x128xf32, #tpu.memory_space<hbm>> -> memref<512x128xf32, #tpu.memory_space<hbm>>
        tpu.enqueue_dma source(%dma_start3A_246 : memref<512x128xf32, #tpu.memory_space<hbm>>) target(%arg10 : memref<512x128xf32, #tpu.memory_space<vmem>>) target_semaphore(%run_scoped3A : memref<!tpu.dma_semaphore, #tpu.memory_space<semaphore_mem>>)
        %dma_wait3A_247 = arith.constant 0 : i32
        %dma_wait3A_248 = tpu.memref_slice %arg2[%select_n3A_99, %mul3A_154, %dma_wait3A_247] : memref<16x4096x128xf32, #tpu.memory_space<hbm>> -> memref<1x512x128xf32, #tpu.memory_space<hbm>>
        %dma_wait3A_249 = tpu.memref_squeeze %dma_wait3A_248 : memref<1x512x128xf32, #tpu.memory_space<hbm>> -> memref<512x128xf32, #tpu.memory_space<hbm>>
        %dma_wait3A_250 = arith.constant 0 : i32
        %dma_wait3A_251 = tpu.memref_slice %arg2[%select_n3A_99, %mul3A_154, %dma_wait3A_250] : memref<16x4096x128xf32, #tpu.memory_space<hbm>> -> memref<1x512x128xf32, #tpu.memory_space<hbm>>
        %dma_wait3A_252 = tpu.memref_squeeze %dma_wait3A_251 : memref<1x512x128xf32, #tpu.memory_space<hbm>> -> memref<512x128xf32, #tpu.memory_space<hbm>>
        tpu.wait_dma2 semaphore(%run_scoped3A : memref<!tpu.dma_semaphore, #tpu.memory_space<semaphore_mem>>) src(%dma_wait3A_252 : memref<512x128xf32, #tpu.memory_space<hbm>>) dst(%arg10 : memref<512x128xf32, #tpu.memory_space<vmem>>)
        tpu.yield
      }) : () -> ()
      %mul3A_155 = arith.constant 4 : i32
      %mul3A_156 = arith.muli %scan3A_152, %mul3A_155 : i32
      %add3A_157 = arith.constant 0 : i32
      %add3A_158 = arith.addi %mul3A_156, %add3A_157 : i32
      %dma_start3A = arith.constant 0 : i32
      %dma_start3A_159 = arith.constant 0 : i32
      %dma_start3A_160 = tpu.memref_slice %arg10[%dma_start3A, %dma_start3A_159] : memref<512x128xf32, #tpu.memory_space<vmem>> -> memref<128x128xf32, #tpu.memory_space<vmem>>
      %dma_start3A_161 = arith.constant 0 : i32
      %dma_start3A_162 = tpu.memref_slice %arg7[%add3A_158, %dma_start3A_161] : memref<32x128xi32, #tpu.memory_space<vmem>> -> memref<1x128xi32, #tpu.memory_space<vmem>>
      %dma_start3A_163 = tpu.memref_squeeze %dma_start3A_162 : memref<1x128xi32, #tpu.memory_space<vmem>> -> memref<128xi32, #tpu.memory_space<vmem>>
      %dma_start3A_164 = arith.constant 0 : i32
      %dma_start3A_165 = arith.constant 0 : i32
      %dma_start3A_166 = tpu.memref_slice %arg5[%dma_start3A_164, %dma_start3A_165] : memref<524288x128xf32, #tpu.memory_space<hbm>> -> memref<524288x128xf32, #tpu.memory_space<hbm>>
      tpu.enqueue_indirect_dma source(%dma_start3A_160 : memref<128x128xf32, #tpu.memory_space<vmem>>) target(%dma_start3A_166 : memref<524288x128xf32, #tpu.memory_space<hbm>>) offsets(%dma_start3A_163 : memref<128xi32, #tpu.memory_space<vmem>>) semaphore(%arg11 : memref<!tpu.dma_semaphore, #tpu.memory_space<semaphore_mem>>)
      %mul3A_167 = arith.constant 4 : i32
      %mul3A_168 = arith.muli %scan3A_152, %mul3A_167 : i32
      %add3A_169 = arith.constant 1 : i32
      %add3A_170 = arith.addi %mul3A_168, %add3A_169 : i32
      %dma_start3A_171 = arith.constant 128 : i32
      %dma_start3A_172 = arith.constant 0 : i32
      %dma_start3A_173 = tpu.memref_slice %arg10[%dma_start3A_171, %dma_start3A_172] : memref<512x128xf32, #tpu.memory_space<vmem>> -> memref<128x128xf32, #tpu.memory_space<vmem>>
      %dma_start3A_174 = arith.constant 0 : i32
      %dma_start3A_175 = tpu.memref_slice %arg7[%add3A_170, %dma_start3A_174] : memref<32x128xi32, #tpu.memory_space<vmem>> -> memref<1x128xi32, #tpu.memory_space<vmem>>
      %dma_start3A_176 = tpu.memref_squeeze %dma_start3A_175 : memref<1x128xi32, #tpu.memory_space<vmem>> -> memref<128xi32, #tpu.memory_space<vmem>>
      %dma_start3A_177 = arith.constant 0 : i32
      %dma_start3A_178 = arith.constant 0 : i32
      %dma_start3A_179 = tpu.memref_slice %arg5[%dma_start3A_177, %dma_start3A_178] : memref<524288x128xf32, #tpu.memory_space<hbm>> -> memref<524288x128xf32, #tpu.memory_space<hbm>>
      tpu.enqueue_indirect_dma source(%dma_start3A_173 : memref<128x128xf32, #tpu.memory_space<vmem>>) target(%dma_start3A_179 : memref<524288x128xf32, #tpu.memory_space<hbm>>) offsets(%dma_start3A_176 : memref<128xi32, #tpu.memory_space<vmem>>) semaphore(%arg11 : memref<!tpu.dma_semaphore, #tpu.memory_space<semaphore_mem>>)
      %mul3A_180 = arith.constant 4 : i32
      %mul3A_181 = arith.muli %scan3A_152, %mul3A_180 : i32
      %add3A_182 = arith.constant 2 : i32
      %add3A_183 = arith.addi %mul3A_181, %add3A_182 : i32
      %dma_start3A_184 = arith.constant 256 : i32
      %dma_start3A_185 = arith.constant 0 : i32
      %dma_start3A_186 = tpu.memref_slice %arg10[%dma_start3A_184, %dma_start3A_185] : memref<512x128xf32, #tpu.memory_space<vmem>> -> memref<128x128xf32, #tpu.memory_space<vmem>>
      %dma_start3A_187 = arith.constant 0 : i32
      %dma_start3A_188 = tpu.memref_slice %arg7[%add3A_183, %dma_start3A_187] : memref<32x128xi32, #tpu.memory_space<vmem>> -> memref<1x128xi32, #tpu.memory_space<vmem>>
      %dma_start3A_189 = tpu.memref_squeeze %dma_start3A_188 : memref<1x128xi32, #tpu.memory_space<vmem>> -> memref<128xi32, #tpu.memory_space<vmem>>
      %dma_start3A_190 = arith.constant 0 : i32
      %dma_start3A_191 = arith.constant 0 : i32
      %dma_start3A_192 = tpu.memref_slice %arg5[%dma_start3A_190, %dma_start3A_191] : memref<524288x128xf32, #tpu.memory_space<hbm>> -> memref<524288x128xf32, #tpu.memory_space<hbm>>
      tpu.enqueue_indirect_dma source(%dma_start3A_186 : memref<128x128xf32, #tpu.memory_space<vmem>>) target(%dma_start3A_192 : memref<524288x128xf32, #tpu.memory_space<hbm>>) offsets(%dma_start3A_189 : memref<128xi32, #tpu.memory_space<vmem>>) semaphore(%arg11 : memref<!tpu.dma_semaphore, #tpu.memory_space<semaphore_mem>>)
      %mul3A_193 = arith.constant 4 : i32
      %mul3A_194 = arith.muli %scan3A_152, %mul3A_193 : i32
      %add3A_195 = arith.constant 3 : i32
      %add3A_196 = arith.addi %mul3A_194, %add3A_195 : i32
      %dma_start3A_197 = arith.constant 384 : i32
      %dma_start3A_198 = arith.constant 0 : i32
      %dma_start3A_199 = tpu.memref_slice %arg10[%dma_start3A_197, %dma_start3A_198] : memref<512x128xf32, #tpu.memory_space<vmem>> -> memref<128x128xf32, #tpu.memory_space<vmem>>
      %dma_start3A_200 = arith.constant 0 : i32
      %dma_start3A_201 = tpu.memref_slice %arg7[%add3A_196, %dma_start3A_200] : memref<32x128xi32, #tpu.memory_space<vmem>> -> memref<1x128xi32, #tpu.memory_space<vmem>>
      %dma_start3A_202 = tpu.memref_squeeze %dma_start3A_201 : memref<1x128xi32, #tpu.memory_space<vmem>> -> memref<128xi32, #tpu.memory_space<vmem>>
      %dma_start3A_203 = arith.constant 0 : i32
      %dma_start3A_204 = arith.constant 0 : i32
      %dma_start3A_205 = tpu.memref_slice %arg5[%dma_start3A_203, %dma_start3A_204] : memref<524288x128xf32, #tpu.memory_space<hbm>> -> memref<524288x128xf32, #tpu.memory_space<hbm>>
      tpu.enqueue_indirect_dma source(%dma_start3A_199 : memref<128x128xf32, #tpu.memory_space<vmem>>) target(%dma_start3A_205 : memref<524288x128xf32, #tpu.memory_space<hbm>>) offsets(%dma_start3A_202 : memref<128xi32, #tpu.memory_space<vmem>>) semaphore(%arg11 : memref<!tpu.dma_semaphore, #tpu.memory_space<semaphore_mem>>)
      %dma_wait3A = arith.constant 0 : i32
      %dma_wait3A_206 = arith.constant 0 : i32
      %dma_wait3A_207 = tpu.memref_slice %arg10[%dma_wait3A, %dma_wait3A_206] : memref<512x128xf32, #tpu.memory_space<vmem>> -> memref<128x128xf32, #tpu.memory_space<vmem>>
      %dma_wait3A_208 = arith.constant 0 : i32
      %dma_wait3A_209 = tpu.memref_slice %arg7[%add3A_158, %dma_wait3A_208] : memref<32x128xi32, #tpu.memory_space<vmem>> -> memref<1x128xi32, #tpu.memory_space<vmem>>
      %dma_wait3A_210 = tpu.memref_squeeze %dma_wait3A_209 : memref<1x128xi32, #tpu.memory_space<vmem>> -> memref<128xi32, #tpu.memory_space<vmem>>
      %dma_wait3A_211 = arith.constant 0 : i32
      %dma_wait3A_212 = arith.constant 0 : i32
      %dma_wait3A_213 = tpu.memref_slice %arg5[%dma_wait3A_211, %dma_wait3A_212] : memref<524288x128xf32, #tpu.memory_space<hbm>> -> memref<524288x128xf32, #tpu.memory_space<hbm>>
      tpu.wait_indirect_dma semaphore(%arg11 : memref<!tpu.dma_semaphore, #tpu.memory_space<semaphore_mem>>) src(%dma_wait3A_207 : memref<128x128xf32, #tpu.memory_space<vmem>>) dst(%dma_wait3A_213 : memref<524288x128xf32, #tpu.memory_space<hbm>>)
      %dma_wait3A_214 = arith.constant 128 : i32
      %dma_wait3A_215 = arith.constant 0 : i32
      %dma_wait3A_216 = tpu.memref_slice %arg10[%dma_wait3A_214, %dma_wait3A_215] : memref<512x128xf32, #tpu.memory_space<vmem>> -> memref<128x128xf32, #tpu.memory_space<vmem>>
      %dma_wait3A_217 = arith.constant 0 : i32
      %dma_wait3A_218 = tpu.memref_slice %arg7[%add3A_170, %dma_wait3A_217] : memref<32x128xi32, #tpu.memory_space<vmem>> -> memref<1x128xi32, #tpu.memory_space<vmem>>
      %dma_wait3A_219 = tpu.memref_squeeze %dma_wait3A_218 : memref<1x128xi32, #tpu.memory_space<vmem>> -> memref<128xi32, #tpu.memory_space<vmem>>
      %dma_wait3A_220 = arith.constant 0 : i32
      %dma_wait3A_221 = arith.constant 0 : i32
      %dma_wait3A_222 = tpu.memref_slice %arg5[%dma_wait3A_220, %dma_wait3A_221] : memref<524288x128xf32, #tpu.memory_space<hbm>> -> memref<524288x128xf32, #tpu.memory_space<hbm>>
      tpu.wait_indirect_dma semaphore(%arg11 : memref<!tpu.dma_semaphore, #tpu.memory_space<semaphore_mem>>) src(%dma_wait3A_216 : memref<128x128xf32, #tpu.memory_space<vmem>>) dst(%dma_wait3A_222 : memref<524288x128xf32, #tpu.memory_space<hbm>>)
      %dma_wait3A_223 = arith.constant 256 : i32
      %dma_wait3A_224 = arith.constant 0 : i32
      %dma_wait3A_225 = tpu.memref_slice %arg10[%dma_wait3A_223, %dma_wait3A_224] : memref<512x128xf32, #tpu.memory_space<vmem>> -> memref<128x128xf32, #tpu.memory_space<vmem>>
      %dma_wait3A_226 = arith.constant 0 : i32
      %dma_wait3A_227 = tpu.memref_slice %arg7[%add3A_183, %dma_wait3A_226] : memref<32x128xi32, #tpu.memory_space<vmem>> -> memref<1x128xi32, #tpu.memory_space<vmem>>
      %dma_wait3A_228 = tpu.memref_squeeze %dma_wait3A_227 : memref<1x128xi32, #tpu.memory_space<vmem>> -> memref<128xi32, #tpu.memory_space<vmem>>
      %dma_wait3A_229 = arith.constant 0 : i32
      %dma_wait3A_230 = arith.constant 0 : i32
      %dma_wait3A_231 = tpu.memref_slice %arg5[%dma_wait3A_229, %dma_wait3A_230] : memref<524288x128xf32, #tpu.memory_space<hbm>> -> memref<524288x128xf32, #tpu.memory_space<hbm>>
      tpu.wait_indirect_dma semaphore(%arg11 : memref<!tpu.dma_semaphore, #tpu.memory_space<semaphore_mem>>) src(%dma_wait3A_225 : memref<128x128xf32, #tpu.memory_space<vmem>>) dst(%dma_wait3A_231 : memref<524288x128xf32, #tpu.memory_space<hbm>>)
      %dma_wait3A_232 = arith.constant 384 : i32
      %dma_wait3A_233 = arith.constant 0 : i32
      %dma_wait3A_234 = tpu.memref_slice %arg10[%dma_wait3A_232, %dma_wait3A_233] : memref<512x128xf32, #tpu.memory_space<vmem>> -> memref<128x128xf32, #tpu.memory_space<vmem>>
      %dma_wait3A_235 = arith.constant 0 : i32
      %dma_wait3A_236 = tpu.memref_slice %arg7[%add3A_196, %dma_wait3A_235] : memref<32x128xi32, #tpu.memory_space<vmem>> -> memref<1x128xi32, #tpu.memory_space<vmem>>
      %dma_wait3A_237 = tpu.memref_squeeze %dma_wait3A_236 : memref<1x128xi32, #tpu.memory_space<vmem>> -> memref<128xi32, #tpu.memory_space<vmem>>
      %dma_wait3A_238 = arith.constant 0 : i32
      %dma_wait3A_239 = arith.constant 0 : i32
      %dma_wait3A_240 = tpu.memref_slice %arg5[%dma_wait3A_238, %dma_wait3A_239] : memref<524288x128xf32, #tpu.memory_space<hbm>> -> memref<524288x128xf32, #tpu.memory_space<hbm>>
      tpu.wait_indirect_dma semaphore(%arg11 : memref<!tpu.dma_semaphore, #tpu.memory_space<semaphore_mem>>) src(%dma_wait3A_234 : memref<128x128xf32, #tpu.memory_space<vmem>>) dst(%dma_wait3A_240 : memref<524288x128xf32, #tpu.memory_space<hbm>>)
    }
    %scan3A_111 = arith.constant 8 : i32
    %mul3A_112 = arith.constant 4 : i32
    %mul3A_113 = arith.muli %add3A, %mul3A_112 : i32
    %add3A_114 = arith.constant 3 : i32
    %add3A_115 = arith.addi %mul3A_113, %add3A_114 : i32
    %jit3A_116 = arith.constant 8 : i32
    %div3A_117 = arith.divsi %add3A_115, %jit3A_116 : i32
    %sign3A_118 = arith.constant 0 : i32
    %sign3A_119 = arith.cmpi sgt, %add3A_115, %sign3A_118 : i32
    %sign3A_120 = arith.extui %sign3A_119 : i1 to i32
    %sign3A_121 = arith.constant 0 : i32
    %sign3A_122 = arith.cmpi slt, %add3A_115, %sign3A_121 : i32
    %sign3A_123 = arith.extui %sign3A_122 : i1 to i32
    %sign3A_124 = arith.subi %sign3A_120, %sign3A_123 : i32
    %sign3A_125 = arith.constant 0 : i32
    %sign3A_126 = arith.cmpi sgt, %jit3A_116, %sign3A_125 : i32
    %sign3A_127 = arith.extui %sign3A_126 : i1 to i32
    %sign3A_128 = arith.constant 0 : i32
    %sign3A_129 = arith.cmpi slt, %jit3A_116, %sign3A_128 : i32
    %sign3A_130 = arith.extui %sign3A_129 : i1 to i32
    %sign3A_131 = arith.subi %sign3A_127, %sign3A_130 : i32
    %ne3A_132 = arith.cmpi ne, %sign3A_124, %sign3A_131 : i32
    %rem3A_133 = arith.remsi %add3A_115, %jit3A_116 : i32
    %ne3A_134 = arith.constant 0 : i32
    %ne3A_135 = arith.cmpi ne, %rem3A_133, %ne3A_134 : i32
    %and3A_136 = arith.andi %ne3A_132, %ne3A_135 : i1
    %sub3A_137 = arith.constant 1 : i32
    %sub3A_138 = arith.subi %div3A_117, %sub3A_137 : i32
    %select_n3A_139 = arith.select %and3A_136, %sub3A_138, %div3A_117 : i32
    "tpu.region"() ({
      %run_scoped3A = tpu.sem_alloc : memref<!tpu.dma_semaphore, #tpu.memory_space<semaphore_mem>>
      %dma_start3A = arith.constant 0 : i32
      %dma_start3A_152 = arith.constant 0 : i32
      %dma_start3A_153 = tpu.memref_slice %arg3[%add3A_115, %dma_start3A, %dma_start3A_152] : memref<128x32x128xi32, #tpu.memory_space<hbm>> -> memref<1x32x128xi32, #tpu.memory_space<hbm>>
      %dma_start3A_154 = tpu.memref_squeeze %dma_start3A_153 : memref<1x32x128xi32, #tpu.memory_space<hbm>> -> memref<32x128xi32, #tpu.memory_space<hbm>>
      %dma_start3A_155 = arith.constant 0 : i32
      %dma_start3A_156 = arith.constant 0 : i32
      %dma_start3A_157 = tpu.memref_slice %arg3[%add3A_115, %dma_start3A_155, %dma_start3A_156] : memref<128x32x128xi32, #tpu.memory_space<hbm>> -> memref<1x32x128xi32, #tpu.memory_space<hbm>>
      %dma_start3A_158 = tpu.memref_squeeze %dma_start3A_157 : memref<1x32x128xi32, #tpu.memory_space<hbm>> -> memref<32x128xi32, #tpu.memory_space<hbm>>
      tpu.enqueue_dma source(%dma_start3A_158 : memref<32x128xi32, #tpu.memory_space<hbm>>) target(%arg7 : memref<32x128xi32, #tpu.memory_space<vmem>>) target_semaphore(%run_scoped3A : memref<!tpu.dma_semaphore, #tpu.memory_space<semaphore_mem>>)
      %dma_wait3A = arith.constant 0 : i32
      %dma_wait3A_159 = arith.constant 0 : i32
      %dma_wait3A_160 = tpu.memref_slice %arg3[%add3A_115, %dma_wait3A, %dma_wait3A_159] : memref<128x32x128xi32, #tpu.memory_space<hbm>> -> memref<1x32x128xi32, #tpu.memory_space<hbm>>
      %dma_wait3A_161 = tpu.memref_squeeze %dma_wait3A_160 : memref<1x32x128xi32, #tpu.memory_space<hbm>> -> memref<32x128xi32, #tpu.memory_space<hbm>>
      %dma_wait3A_162 = arith.constant 0 : i32
      %dma_wait3A_163 = arith.constant 0 : i32
      %dma_wait3A_164 = tpu.memref_slice %arg3[%add3A_115, %dma_wait3A_162, %dma_wait3A_163] : memref<128x32x128xi32, #tpu.memory_space<hbm>> -> memref<1x32x128xi32, #tpu.memory_space<hbm>>
      %dma_wait3A_165 = tpu.memref_squeeze %dma_wait3A_164 : memref<1x32x128xi32, #tpu.memory_space<hbm>> -> memref<32x128xi32, #tpu.memory_space<hbm>>
      tpu.wait_dma2 semaphore(%run_scoped3A : memref<!tpu.dma_semaphore, #tpu.memory_space<semaphore_mem>>) src(%dma_wait3A_165 : memref<32x128xi32, #tpu.memory_space<hbm>>) dst(%arg7 : memref<32x128xi32, #tpu.memory_space<vmem>>)
      tpu.yield
    }) : () -> ()
    "tpu.region"() ({
      %run_scoped3A = tpu.sem_alloc : memref<!tpu.dma_semaphore, #tpu.memory_space<semaphore_mem>>
      %dma_start3A = arith.constant 0 : i32
      %dma_start3A_152 = tpu.memref_slice %arg4[%add3A_115, %dma_start3A] : memref<128x4096xi32, #tpu.memory_space<hbm>> -> memref<1x4096xi32, #tpu.memory_space<hbm>>
      %dma_start3A_153 = tpu.memref_squeeze %dma_start3A_152 : memref<1x4096xi32, #tpu.memory_space<hbm>> -> memref<4096xi32, #tpu.memory_space<hbm>>
      %dma_start3A_154 = arith.constant 0 : i32
      %dma_start3A_155 = tpu.memref_slice %arg4[%add3A_115, %dma_start3A_154] : memref<128x4096xi32, #tpu.memory_space<hbm>> -> memref<1x4096xi32, #tpu.memory_space<hbm>>
      %dma_start3A_156 = tpu.memref_squeeze %dma_start3A_155 : memref<1x4096xi32, #tpu.memory_space<hbm>> -> memref<4096xi32, #tpu.memory_space<hbm>>
      tpu.enqueue_dma source(%dma_start3A_156 : memref<4096xi32, #tpu.memory_space<hbm>>) target(%arg8 : memref<4096xi32, #tpu.memory_space<vmem>>) target_semaphore(%run_scoped3A : memref<!tpu.dma_semaphore, #tpu.memory_space<semaphore_mem>>)
      %dma_wait3A = arith.constant 0 : i32
      %dma_wait3A_157 = tpu.memref_slice %arg4[%add3A_115, %dma_wait3A] : memref<128x4096xi32, #tpu.memory_space<hbm>> -> memref<1x4096xi32, #tpu.memory_space<hbm>>
      %dma_wait3A_158 = tpu.memref_squeeze %dma_wait3A_157 : memref<1x4096xi32, #tpu.memory_space<hbm>> -> memref<4096xi32, #tpu.memory_space<hbm>>
      %dma_wait3A_159 = arith.constant 0 : i32
      %dma_wait3A_160 = tpu.memref_slice %arg4[%add3A_115, %dma_wait3A_159] : memref<128x4096xi32, #tpu.memory_space<hbm>> -> memref<1x4096xi32, #tpu.memory_space<hbm>>
      %dma_wait3A_161 = tpu.memref_squeeze %dma_wait3A_160 : memref<1x4096xi32, #tpu.memory_space<hbm>> -> memref<4096xi32, #tpu.memory_space<hbm>>
      tpu.wait_dma2 semaphore(%run_scoped3A : memref<!tpu.dma_semaphore, #tpu.memory_space<semaphore_mem>>) src(%dma_wait3A_161 : memref<4096xi32, #tpu.memory_space<hbm>>) dst(%arg8 : memref<4096xi32, #tpu.memory_space<vmem>>)
      tpu.yield
    }) : () -> ()
    %scan3A_140 = arith.constant 0 : i32
    %scan3A_141 = arith.constant 0 : i32
    %scan3A_142 = arith.constant 256 : i32
    %scan3A_143 = arith.addi %scan3A_141, %scan3A_142 : i32
    %scan3A_144 = arith.constant 1 : i32
    scf.for %scan3A_152 = %scan3A_141 to %scan3A_143 step %scan3A_144  : i32 {
      %mul3A_153 = arith.constant 16 : i32
      %mul3A_154 = arith.muli %scan3A_152, %mul3A_153 : i32
      %get3A = arith.index_cast %mul3A_154 : i32 to index
      %get3A_155 = tpu.vector_load %arg8[%get3A] {strides = array<i32>} : memref<4096xi32, #tpu.memory_space<vmem>>, vector<16xi32>,
      %iota3A = tpu.iota {dimensions = array<i32: 0>} : vector<16xi32>
      %mul3A_156 = arith.constant 16 : i32
      %mul3A_157 = arith.muli %scan3A_152, %mul3A_156 : i32
      %add3A_158 = vector.broadcast %mul3A_157 : i32 to vector<16xi32>
      %add3A_159 = arith.addi %iota3A, %add3A_158 : vector<16xi32>
      tpu.vector_store_idx %arg9[%get3A_155], %add3A_159 : memref<4096xi32, #tpu.memory_space<vmem>>[vector<16xi32>], vector<16xi32>,
    }
    %scan3A_145 = arith.constant 256 : i32
    "tpu.region"() ({
      %run_scoped3A = tpu.sem_alloc : memref<!tpu.dma_semaphore, #tpu.memory_space<semaphore_mem>>
      %dma_start3A = arith.constant 0 : i32
      %dma_start3A_152 = tpu.memref_slice %arg6[%add3A_115, %dma_start3A] : memref<128x4096xi32, #tpu.memory_space<hbm>> -> memref<1x4096xi32, #tpu.memory_space<hbm>>
      %dma_start3A_153 = tpu.memref_squeeze %dma_start3A_152 : memref<1x4096xi32, #tpu.memory_space<hbm>> -> memref<4096xi32, #tpu.memory_space<hbm>>
      %dma_start3A_154 = arith.constant 0 : i32
      %dma_start3A_155 = tpu.memref_slice %arg6[%add3A_115, %dma_start3A_154] : memref<128x4096xi32, #tpu.memory_space<hbm>> -> memref<1x4096xi32, #tpu.memory_space<hbm>>
      %dma_start3A_156 = tpu.memref_squeeze %dma_start3A_155 : memref<1x4096xi32, #tpu.memory_space<hbm>> -> memref<4096xi32, #tpu.memory_space<hbm>>
      tpu.enqueue_dma source(%arg9 : memref<4096xi32, #tpu.memory_space<vmem>>) target(%dma_start3A_156 : memref<4096xi32, #tpu.memory_space<hbm>>) target_semaphore(%run_scoped3A : memref<!tpu.dma_semaphore, #tpu.memory_space<semaphore_mem>>)
      %dma_wait3A = arith.constant 0 : i32
      %dma_wait3A_157 = tpu.memref_slice %arg6[%add3A_115, %dma_wait3A] : memref<128x4096xi32, #tpu.memory_space<hbm>> -> memref<1x4096xi32, #tpu.memory_space<hbm>>
      %dma_wait3A_158 = tpu.memref_squeeze %dma_wait3A_157 : memref<1x4096xi32, #tpu.memory_space<hbm>> -> memref<4096xi32, #tpu.memory_space<hbm>>
      %dma_wait3A_159 = arith.constant 0 : i32
      %dma_wait3A_160 = tpu.memref_slice %arg6[%add3A_115, %dma_wait3A_159] : memref<128x4096xi32, #tpu.memory_space<hbm>> -> memref<1x4096xi32, #tpu.memory_space<hbm>>
      %dma_wait3A_161 = tpu.memref_squeeze %dma_wait3A_160 : memref<1x4096xi32, #tpu.memory_space<hbm>> -> memref<4096xi32, #tpu.memory_space<hbm>>
      tpu.wait_dma2 semaphore(%run_scoped3A : memref<!tpu.dma_semaphore, #tpu.memory_space<semaphore_mem>>) src(%arg9 : memref<4096xi32, #tpu.memory_space<vmem>>) dst(%dma_wait3A_161 : memref<4096xi32, #tpu.memory_space<hbm>>)
      tpu.yield
    }) : () -> ()
    %scan3A_146 = arith.constant 0 : i32
    %scan3A_147 = arith.constant 0 : i32
    %scan3A_148 = arith.constant 8 : i32
    %scan3A_149 = arith.addi %scan3A_147, %scan3A_148 : i32
    %scan3A_150 = arith.constant 1 : i32
    scf.for %scan3A_152 = %scan3A_147 to %scan3A_149 step %scan3A_150  : i32 {
      %mul3A_153 = arith.constant 512 : i32
      %mul3A_154 = arith.muli %scan3A_152, %mul3A_153 : i32
      "tpu.region"() ({
        %run_scoped3A = tpu.sem_alloc : memref<!tpu.dma_semaphore, #tpu.memory_space<semaphore_mem>>
        %dma_start3A_241 = arith.constant 0 : i32
        %dma_start3A_242 = tpu.memref_slice %arg2[%select_n3A_139, %mul3A_154, %dma_start3A_241] : memref<16x4096x128xf32, #tpu.memory_space<hbm>> -> memref<1x512x128xf32, #tpu.memory_space<hbm>>
        %dma_start3A_243 = tpu.memref_squeeze %dma_start3A_242 : memref<1x512x128xf32, #tpu.memory_space<hbm>> -> memref<512x128xf32, #tpu.memory_space<hbm>>
        %dma_start3A_244 = arith.constant 0 : i32
        %dma_start3A_245 = tpu.memref_slice %arg2[%select_n3A_139, %mul3A_154, %dma_start3A_244] : memref<16x4096x128xf32, #tpu.memory_space<hbm>> -> memref<1x512x128xf32, #tpu.memory_space<hbm>>
        %dma_start3A_246 = tpu.memref_squeeze %dma_start3A_245 : memref<1x512x128xf32, #tpu.memory_space<hbm>> -> memref<512x128xf32, #tpu.memory_space<hbm>>
        tpu.enqueue_dma source(%dma_start3A_246 : memref<512x128xf32, #tpu.memory_space<hbm>>) target(%arg10 : memref<512x128xf32, #tpu.memory_space<vmem>>) target_semaphore(%run_scoped3A : memref<!tpu.dma_semaphore, #tpu.memory_space<semaphore_mem>>)
        %dma_wait3A_247 = arith.constant 0 : i32
        %dma_wait3A_248 = tpu.memref_slice %arg2[%select_n3A_139, %mul3A_154, %dma_wait3A_247] : memref<16x4096x128xf32, #tpu.memory_space<hbm>> -> memref<1x512x128xf32, #tpu.memory_space<hbm>>
        %dma_wait3A_249 = tpu.memref_squeeze %dma_wait3A_248 : memref<1x512x128xf32, #tpu.memory_space<hbm>> -> memref<512x128xf32, #tpu.memory_space<hbm>>
        %dma_wait3A_250 = arith.constant 0 : i32
        %dma_wait3A_251 = tpu.memref_slice %arg2[%select_n3A_139, %mul3A_154, %dma_wait3A_250] : memref<16x4096x128xf32, #tpu.memory_space<hbm>> -> memref<1x512x128xf32, #tpu.memory_space<hbm>>
        %dma_wait3A_252 = tpu.memref_squeeze %dma_wait3A_251 : memref<1x512x128xf32, #tpu.memory_space<hbm>> -> memref<512x128xf32, #tpu.memory_space<hbm>>
        tpu.wait_dma2 semaphore(%run_scoped3A : memref<!tpu.dma_semaphore, #tpu.memory_space<semaphore_mem>>) src(%dma_wait3A_252 : memref<512x128xf32, #tpu.memory_space<hbm>>) dst(%arg10 : memref<512x128xf32, #tpu.memory_space<vmem>>)
        tpu.yield
      }) : () -> ()
      %mul3A_155 = arith.constant 4 : i32
      %mul3A_156 = arith.muli %scan3A_152, %mul3A_155 : i32
      %add3A_157 = arith.constant 0 : i32
      %add3A_158 = arith.addi %mul3A_156, %add3A_157 : i32
      %dma_start3A = arith.constant 0 : i32
      %dma_start3A_159 = arith.constant 0 : i32
      %dma_start3A_160 = tpu.memref_slice %arg10[%dma_start3A, %dma_start3A_159] : memref<512x128xf32, #tpu.memory_space<vmem>> -> memref<128x128xf32, #tpu.memory_space<vmem>>
      %dma_start3A_161 = arith.constant 0 : i32
      %dma_start3A_162 = tpu.memref_slice %arg7[%add3A_158, %dma_start3A_161] : memref<32x128xi32, #tpu.memory_space<vmem>> -> memref<1x128xi32, #tpu.memory_space<vmem>>
      %dma_start3A_163 = tpu.memref_squeeze %dma_start3A_162 : memref<1x128xi32, #tpu.memory_space<vmem>> -> memref<128xi32, #tpu.memory_space<vmem>>
      %dma_start3A_164 = arith.constant 0 : i32
      %dma_start3A_165 = arith.constant 0 : i32
      %dma_start3A_166 = tpu.memref_slice %arg5[%dma_start3A_164, %dma_start3A_165] : memref<524288x128xf32, #tpu.memory_space<hbm>> -> memref<524288x128xf32, #tpu.memory_space<hbm>>
      tpu.enqueue_indirect_dma source(%dma_start3A_160 : memref<128x128xf32, #tpu.memory_space<vmem>>) target(%dma_start3A_166 : memref<524288x128xf32, #tpu.memory_space<hbm>>) offsets(%dma_start3A_163 : memref<128xi32, #tpu.memory_space<vmem>>) semaphore(%arg11 : memref<!tpu.dma_semaphore, #tpu.memory_space<semaphore_mem>>)
      %mul3A_167 = arith.constant 4 : i32
      %mul3A_168 = arith.muli %scan3A_152, %mul3A_167 : i32
      %add3A_169 = arith.constant 1 : i32
      %add3A_170 = arith.addi %mul3A_168, %add3A_169 : i32
      %dma_start3A_171 = arith.constant 128 : i32
      %dma_start3A_172 = arith.constant 0 : i32
      %dma_start3A_173 = tpu.memref_slice %arg10[%dma_start3A_171, %dma_start3A_172] : memref<512x128xf32, #tpu.memory_space<vmem>> -> memref<128x128xf32, #tpu.memory_space<vmem>>
      %dma_start3A_174 = arith.constant 0 : i32
      %dma_start3A_175 = tpu.memref_slice %arg7[%add3A_170, %dma_start3A_174] : memref<32x128xi32, #tpu.memory_space<vmem>> -> memref<1x128xi32, #tpu.memory_space<vmem>>
      %dma_start3A_176 = tpu.memref_squeeze %dma_start3A_175 : memref<1x128xi32, #tpu.memory_space<vmem>> -> memref<128xi32, #tpu.memory_space<vmem>>
      %dma_start3A_177 = arith.constant 0 : i32
      %dma_start3A_178 = arith.constant 0 : i32
      %dma_start3A_179 = tpu.memref_slice %arg5[%dma_start3A_177, %dma_start3A_178] : memref<524288x128xf32, #tpu.memory_space<hbm>> -> memref<524288x128xf32, #tpu.memory_space<hbm>>
      tpu.enqueue_indirect_dma source(%dma_start3A_173 : memref<128x128xf32, #tpu.memory_space<vmem>>) target(%dma_start3A_179 : memref<524288x128xf32, #tpu.memory_space<hbm>>) offsets(%dma_start3A_176 : memref<128xi32, #tpu.memory_space<vmem>>) semaphore(%arg11 : memref<!tpu.dma_semaphore, #tpu.memory_space<semaphore_mem>>)
      %mul3A_180 = arith.constant 4 : i32
      %mul3A_181 = arith.muli %scan3A_152, %mul3A_180 : i32
      %add3A_182 = arith.constant 2 : i32
      %add3A_183 = arith.addi %mul3A_181, %add3A_182 : i32
      %dma_start3A_184 = arith.constant 256 : i32
      %dma_start3A_185 = arith.constant 0 : i32
      %dma_start3A_186 = tpu.memref_slice %arg10[%dma_start3A_184, %dma_start3A_185] : memref<512x128xf32, #tpu.memory_space<vmem>> -> memref<128x128xf32, #tpu.memory_space<vmem>>
      %dma_start3A_187 = arith.constant 0 : i32
      %dma_start3A_188 = tpu.memref_slice %arg7[%add3A_183, %dma_start3A_187] : memref<32x128xi32, #tpu.memory_space<vmem>> -> memref<1x128xi32, #tpu.memory_space<vmem>>
      %dma_start3A_189 = tpu.memref_squeeze %dma_start3A_188 : memref<1x128xi32, #tpu.memory_space<vmem>> -> memref<128xi32, #tpu.memory_space<vmem>>
      %dma_start3A_190 = arith.constant 0 : i32
      %dma_start3A_191 = arith.constant 0 : i32
      %dma_start3A_192 = tpu.memref_slice %arg5[%dma_start3A_190, %dma_start3A_191] : memref<524288x128xf32, #tpu.memory_space<hbm>> -> memref<524288x128xf32, #tpu.memory_space<hbm>>
      tpu.enqueue_indirect_dma source(%dma_start3A_186 : memref<128x128xf32, #tpu.memory_space<vmem>>) target(%dma_start3A_192 : memref<524288x128xf32, #tpu.memory_space<hbm>>) offsets(%dma_start3A_189 : memref<128xi32, #tpu.memory_space<vmem>>) semaphore(%arg11 : memref<!tpu.dma_semaphore, #tpu.memory_space<semaphore_mem>>)
      %mul3A_193 = arith.constant 4 : i32
      %mul3A_194 = arith.muli %scan3A_152, %mul3A_193 : i32
      %add3A_195 = arith.constant 3 : i32
      %add3A_196 = arith.addi %mul3A_194, %add3A_195 : i32
      %dma_start3A_197 = arith.constant 384 : i32
      %dma_start3A_198 = arith.constant 0 : i32
      %dma_start3A_199 = tpu.memref_slice %arg10[%dma_start3A_197, %dma_start3A_198] : memref<512x128xf32, #tpu.memory_space<vmem>> -> memref<128x128xf32, #tpu.memory_space<vmem>>
      %dma_start3A_200 = arith.constant 0 : i32
      %dma_start3A_201 = tpu.memref_slice %arg7[%add3A_196, %dma_start3A_200] : memref<32x128xi32, #tpu.memory_space<vmem>> -> memref<1x128xi32, #tpu.memory_space<vmem>>
      %dma_start3A_202 = tpu.memref_squeeze %dma_start3A_201 : memref<1x128xi32, #tpu.memory_space<vmem>> -> memref<128xi32, #tpu.memory_space<vmem>>
      %dma_start3A_203 = arith.constant 0 : i32
      %dma_start3A_204 = arith.constant 0 : i32
      %dma_start3A_205 = tpu.memref_slice %arg5[%dma_start3A_203, %dma_start3A_204] : memref<524288x128xf32, #tpu.memory_space<hbm>> -> memref<524288x128xf32, #tpu.memory_space<hbm>>
      tpu.enqueue_indirect_dma source(%dma_start3A_199 : memref<128x128xf32, #tpu.memory_space<vmem>>) target(%dma_start3A_205 : memref<524288x128xf32, #tpu.memory_space<hbm>>) offsets(%dma_start3A_202 : memref<128xi32, #tpu.memory_space<vmem>>) semaphore(%arg11 : memref<!tpu.dma_semaphore, #tpu.memory_space<semaphore_mem>>)
      %dma_wait3A = arith.constant 0 : i32
      %dma_wait3A_206 = arith.constant 0 : i32
      %dma_wait3A_207 = tpu.memref_slice %arg10[%dma_wait3A, %dma_wait3A_206] : memref<512x128xf32, #tpu.memory_space<vmem>> -> memref<128x128xf32, #tpu.memory_space<vmem>>
      %dma_wait3A_208 = arith.constant 0 : i32
      %dma_wait3A_209 = tpu.memref_slice %arg7[%add3A_158, %dma_wait3A_208] : memref<32x128xi32, #tpu.memory_space<vmem>> -> memref<1x128xi32, #tpu.memory_space<vmem>>
      %dma_wait3A_210 = tpu.memref_squeeze %dma_wait3A_209 : memref<1x128xi32, #tpu.memory_space<vmem>> -> memref<128xi32, #tpu.memory_space<vmem>>
      %dma_wait3A_211 = arith.constant 0 : i32
      %dma_wait3A_212 = arith.constant 0 : i32
      %dma_wait3A_213 = tpu.memref_slice %arg5[%dma_wait3A_211, %dma_wait3A_212] : memref<524288x128xf32, #tpu.memory_space<hbm>> -> memref<524288x128xf32, #tpu.memory_space<hbm>>
      tpu.wait_indirect_dma semaphore(%arg11 : memref<!tpu.dma_semaphore, #tpu.memory_space<semaphore_mem>>) src(%dma_wait3A_207 : memref<128x128xf32, #tpu.memory_space<vmem>>) dst(%dma_wait3A_213 : memref<524288x128xf32, #tpu.memory_space<hbm>>)
      %dma_wait3A_214 = arith.constant 128 : i32
      %dma_wait3A_215 = arith.constant 0 : i32
      %dma_wait3A_216 = tpu.memref_slice %arg10[%dma_wait3A_214, %dma_wait3A_215] : memref<512x128xf32, #tpu.memory_space<vmem>> -> memref<128x128xf32, #tpu.memory_space<vmem>>
      %dma_wait3A_217 = arith.constant 0 : i32
      %dma_wait3A_218 = tpu.memref_slice %arg7[%add3A_170, %dma_wait3A_217] : memref<32x128xi32, #tpu.memory_space<vmem>> -> memref<1x128xi32, #tpu.memory_space<vmem>>
      %dma_wait3A_219 = tpu.memref_squeeze %dma_wait3A_218 : memref<1x128xi32, #tpu.memory_space<vmem>> -> memref<128xi32, #tpu.memory_space<vmem>>
      %dma_wait3A_220 = arith.constant 0 : i32
      %dma_wait3A_221 = arith.constant 0 : i32
      %dma_wait3A_222 = tpu.memref_slice %arg5[%dma_wait3A_220, %dma_wait3A_221] : memref<524288x128xf32, #tpu.memory_space<hbm>> -> memref<524288x128xf32, #tpu.memory_space<hbm>>
      tpu.wait_indirect_dma semaphore(%arg11 : memref<!tpu.dma_semaphore, #tpu.memory_space<semaphore_mem>>) src(%dma_wait3A_216 : memref<128x128xf32, #tpu.memory_space<vmem>>) dst(%dma_wait3A_222 : memref<524288x128xf32, #tpu.memory_space<hbm>>)
      %dma_wait3A_223 = arith.constant 256 : i32
      %dma_wait3A_224 = arith.constant 0 : i32
      %dma_wait3A_225 = tpu.memref_slice %arg10[%dma_wait3A_223, %dma_wait3A_224] : memref<512x128xf32, #tpu.memory_space<vmem>> -> memref<128x128xf32, #tpu.memory_space<vmem>>
      %dma_wait3A_226 = arith.constant 0 : i32
      %dma_wait3A_227 = tpu.memref_slice %arg7[%add3A_183, %dma_wait3A_226] : memref<32x128xi32, #tpu.memory_space<vmem>> -> memref<1x128xi32, #tpu.memory_space<vmem>>
      %dma_wait3A_228 = tpu.memref_squeeze %dma_wait3A_227 : memref<1x128xi32, #tpu.memory_space<vmem>> -> memref<128xi32, #tpu.memory_space<vmem>>
      %dma_wait3A_229 = arith.constant 0 : i32
      %dma_wait3A_230 = arith.constant 0 : i32
      %dma_wait3A_231 = tpu.memref_slice %arg5[%dma_wait3A_229, %dma_wait3A_230] : memref<524288x128xf32, #tpu.memory_space<hbm>> -> memref<524288x128xf32, #tpu.memory_space<hbm>>
      tpu.wait_indirect_dma semaphore(%arg11 : memref<!tpu.dma_semaphore, #tpu.memory_space<semaphore_mem>>) src(%dma_wait3A_225 : memref<128x128xf32, #tpu.memory_space<vmem>>) dst(%dma_wait3A_231 : memref<524288x128xf32, #tpu.memory_space<hbm>>)
      %dma_wait3A_232 = arith.constant 384 : i32
      %dma_wait3A_233 = arith.constant 0 : i32
      %dma_wait3A_234 = tpu.memref_slice %arg10[%dma_wait3A_232, %dma_wait3A_233] : memref<512x128xf32, #tpu.memory_space<vmem>> -> memref<128x128xf32, #tpu.memory_space<vmem>>
      %dma_wait3A_235 = arith.constant 0 : i32
      %dma_wait3A_236 = tpu.memref_slice %arg7[%add3A_196, %dma_wait3A_235] : memref<32x128xi32, #tpu.memory_space<vmem>> -> memref<1x128xi32, #tpu.memory_space<vmem>>
      %dma_wait3A_237 = tpu.memref_squeeze %dma_wait3A_236 : memref<1x128xi32, #tpu.memory_space<vmem>> -> memref<128xi32, #tpu.memory_space<vmem>>
      %dma_wait3A_238 = arith.constant 0 : i32
      %dma_wait3A_239 = arith.constant 0 : i32
      %dma_wait3A_240 = tpu.memref_slice %arg5[%dma_wait3A_238, %dma_wait3A_239] : memref<524288x128xf32, #tpu.memory_space<hbm>> -> memref<524288x128xf32, #tpu.memory_space<hbm>>
      tpu.wait_indirect_dma semaphore(%arg11 : memref<!tpu.dma_semaphore, #tpu.memory_space<semaphore_mem>>) src(%dma_wait3A_234 : memref<128x128xf32, #tpu.memory_space<vmem>>) dst(%dma_wait3A_240 : memref<524288x128xf32, #tpu.memory_space<hbm>>)
    }
    %scan3A_151 = arith.constant 8 : i32
    return
  }
}

module attributes {stable_mosaic.version = 14 : i64} {
  func.func @_hashpos_body(%arg0: i32, %arg1: memref<1x4096x64xf32, #tpu.memory_space<vmem>>, %arg2: memref<64x512xf32, #tpu.memory_space<vmem>>, %arg3: memref<1x8x4096xi32, #tpu.memory_space<vmem>>) attributes {dimension_semantics = [#tpu.dimension_semantics<arbitrary>], iteration_bounds = array<i64: 16>, scalar_prefetch = 0 : i64, scratch_operands = 0 : i64, tpu.core_type = #tpu.core_type<tc>, window_params = [{transform_indices = @transform_0, window_bounds = array<i64: 1, 4096, 64>}, {pipeline_mode = #tpu.pipeline_mode<synchronous>, transform_indices = @transform_1, window_bounds = array<i64: 64, 512>}, {transform_indices = @transform_2, window_bounds = array<i64: 1, 8, 4096>}]} {
    %get3A = arith.constant 0 : index
    %get3A_0 = arith.constant 0 : index
    %get3A_1 = arith.constant 0 : index
    %get3A_2 = vector.load %arg1[%get3A, %get3A_0, %get3A_1] : memref<1x4096x64xf32, #tpu.memory_space<vmem>>, vector<1x4096x64xf32>
    %get3A_3 = vector.shape_cast %get3A_2 : vector<1x4096x64xf32> to vector<4096x64xf32>
    %get3A_4 = arith.constant 0 : index
    %get3A_5 = arith.constant 0 : index
    %get3A_6 = vector.load %arg2[%get3A_4, %get3A_5] : memref<64x512xf32, #tpu.memory_space<vmem>>, vector<64x512xf32>
    %dot_general3A = arith.constant dense<0.000000e+00> : vector<4096x512xf32>
    %dot_general3A_7 = tpu.matmul %get3A_3, %get3A_6, %dot_general3A {dimension_numbers = #tpu.dot_dimension_numbers<[1], [0], [0], [1], [0, 0, 1, 1], [], []>, transpose_lhs_hint = false} : vector<4096x64xf32>, vector<64x512xf32>, vector<4096x512xf32> -> vector<4096x512xf32>
    %iota3A = tpu.iota {dimensions = array<i32: 0>} : vector<128x128xi32>
    %iota3A_8 = tpu.iota {dimensions = array<i32: 1>} : vector<128x128xi32>
    %gt3A = arith.cmpi sgt, %iota3A, %iota3A_8 : vector<128x128xi32>
    %convert_element_type3A = arith.extui %gt3A : vector<128x128xi1> to vector<128x128xi32>
    %convert_element_type3A_9 = arith.sitofp %convert_element_type3A : vector<128x128xi32> to vector<128x128xf32>
    %convert_element_type3A_10 = arith.truncf %convert_element_type3A_9 : vector<128x128xf32> to vector<128x128xbf16>
    %broadcast_in_dim3A = vector.shape_cast %convert_element_type3A_10 : vector<128x128xbf16> to vector<1x128x128xbf16>
    %broadcast_in_dim3A_11 = vector.shape_cast %broadcast_in_dim3A : vector<1x128x128xbf16> to vector<1x128x128xbf16>
    %broadcast_in_dim3A_12 = vector.broadcast %broadcast_in_dim3A_11 : vector<1x128x128xbf16> to vector<32x128x128xbf16>
    %iota3A_13 = tpu.iota {dimensions = array<i32: 0>} : vector<32x32xi32>
    %iota3A_14 = tpu.iota {dimensions = array<i32: 1>} : vector<32x32xi32>
    %gt3A_15 = arith.cmpi sgt, %iota3A_13, %iota3A_14 : vector<32x32xi32>
    %convert_element_type3A_16 = arith.extui %gt3A_15 : vector<32x32xi1> to vector<32x32xi32>
    %convert_element_type3A_17 = arith.sitofp %convert_element_type3A_16 : vector<32x32xi32> to vector<32x32xf32>
    %lt3A = arith.cmpi slt, %iota3A, %iota3A_8 : vector<128x128xi32>
    %jit3A = arith.constant 64 : i32
    %div3A = vector.broadcast %jit3A : i32 to vector<128x128xi32>
    %div3A_18 = arith.divsi %iota3A, %div3A : vector<128x128xi32>
    %sign3A = arith.constant 0 : i32
    %sign3A_19 = vector.broadcast %sign3A : i32 to vector<128x128xi32>
    %sign3A_20 = arith.cmpi sgt, %iota3A, %sign3A_19 : vector<128x128xi32>
    %sign3A_21 = arith.extui %sign3A_20 : vector<128x128xi1> to vector<128x128xi32>
    %sign3A_22 = arith.constant 0 : i32
    %sign3A_23 = vector.broadcast %sign3A_22 : i32 to vector<128x128xi32>
    %sign3A_24 = arith.cmpi slt, %iota3A, %sign3A_23 : vector<128x128xi32>
    %sign3A_25 = arith.extui %sign3A_24 : vector<128x128xi1> to vector<128x128xi32>
    %sign3A_26 = arith.subi %sign3A_21, %sign3A_25 : vector<128x128xi32>
    %sign3A_27 = arith.constant 0 : i32
    %sign3A_28 = arith.cmpi sgt, %jit3A, %sign3A_27 : i32
    %sign3A_29 = arith.extui %sign3A_28 : i1 to i32
    %sign3A_30 = arith.constant 0 : i32
    %sign3A_31 = arith.cmpi slt, %jit3A, %sign3A_30 : i32
    %sign3A_32 = arith.extui %sign3A_31 : i1 to i32
    %sign3A_33 = arith.subi %sign3A_29, %sign3A_32 : i32
    %ne3A = vector.broadcast %sign3A_33 : i32 to vector<128x128xi32>
    %ne3A_34 = arith.cmpi ne, %sign3A_26, %ne3A : vector<128x128xi32>
    %rem3A = vector.broadcast %jit3A : i32 to vector<128x128xi32>
    %rem3A_35 = arith.remsi %iota3A, %rem3A : vector<128x128xi32>
    %ne3A_36 = arith.constant 0 : i32
    %ne3A_37 = vector.broadcast %ne3A_36 : i32 to vector<128x128xi32>
    %ne3A_38 = arith.cmpi ne, %rem3A_35, %ne3A_37 : vector<128x128xi32>
    %and3A = arith.andi %ne3A_34, %ne3A_38 : vector<128x128xi1>
    %sub3A = arith.constant 1 : i32
    %sub3A_39 = vector.broadcast %sub3A : i32 to vector<128x128xi32>
    %sub3A_40 = arith.subi %div3A_18, %sub3A_39 : vector<128x128xi32>
    %select_n3A = arith.select %and3A, %sub3A_40, %div3A_18 : vector<128x128xi1>, vector<128x128xi32>
    %jit3A_41 = arith.constant 64 : i32
    %div3A_42 = vector.broadcast %jit3A_41 : i32 to vector<128x128xi32>
    %div3A_43 = arith.divsi %iota3A_8, %div3A_42 : vector<128x128xi32>
    %sign3A_44 = arith.constant 0 : i32
    %sign3A_45 = vector.broadcast %sign3A_44 : i32 to vector<128x128xi32>
    %sign3A_46 = arith.cmpi sgt, %iota3A_8, %sign3A_45 : vector<128x128xi32>
    %sign3A_47 = arith.extui %sign3A_46 : vector<128x128xi1> to vector<128x128xi32>
    %sign3A_48 = arith.constant 0 : i32
    %sign3A_49 = vector.broadcast %sign3A_48 : i32 to vector<128x128xi32>
    %sign3A_50 = arith.cmpi slt, %iota3A_8, %sign3A_49 : vector<128x128xi32>
    %sign3A_51 = arith.extui %sign3A_50 : vector<128x128xi1> to vector<128x128xi32>
    %sign3A_52 = arith.subi %sign3A_47, %sign3A_51 : vector<128x128xi32>
    %sign3A_53 = arith.constant 0 : i32
    %sign3A_54 = arith.cmpi sgt, %jit3A_41, %sign3A_53 : i32
    %sign3A_55 = arith.extui %sign3A_54 : i1 to i32
    %sign3A_56 = arith.constant 0 : i32
    %sign3A_57 = arith.cmpi slt, %jit3A_41, %sign3A_56 : i32
    %sign3A_58 = arith.extui %sign3A_57 : i1 to i32
    %sign3A_59 = arith.subi %sign3A_55, %sign3A_58 : i32
    %ne3A_60 = vector.broadcast %sign3A_59 : i32 to vector<128x128xi32>
    %ne3A_61 = arith.cmpi ne, %sign3A_52, %ne3A_60 : vector<128x128xi32>
    %rem3A_62 = vector.broadcast %jit3A_41 : i32 to vector<128x128xi32>
    %rem3A_63 = arith.remsi %iota3A_8, %rem3A_62 : vector<128x128xi32>
    %ne3A_64 = arith.constant 0 : i32
    %ne3A_65 = vector.broadcast %ne3A_64 : i32 to vector<128x128xi32>
    %ne3A_66 = arith.cmpi ne, %rem3A_63, %ne3A_65 : vector<128x128xi32>
    %and3A_67 = arith.andi %ne3A_61, %ne3A_66 : vector<128x128xi1>
    %sub3A_68 = arith.constant 1 : i32
    %sub3A_69 = vector.broadcast %sub3A_68 : i32 to vector<128x128xi32>
    %sub3A_70 = arith.subi %div3A_43, %sub3A_69 : vector<128x128xi32>
    %select_n3A_71 = arith.select %and3A_67, %sub3A_70, %div3A_43 : vector<128x128xi1>, vector<128x128xi32>
    %eq3A = arith.cmpi eq, %select_n3A, %select_n3A_71 : vector<128x128xi32>
    %and3A_72 = arith.andi %lt3A, %eq3A : vector<128x128xi1>
    %convert_element_type3A_73 = arith.extui %and3A_72 : vector<128x128xi1> to vector<128x128xi32>
    %convert_element_type3A_74 = arith.sitofp %convert_element_type3A_73 : vector<128x128xi32> to vector<128x128xf32>
    %slice3A = vector.extract_strided_slice %dot_general3A_7 {offsets = [0, 0], sizes = [4096, 64], strides = [1, 1]} : vector<4096x512xf32> to vector<4096x64xf32>
    %reduce_max3A = arith.constant dense<0xFF800000> : vector<4096xf32>
    %reduce_max3A_75 = vector.multi_reduction <maximumf>, %slice3A, %reduce_max3A [1] : vector<4096x64xf32> to vector<4096xf32>
    %broadcast_in_dim3A_76 = vector.shape_cast %reduce_max3A_75 : vector<4096xf32> to vector<4096x1xf32>
    %iota3A_77 = tpu.iota {dimensions = array<i32: 1>} : vector<4096x64xi32>
    %ge3A = vector.broadcast %broadcast_in_dim3A_76 : vector<4096x1xf32> to vector<4096x64xf32>
    %ge3A_78 = arith.cmpf oge, %slice3A, %ge3A : vector<4096x64xf32>
    %jit3A_79 = arith.constant 64 : i32
    %broadcast_in_dim3A_80 = vector.broadcast %jit3A_79 : i32 to vector<4096x64xi32>
    %select_n3A_81 = arith.select %ge3A_78, %iota3A_77, %broadcast_in_dim3A_80 : vector<4096x64xi1>, vector<4096x64xi32>
    %reduce_min3A = arith.constant dense<2147483647> : vector<4096xi32>
    %reduce_min3A_82 = vector.multi_reduction <minsi>, %select_n3A_81, %reduce_min3A [1] : vector<4096x64xi32> to vector<4096xi32>
    %broadcast_in_dim3A_83 = vector.shape_cast %reduce_min3A_82 : vector<4096xi32> to vector<4096x1xi32>
    %eq3A_84 = vector.broadcast %broadcast_in_dim3A_83 : vector<4096x1xi32> to vector<4096x64xi32>
    %eq3A_85 = arith.cmpi eq, %iota3A_77, %eq3A_84 : vector<4096x64xi32>
    %convert_element_type3A_86 = arith.extui %eq3A_85 : vector<4096x64xi1> to vector<4096x64xi32>
    %convert_element_type3A_87 = arith.sitofp %convert_element_type3A_86 : vector<4096x64xi32> to vector<4096x64xf32>
    %slice3A_88 = vector.extract_strided_slice %dot_general3A_7 {offsets = [0, 64], sizes = [4096, 64], strides = [1, 1]} : vector<4096x512xf32> to vector<4096x64xf32>
    %reduce_max3A_89 = arith.constant dense<0xFF800000> : vector<4096xf32>
    %reduce_max3A_90 = vector.multi_reduction <maximumf>, %slice3A_88, %reduce_max3A_89 [1] : vector<4096x64xf32> to vector<4096xf32>
    %broadcast_in_dim3A_91 = vector.shape_cast %reduce_max3A_90 : vector<4096xf32> to vector<4096x1xf32>
    %iota3A_92 = tpu.iota {dimensions = array<i32: 1>} : vector<4096x64xi32>
    %ge3A_93 = vector.broadcast %broadcast_in_dim3A_91 : vector<4096x1xf32> to vector<4096x64xf32>
    %ge3A_94 = arith.cmpf oge, %slice3A_88, %ge3A_93 : vector<4096x64xf32>
    %jit3A_95 = arith.constant 64 : i32
    %broadcast_in_dim3A_96 = vector.broadcast %jit3A_95 : i32 to vector<4096x64xi32>
    %select_n3A_97 = arith.select %ge3A_94, %iota3A_92, %broadcast_in_dim3A_96 : vector<4096x64xi1>, vector<4096x64xi32>
    %reduce_min3A_98 = arith.constant dense<2147483647> : vector<4096xi32>
    %reduce_min3A_99 = vector.multi_reduction <minsi>, %select_n3A_97, %reduce_min3A_98 [1] : vector<4096x64xi32> to vector<4096xi32>
    %broadcast_in_dim3A_100 = vector.shape_cast %reduce_min3A_99 : vector<4096xi32> to vector<4096x1xi32>
    %eq3A_101 = vector.broadcast %broadcast_in_dim3A_100 : vector<4096x1xi32> to vector<4096x64xi32>
    %eq3A_102 = arith.cmpi eq, %iota3A_92, %eq3A_101 : vector<4096x64xi32>
    %convert_element_type3A_103 = arith.extui %eq3A_102 : vector<4096x64xi1> to vector<4096x64xi32>
    %convert_element_type3A_104 = arith.sitofp %convert_element_type3A_103 : vector<4096x64xi32> to vector<4096x64xf32>
    %concatenate3A = tpu.concatenate %convert_element_type3A_87, %convert_element_type3A_104 in 1 : vector<4096x64xf32>, vector<4096x64xf32> -> vector<4096x128xf32>
    %reshape3A = vector.shape_cast %concatenate3A : vector<4096x128xf32> to vector<32x128x128xf32>
    %reduce_sum3A = arith.constant dense<0.000000e+00> : vector<32x128xf32>
    %reduce_sum3A_105 = vector.multi_reduction <add>, %reshape3A, %reduce_sum3A [1] : vector<32x128x128xf32> to vector<32x128xf32>
    %dot_general3A_106 = arith.constant dense<0.000000e+00> : vector<32x128xf32>
    %dot_general3A_107 = tpu.matmul %convert_element_type3A_17, %reduce_sum3A_105, %dot_general3A_106 {dimension_numbers = #tpu.dot_dimension_numbers<[1], [0], [0], [1], [0, 0, 1, 1], [], []>, transpose_lhs_hint = false} : vector<32x32xf32>, vector<32x128xf32>, vector<32x128xf32> -> vector<32x128xf32>
    %reduce_sum3A_108 = arith.constant dense<0.000000e+00> : vector<128xf32>
    %reduce_sum3A_109 = vector.multi_reduction <add>, %reduce_sum3A_105, %reduce_sum3A_108 [0] : vector<32x128xf32> to vector<128xf32>
    %broadcast_in_dim3A_110 = vector.shape_cast %reduce_sum3A_109 : vector<128xf32> to vector<1x128xf32>
    %dot_general3A_111 = arith.constant dense<0.000000e+00> : vector<1x128xf32>
    %dot_general3A_112 = tpu.matmul %broadcast_in_dim3A_110, %convert_element_type3A_74, %dot_general3A_111 {dimension_numbers = #tpu.dot_dimension_numbers<[1], [0], [0], [1], [0, 0, 1, 1], [], []>, transpose_lhs_hint = false} : vector<1x128xf32>, vector<128x128xf32>, vector<1x128xf32> -> vector<1x128xf32>
    %convert_element_type3A_113 = arith.truncf %reshape3A : vector<32x128x128xf32> to vector<32x128x128xbf16>
    %dot_general3A_114 = arith.constant dense<0.000000e+00> : vector<32x128x128xf32>
    %dot_general3A_115 = tpu.matmul %broadcast_in_dim3A_12, %convert_element_type3A_113, %dot_general3A_114 {dimension_numbers = #tpu.dot_dimension_numbers<[2], [1], [1], [2], [0, 0, 0, 1, 1, 2], [0], [0]>, transpose_lhs_hint = false} : vector<32x128x128xbf16>, vector<32x128x128xbf16>, vector<32x128x128xf32> -> vector<32x128x128xf32>
    %broadcast_in_dim3A_116 = vector.shape_cast %dot_general3A_107 : vector<32x128xf32> to vector<32x1x128xf32>
    %add3A = vector.broadcast %broadcast_in_dim3A_116 : vector<32x1x128xf32> to vector<32x128x128xf32>
    %add3A_117 = arith.addf %dot_general3A_115, %add3A : vector<32x128x128xf32>
    %reshape3A_118 = vector.shape_cast %dot_general3A_112 : vector<1x128xf32> to vector<1x1x128xf32>
    %add3A_119 = vector.broadcast %reshape3A_118 : vector<1x1x128xf32> to vector<32x128x128xf32>
    %add3A_120 = arith.addf %add3A_117, %add3A_119 : vector<32x128x128xf32>
    %mul3A = arith.mulf %add3A_120, %reshape3A : vector<32x128x128xf32>
    %slice3A_121 = vector.extract_strided_slice %mul3A {offsets = [0, 0, 0], sizes = [32, 128, 64], strides = [1, 1, 1]} : vector<32x128x128xf32> to vector<32x128x64xf32>
    %reduce_sum3A_122 = arith.constant dense<0.000000e+00> : vector<32x128xf32>
    %reduce_sum3A_123 = vector.multi_reduction <add>, %slice3A_121, %reduce_sum3A_122 [2] : vector<32x128x64xf32> to vector<32x128xf32>
    %reshape3A_124 = vector.shape_cast %reduce_sum3A_123 : vector<32x128xf32> to vector<4096xf32>
    %slice3A_125 = vector.extract_strided_slice %mul3A {offsets = [0, 0, 64], sizes = [32, 128, 64], strides = [1, 1, 1]} : vector<32x128x128xf32> to vector<32x128x64xf32>
    %reduce_sum3A_126 = arith.constant dense<0.000000e+00> : vector<32x128xf32>
    %reduce_sum3A_127 = vector.multi_reduction <add>, %slice3A_125, %reduce_sum3A_126 [2] : vector<32x128x64xf32> to vector<32x128xf32>
    %reshape3A_128 = vector.shape_cast %reduce_sum3A_127 : vector<32x128xf32> to vector<4096xf32>
    %add3A_129 = arith.constant 0.000000e+00 : f32
    %add3A_130 = vector.broadcast %add3A_129 : f32 to vector<4096xf32>
    %add3A_131 = arith.addf %reshape3A_124, %add3A_130 : vector<4096xf32>
    %add3A_132 = arith.constant 4.096000e+03 : f32
    %add3A_133 = vector.broadcast %add3A_132 : f32 to vector<4096xf32>
    %add3A_134 = arith.addf %reshape3A_128, %add3A_133 : vector<4096xf32>
    %slice3A_135 = vector.extract_strided_slice %dot_general3A_7 {offsets = [0, 128], sizes = [4096, 64], strides = [1, 1]} : vector<4096x512xf32> to vector<4096x64xf32>
    %reduce_max3A_136 = arith.constant dense<0xFF800000> : vector<4096xf32>
    %reduce_max3A_137 = vector.multi_reduction <maximumf>, %slice3A_135, %reduce_max3A_136 [1] : vector<4096x64xf32> to vector<4096xf32>
    %broadcast_in_dim3A_138 = vector.shape_cast %reduce_max3A_137 : vector<4096xf32> to vector<4096x1xf32>
    %iota3A_139 = tpu.iota {dimensions = array<i32: 1>} : vector<4096x64xi32>
    %ge3A_140 = vector.broadcast %broadcast_in_dim3A_138 : vector<4096x1xf32> to vector<4096x64xf32>
    %ge3A_141 = arith.cmpf oge, %slice3A_135, %ge3A_140 : vector<4096x64xf32>
    %jit3A_142 = arith.constant 64 : i32
    %broadcast_in_dim3A_143 = vector.broadcast %jit3A_142 : i32 to vector<4096x64xi32>
    %select_n3A_144 = arith.select %ge3A_141, %iota3A_139, %broadcast_in_dim3A_143 : vector<4096x64xi1>, vector<4096x64xi32>
    %reduce_min3A_145 = arith.constant dense<2147483647> : vector<4096xi32>
    %reduce_min3A_146 = vector.multi_reduction <minsi>, %select_n3A_144, %reduce_min3A_145 [1] : vector<4096x64xi32> to vector<4096xi32>
    %broadcast_in_dim3A_147 = vector.shape_cast %reduce_min3A_146 : vector<4096xi32> to vector<4096x1xi32>
    %eq3A_148 = vector.broadcast %broadcast_in_dim3A_147 : vector<4096x1xi32> to vector<4096x64xi32>
    %eq3A_149 = arith.cmpi eq, %iota3A_139, %eq3A_148 : vector<4096x64xi32>
    %convert_element_type3A_150 = arith.extui %eq3A_149 : vector<4096x64xi1> to vector<4096x64xi32>
    %convert_element_type3A_151 = arith.sitofp %convert_element_type3A_150 : vector<4096x64xi32> to vector<4096x64xf32>
    %slice3A_152 = vector.extract_strided_slice %dot_general3A_7 {offsets = [0, 192], sizes = [4096, 64], strides = [1, 1]} : vector<4096x512xf32> to vector<4096x64xf32>
    %reduce_max3A_153 = arith.constant dense<0xFF800000> : vector<4096xf32>
    %reduce_max3A_154 = vector.multi_reduction <maximumf>, %slice3A_152, %reduce_max3A_153 [1] : vector<4096x64xf32> to vector<4096xf32>
    %broadcast_in_dim3A_155 = vector.shape_cast %reduce_max3A_154 : vector<4096xf32> to vector<4096x1xf32>
    %iota3A_156 = tpu.iota {dimensions = array<i32: 1>} : vector<4096x64xi32>
    %ge3A_157 = vector.broadcast %broadcast_in_dim3A_155 : vector<4096x1xf32> to vector<4096x64xf32>
    %ge3A_158 = arith.cmpf oge, %slice3A_152, %ge3A_157 : vector<4096x64xf32>
    %jit3A_159 = arith.constant 64 : i32
    %broadcast_in_dim3A_160 = vector.broadcast %jit3A_159 : i32 to vector<4096x64xi32>
    %select_n3A_161 = arith.select %ge3A_158, %iota3A_156, %broadcast_in_dim3A_160 : vector<4096x64xi1>, vector<4096x64xi32>
    %reduce_min3A_162 = arith.constant dense<2147483647> : vector<4096xi32>
    %reduce_min3A_163 = vector.multi_reduction <minsi>, %select_n3A_161, %reduce_min3A_162 [1] : vector<4096x64xi32> to vector<4096xi32>
    %broadcast_in_dim3A_164 = vector.shape_cast %reduce_min3A_163 : vector<4096xi32> to vector<4096x1xi32>
    %eq3A_165 = vector.broadcast %broadcast_in_dim3A_164 : vector<4096x1xi32> to vector<4096x64xi32>
    %eq3A_166 = arith.cmpi eq, %iota3A_156, %eq3A_165 : vector<4096x64xi32>
    %convert_element_type3A_167 = arith.extui %eq3A_166 : vector<4096x64xi1> to vector<4096x64xi32>
    %convert_element_type3A_168 = arith.sitofp %convert_element_type3A_167 : vector<4096x64xi32> to vector<4096x64xf32>
    %concatenate3A_169 = tpu.concatenate %convert_element_type3A_151, %convert_element_type3A_168 in 1 : vector<4096x64xf32>, vector<4096x64xf32> -> vector<4096x128xf32>
    %reshape3A_170 = vector.shape_cast %concatenate3A_169 : vector<4096x128xf32> to vector<32x128x128xf32>
    %reduce_sum3A_171 = arith.constant dense<0.000000e+00> : vector<32x128xf32>
    %reduce_sum3A_172 = vector.multi_reduction <add>, %reshape3A_170, %reduce_sum3A_171 [1] : vector<32x128x128xf32> to vector<32x128xf32>
    %dot_general3A_173 = arith.constant dense<0.000000e+00> : vector<32x128xf32>
    %dot_general3A_174 = tpu.matmul %convert_element_type3A_17, %reduce_sum3A_172, %dot_general3A_173 {dimension_numbers = #tpu.dot_dimension_numbers<[1], [0], [0], [1], [0, 0, 1, 1], [], []>, transpose_lhs_hint = false} : vector<32x32xf32>, vector<32x128xf32>, vector<32x128xf32> -> vector<32x128xf32>
    %reduce_sum3A_175 = arith.constant dense<0.000000e+00> : vector<128xf32>
    %reduce_sum3A_176 = vector.multi_reduction <add>, %reduce_sum3A_172, %reduce_sum3A_175 [0] : vector<32x128xf32> to vector<128xf32>
    %broadcast_in_dim3A_177 = vector.shape_cast %reduce_sum3A_176 : vector<128xf32> to vector<1x128xf32>
    %dot_general3A_178 = arith.constant dense<0.000000e+00> : vector<1x128xf32>
    %dot_general3A_179 = tpu.matmul %broadcast_in_dim3A_177, %convert_element_type3A_74, %dot_general3A_178 {dimension_numbers = #tpu.dot_dimension_numbers<[1], [0], [0], [1], [0, 0, 1, 1], [], []>, transpose_lhs_hint = false} : vector<1x128xf32>, vector<128x128xf32>, vector<1x128xf32> -> vector<1x128xf32>
    %convert_element_type3A_180 = arith.truncf %reshape3A_170 : vector<32x128x128xf32> to vector<32x128x128xbf16>
    %dot_general3A_181 = arith.constant dense<0.000000e+00> : vector<32x128x128xf32>
    %dot_general3A_182 = tpu.matmul %broadcast_in_dim3A_12, %convert_element_type3A_180, %dot_general3A_181 {dimension_numbers = #tpu.dot_dimension_numbers<[2], [1], [1], [2], [0, 0, 0, 1, 1, 2], [0], [0]>, transpose_lhs_hint = false} : vector<32x128x128xbf16>, vector<32x128x128xbf16>, vector<32x128x128xf32> -> vector<32x128x128xf32>
    %broadcast_in_dim3A_183 = vector.shape_cast %dot_general3A_174 : vector<32x128xf32> to vector<32x1x128xf32>
    %add3A_184 = vector.broadcast %broadcast_in_dim3A_183 : vector<32x1x128xf32> to vector<32x128x128xf32>
    %add3A_185 = arith.addf %dot_general3A_182, %add3A_184 : vector<32x128x128xf32>
    %reshape3A_186 = vector.shape_cast %dot_general3A_179 : vector<1x128xf32> to vector<1x1x128xf32>
    %add3A_187 = vector.broadcast %reshape3A_186 : vector<1x1x128xf32> to vector<32x128x128xf32>
    %add3A_188 = arith.addf %add3A_185, %add3A_187 : vector<32x128x128xf32>
    %mul3A_189 = arith.mulf %add3A_188, %reshape3A_170 : vector<32x128x128xf32>
    %slice3A_190 = vector.extract_strided_slice %mul3A_189 {offsets = [0, 0, 0], sizes = [32, 128, 64], strides = [1, 1, 1]} : vector<32x128x128xf32> to vector<32x128x64xf32>
    %reduce_sum3A_191 = arith.constant dense<0.000000e+00> : vector<32x128xf32>
    %reduce_sum3A_192 = vector.multi_reduction <add>, %slice3A_190, %reduce_sum3A_191 [2] : vector<32x128x64xf32> to vector<32x128xf32>
    %reshape3A_193 = vector.shape_cast %reduce_sum3A_192 : vector<32x128xf32> to vector<4096xf32>
    %slice3A_194 = vector.extract_strided_slice %mul3A_189 {offsets = [0, 0, 64], sizes = [32, 128, 64], strides = [1, 1, 1]} : vector<32x128x128xf32> to vector<32x128x64xf32>
    %reduce_sum3A_195 = arith.constant dense<0.000000e+00> : vector<32x128xf32>
    %reduce_sum3A_196 = vector.multi_reduction <add>, %slice3A_194, %reduce_sum3A_195 [2] : vector<32x128x64xf32> to vector<32x128xf32>
    %reshape3A_197 = vector.shape_cast %reduce_sum3A_196 : vector<32x128xf32> to vector<4096xf32>
    %add3A_198 = arith.constant 8.192000e+03 : f32
    %add3A_199 = vector.broadcast %add3A_198 : f32 to vector<4096xf32>
    %add3A_200 = arith.addf %reshape3A_193, %add3A_199 : vector<4096xf32>
    %add3A_201 = arith.constant 1.228800e+04 : f32
    %add3A_202 = vector.broadcast %add3A_201 : f32 to vector<4096xf32>
    %add3A_203 = arith.addf %reshape3A_197, %add3A_202 : vector<4096xf32>
    %slice3A_204 = vector.extract_strided_slice %dot_general3A_7 {offsets = [0, 256], sizes = [4096, 64], strides = [1, 1]} : vector<4096x512xf32> to vector<4096x64xf32>
    %reduce_max3A_205 = arith.constant dense<0xFF800000> : vector<4096xf32>
    %reduce_max3A_206 = vector.multi_reduction <maximumf>, %slice3A_204, %reduce_max3A_205 [1] : vector<4096x64xf32> to vector<4096xf32>
    %broadcast_in_dim3A_207 = vector.shape_cast %reduce_max3A_206 : vector<4096xf32> to vector<4096x1xf32>
    %iota3A_208 = tpu.iota {dimensions = array<i32: 1>} : vector<4096x64xi32>
    %ge3A_209 = vector.broadcast %broadcast_in_dim3A_207 : vector<4096x1xf32> to vector<4096x64xf32>
    %ge3A_210 = arith.cmpf oge, %slice3A_204, %ge3A_209 : vector<4096x64xf32>
    %jit3A_211 = arith.constant 64 : i32
    %broadcast_in_dim3A_212 = vector.broadcast %jit3A_211 : i32 to vector<4096x64xi32>
    %select_n3A_213 = arith.select %ge3A_210, %iota3A_208, %broadcast_in_dim3A_212 : vector<4096x64xi1>, vector<4096x64xi32>
    %reduce_min3A_214 = arith.constant dense<2147483647> : vector<4096xi32>
    %reduce_min3A_215 = vector.multi_reduction <minsi>, %select_n3A_213, %reduce_min3A_214 [1] : vector<4096x64xi32> to vector<4096xi32>
    %broadcast_in_dim3A_216 = vector.shape_cast %reduce_min3A_215 : vector<4096xi32> to vector<4096x1xi32>
    %eq3A_217 = vector.broadcast %broadcast_in_dim3A_216 : vector<4096x1xi32> to vector<4096x64xi32>
    %eq3A_218 = arith.cmpi eq, %iota3A_208, %eq3A_217 : vector<4096x64xi32>
    %convert_element_type3A_219 = arith.extui %eq3A_218 : vector<4096x64xi1> to vector<4096x64xi32>
    %convert_element_type3A_220 = arith.sitofp %convert_element_type3A_219 : vector<4096x64xi32> to vector<4096x64xf32>
    %slice3A_221 = vector.extract_strided_slice %dot_general3A_7 {offsets = [0, 320], sizes = [4096, 64], strides = [1, 1]} : vector<4096x512xf32> to vector<4096x64xf32>
    %reduce_max3A_222 = arith.constant dense<0xFF800000> : vector<4096xf32>
    %reduce_max3A_223 = vector.multi_reduction <maximumf>, %slice3A_221, %reduce_max3A_222 [1] : vector<4096x64xf32> to vector<4096xf32>
    %broadcast_in_dim3A_224 = vector.shape_cast %reduce_max3A_223 : vector<4096xf32> to vector<4096x1xf32>
    %iota3A_225 = tpu.iota {dimensions = array<i32: 1>} : vector<4096x64xi32>
    %ge3A_226 = vector.broadcast %broadcast_in_dim3A_224 : vector<4096x1xf32> to vector<4096x64xf32>
    %ge3A_227 = arith.cmpf oge, %slice3A_221, %ge3A_226 : vector<4096x64xf32>
    %jit3A_228 = arith.constant 64 : i32
    %broadcast_in_dim3A_229 = vector.broadcast %jit3A_228 : i32 to vector<4096x64xi32>
    %select_n3A_230 = arith.select %ge3A_227, %iota3A_225, %broadcast_in_dim3A_229 : vector<4096x64xi1>, vector<4096x64xi32>
    %reduce_min3A_231 = arith.constant dense<2147483647> : vector<4096xi32>
    %reduce_min3A_232 = vector.multi_reduction <minsi>, %select_n3A_230, %reduce_min3A_231 [1] : vector<4096x64xi32> to vector<4096xi32>
    %broadcast_in_dim3A_233 = vector.shape_cast %reduce_min3A_232 : vector<4096xi32> to vector<4096x1xi32>
    %eq3A_234 = vector.broadcast %broadcast_in_dim3A_233 : vector<4096x1xi32> to vector<4096x64xi32>
    %eq3A_235 = arith.cmpi eq, %iota3A_225, %eq3A_234 : vector<4096x64xi32>
    %convert_element_type3A_236 = arith.extui %eq3A_235 : vector<4096x64xi1> to vector<4096x64xi32>
    %convert_element_type3A_237 = arith.sitofp %convert_element_type3A_236 : vector<4096x64xi32> to vector<4096x64xf32>
    %concatenate3A_238 = tpu.concatenate %convert_element_type3A_220, %convert_element_type3A_237 in 1 : vector<4096x64xf32>, vector<4096x64xf32> -> vector<4096x128xf32>
    %reshape3A_239 = vector.shape_cast %concatenate3A_238 : vector<4096x128xf32> to vector<32x128x128xf32>
    %reduce_sum3A_240 = arith.constant dense<0.000000e+00> : vector<32x128xf32>
    %reduce_sum3A_241 = vector.multi_reduction <add>, %reshape3A_239, %reduce_sum3A_240 [1] : vector<32x128x128xf32> to vector<32x128xf32>
    %dot_general3A_242 = arith.constant dense<0.000000e+00> : vector<32x128xf32>
    %dot_general3A_243 = tpu.matmul %convert_element_type3A_17, %reduce_sum3A_241, %dot_general3A_242 {dimension_numbers = #tpu.dot_dimension_numbers<[1], [0], [0], [1], [0, 0, 1, 1], [], []>, transpose_lhs_hint = false} : vector<32x32xf32>, vector<32x128xf32>, vector<32x128xf32> -> vector<32x128xf32>
    %reduce_sum3A_244 = arith.constant dense<0.000000e+00> : vector<128xf32>
    %reduce_sum3A_245 = vector.multi_reduction <add>, %reduce_sum3A_241, %reduce_sum3A_244 [0] : vector<32x128xf32> to vector<128xf32>
    %broadcast_in_dim3A_246 = vector.shape_cast %reduce_sum3A_245 : vector<128xf32> to vector<1x128xf32>
    %dot_general3A_247 = arith.constant dense<0.000000e+00> : vector<1x128xf32>
    %dot_general3A_248 = tpu.matmul %broadcast_in_dim3A_246, %convert_element_type3A_74, %dot_general3A_247 {dimension_numbers = #tpu.dot_dimension_numbers<[1], [0], [0], [1], [0, 0, 1, 1], [], []>, transpose_lhs_hint = false} : vector<1x128xf32>, vector<128x128xf32>, vector<1x128xf32> -> vector<1x128xf32>
    %convert_element_type3A_249 = arith.truncf %reshape3A_239 : vector<32x128x128xf32> to vector<32x128x128xbf16>
    %dot_general3A_250 = arith.constant dense<0.000000e+00> : vector<32x128x128xf32>
    %dot_general3A_251 = tpu.matmul %broadcast_in_dim3A_12, %convert_element_type3A_249, %dot_general3A_250 {dimension_numbers = #tpu.dot_dimension_numbers<[2], [1], [1], [2], [0, 0, 0, 1, 1, 2], [0], [0]>, transpose_lhs_hint = false} : vector<32x128x128xbf16>, vector<32x128x128xbf16>, vector<32x128x128xf32> -> vector<32x128x128xf32>
    %broadcast_in_dim3A_252 = vector.shape_cast %dot_general3A_243 : vector<32x128xf32> to vector<32x1x128xf32>
    %add3A_253 = vector.broadcast %broadcast_in_dim3A_252 : vector<32x1x128xf32> to vector<32x128x128xf32>
    %add3A_254 = arith.addf %dot_general3A_251, %add3A_253 : vector<32x128x128xf32>
    %reshape3A_255 = vector.shape_cast %dot_general3A_248 : vector<1x128xf32> to vector<1x1x128xf32>
    %add3A_256 = vector.broadcast %reshape3A_255 : vector<1x1x128xf32> to vector<32x128x128xf32>
    %add3A_257 = arith.addf %add3A_254, %add3A_256 : vector<32x128x128xf32>
    %mul3A_258 = arith.mulf %add3A_257, %reshape3A_239 : vector<32x128x128xf32>
    %slice3A_259 = vector.extract_strided_slice %mul3A_258 {offsets = [0, 0, 0], sizes = [32, 128, 64], strides = [1, 1, 1]} : vector<32x128x128xf32> to vector<32x128x64xf32>
    %reduce_sum3A_260 = arith.constant dense<0.000000e+00> : vector<32x128xf32>
    %reduce_sum3A_261 = vector.multi_reduction <add>, %slice3A_259, %reduce_sum3A_260 [2] : vector<32x128x64xf32> to vector<32x128xf32>
    %reshape3A_262 = vector.shape_cast %reduce_sum3A_261 : vector<32x128xf32> to vector<4096xf32>
    %slice3A_263 = vector.extract_strided_slice %mul3A_258 {offsets = [0, 0, 64], sizes = [32, 128, 64], strides = [1, 1, 1]} : vector<32x128x128xf32> to vector<32x128x64xf32>
    %reduce_sum3A_264 = arith.constant dense<0.000000e+00> : vector<32x128xf32>
    %reduce_sum3A_265 = vector.multi_reduction <add>, %slice3A_263, %reduce_sum3A_264 [2] : vector<32x128x64xf32> to vector<32x128xf32>
    %reshape3A_266 = vector.shape_cast %reduce_sum3A_265 : vector<32x128xf32> to vector<4096xf32>
    %add3A_267 = arith.constant 1.638400e+04 : f32
    %add3A_268 = vector.broadcast %add3A_267 : f32 to vector<4096xf32>
    %add3A_269 = arith.addf %reshape3A_262, %add3A_268 : vector<4096xf32>
    %add3A_270 = arith.constant 2.048000e+04 : f32
    %add3A_271 = vector.broadcast %add3A_270 : f32 to vector<4096xf32>
    %add3A_272 = arith.addf %reshape3A_266, %add3A_271 : vector<4096xf32>
    %slice3A_273 = vector.extract_strided_slice %dot_general3A_7 {offsets = [0, 384], sizes = [4096, 64], strides = [1, 1]} : vector<4096x512xf32> to vector<4096x64xf32>
    %reduce_max3A_274 = arith.constant dense<0xFF800000> : vector<4096xf32>
    %reduce_max3A_275 = vector.multi_reduction <maximumf>, %slice3A_273, %reduce_max3A_274 [1] : vector<4096x64xf32> to vector<4096xf32>
    %broadcast_in_dim3A_276 = vector.shape_cast %reduce_max3A_275 : vector<4096xf32> to vector<4096x1xf32>
    %iota3A_277 = tpu.iota {dimensions = array<i32: 1>} : vector<4096x64xi32>
    %ge3A_278 = vector.broadcast %broadcast_in_dim3A_276 : vector<4096x1xf32> to vector<4096x64xf32>
    %ge3A_279 = arith.cmpf oge, %slice3A_273, %ge3A_278 : vector<4096x64xf32>
    %jit3A_280 = arith.constant 64 : i32
    %broadcast_in_dim3A_281 = vector.broadcast %jit3A_280 : i32 to vector<4096x64xi32>
    %select_n3A_282 = arith.select %ge3A_279, %iota3A_277, %broadcast_in_dim3A_281 : vector<4096x64xi1>, vector<4096x64xi32>
    %reduce_min3A_283 = arith.constant dense<2147483647> : vector<4096xi32>
    %reduce_min3A_284 = vector.multi_reduction <minsi>, %select_n3A_282, %reduce_min3A_283 [1] : vector<4096x64xi32> to vector<4096xi32>
    %broadcast_in_dim3A_285 = vector.shape_cast %reduce_min3A_284 : vector<4096xi32> to vector<4096x1xi32>
    %eq3A_286 = vector.broadcast %broadcast_in_dim3A_285 : vector<4096x1xi32> to vector<4096x64xi32>
    %eq3A_287 = arith.cmpi eq, %iota3A_277, %eq3A_286 : vector<4096x64xi32>
    %convert_element_type3A_288 = arith.extui %eq3A_287 : vector<4096x64xi1> to vector<4096x64xi32>
    %convert_element_type3A_289 = arith.sitofp %convert_element_type3A_288 : vector<4096x64xi32> to vector<4096x64xf32>
    %slice3A_290 = vector.extract_strided_slice %dot_general3A_7 {offsets = [0, 448], sizes = [4096, 64], strides = [1, 1]} : vector<4096x512xf32> to vector<4096x64xf32>
    %reduce_max3A_291 = arith.constant dense<0xFF800000> : vector<4096xf32>
    %reduce_max3A_292 = vector.multi_reduction <maximumf>, %slice3A_290, %reduce_max3A_291 [1] : vector<4096x64xf32> to vector<4096xf32>
    %broadcast_in_dim3A_293 = vector.shape_cast %reduce_max3A_292 : vector<4096xf32> to vector<4096x1xf32>
    %iota3A_294 = tpu.iota {dimensions = array<i32: 1>} : vector<4096x64xi32>
    %ge3A_295 = vector.broadcast %broadcast_in_dim3A_293 : vector<4096x1xf32> to vector<4096x64xf32>
    %ge3A_296 = arith.cmpf oge, %slice3A_290, %ge3A_295 : vector<4096x64xf32>
    %jit3A_297 = arith.constant 64 : i32
    %broadcast_in_dim3A_298 = vector.broadcast %jit3A_297 : i32 to vector<4096x64xi32>
    %select_n3A_299 = arith.select %ge3A_296, %iota3A_294, %broadcast_in_dim3A_298 : vector<4096x64xi1>, vector<4096x64xi32>
    %reduce_min3A_300 = arith.constant dense<2147483647> : vector<4096xi32>
    %reduce_min3A_301 = vector.multi_reduction <minsi>, %select_n3A_299, %reduce_min3A_300 [1] : vector<4096x64xi32> to vector<4096xi32>
    %broadcast_in_dim3A_302 = vector.shape_cast %reduce_min3A_301 : vector<4096xi32> to vector<4096x1xi32>
    %eq3A_303 = vector.broadcast %broadcast_in_dim3A_302 : vector<4096x1xi32> to vector<4096x64xi32>
    %eq3A_304 = arith.cmpi eq, %iota3A_294, %eq3A_303 : vector<4096x64xi32>
    %convert_element_type3A_305 = arith.extui %eq3A_304 : vector<4096x64xi1> to vector<4096x64xi32>
    %convert_element_type3A_306 = arith.sitofp %convert_element_type3A_305 : vector<4096x64xi32> to vector<4096x64xf32>
    %concatenate3A_307 = tpu.concatenate %convert_element_type3A_289, %convert_element_type3A_306 in 1 : vector<4096x64xf32>, vector<4096x64xf32> -> vector<4096x128xf32>
    %reshape3A_308 = vector.shape_cast %concatenate3A_307 : vector<4096x128xf32> to vector<32x128x128xf32>
    %reduce_sum3A_309 = arith.constant dense<0.000000e+00> : vector<32x128xf32>
    %reduce_sum3A_310 = vector.multi_reduction <add>, %reshape3A_308, %reduce_sum3A_309 [1] : vector<32x128x128xf32> to vector<32x128xf32>
    %dot_general3A_311 = arith.constant dense<0.000000e+00> : vector<32x128xf32>
    %dot_general3A_312 = tpu.matmul %convert_element_type3A_17, %reduce_sum3A_310, %dot_general3A_311 {dimension_numbers = #tpu.dot_dimension_numbers<[1], [0], [0], [1], [0, 0, 1, 1], [], []>, transpose_lhs_hint = false} : vector<32x32xf32>, vector<32x128xf32>, vector<32x128xf32> -> vector<32x128xf32>
    %reduce_sum3A_313 = arith.constant dense<0.000000e+00> : vector<128xf32>
    %reduce_sum3A_314 = vector.multi_reduction <add>, %reduce_sum3A_310, %reduce_sum3A_313 [0] : vector<32x128xf32> to vector<128xf32>
    %broadcast_in_dim3A_315 = vector.shape_cast %reduce_sum3A_314 : vector<128xf32> to vector<1x128xf32>
    %dot_general3A_316 = arith.constant dense<0.000000e+00> : vector<1x128xf32>
    %dot_general3A_317 = tpu.matmul %broadcast_in_dim3A_315, %convert_element_type3A_74, %dot_general3A_316 {dimension_numbers = #tpu.dot_dimension_numbers<[1], [0], [0], [1], [0, 0, 1, 1], [], []>, transpose_lhs_hint = false} : vector<1x128xf32>, vector<128x128xf32>, vector<1x128xf32> -> vector<1x128xf32>
    %convert_element_type3A_318 = arith.truncf %reshape3A_308 : vector<32x128x128xf32> to vector<32x128x128xbf16>
    %dot_general3A_319 = arith.constant dense<0.000000e+00> : vector<32x128x128xf32>
    %dot_general3A_320 = tpu.matmul %broadcast_in_dim3A_12, %convert_element_type3A_318, %dot_general3A_319 {dimension_numbers = #tpu.dot_dimension_numbers<[2], [1], [1], [2], [0, 0, 0, 1, 1, 2], [0], [0]>, transpose_lhs_hint = false} : vector<32x128x128xbf16>, vector<32x128x128xbf16>, vector<32x128x128xf32> -> vector<32x128x128xf32>
    %broadcast_in_dim3A_321 = vector.shape_cast %dot_general3A_312 : vector<32x128xf32> to vector<32x1x128xf32>
    %add3A_322 = vector.broadcast %broadcast_in_dim3A_321 : vector<32x1x128xf32> to vector<32x128x128xf32>
    %add3A_323 = arith.addf %dot_general3A_320, %add3A_322 : vector<32x128x128xf32>
    %reshape3A_324 = vector.shape_cast %dot_general3A_317 : vector<1x128xf32> to vector<1x1x128xf32>
    %add3A_325 = vector.broadcast %reshape3A_324 : vector<1x1x128xf32> to vector<32x128x128xf32>
    %add3A_326 = arith.addf %add3A_323, %add3A_325 : vector<32x128x128xf32>
    %mul3A_327 = arith.mulf %add3A_326, %reshape3A_308 : vector<32x128x128xf32>
    %slice3A_328 = vector.extract_strided_slice %mul3A_327 {offsets = [0, 0, 0], sizes = [32, 128, 64], strides = [1, 1, 1]} : vector<32x128x128xf32> to vector<32x128x64xf32>
    %reduce_sum3A_329 = arith.constant dense<0.000000e+00> : vector<32x128xf32>
    %reduce_sum3A_330 = vector.multi_reduction <add>, %slice3A_328, %reduce_sum3A_329 [2] : vector<32x128x64xf32> to vector<32x128xf32>
    %reshape3A_331 = vector.shape_cast %reduce_sum3A_330 : vector<32x128xf32> to vector<4096xf32>
    %slice3A_332 = vector.extract_strided_slice %mul3A_327 {offsets = [0, 0, 64], sizes = [32, 128, 64], strides = [1, 1, 1]} : vector<32x128x128xf32> to vector<32x128x64xf32>
    %reduce_sum3A_333 = arith.constant dense<0.000000e+00> : vector<32x128xf32>
    %reduce_sum3A_334 = vector.multi_reduction <add>, %slice3A_332, %reduce_sum3A_333 [2] : vector<32x128x64xf32> to vector<32x128xf32>
    %reshape3A_335 = vector.shape_cast %reduce_sum3A_334 : vector<32x128xf32> to vector<4096xf32>
    %add3A_336 = arith.constant 2.457600e+04 : f32
    %add3A_337 = vector.broadcast %add3A_336 : f32 to vector<4096xf32>
    %add3A_338 = arith.addf %reshape3A_331, %add3A_337 : vector<4096xf32>
    %add3A_339 = arith.constant 2.867200e+04 : f32
    %add3A_340 = vector.broadcast %add3A_339 : f32 to vector<4096xf32>
    %add3A_341 = arith.addf %reshape3A_335, %add3A_340 : vector<4096xf32>
    %stack3A = vector.shape_cast %add3A_131 : vector<4096xf32> to vector<1x4096xf32>
    %stack3A_342 = vector.shape_cast %add3A_134 : vector<4096xf32> to vector<1x4096xf32>
    %stack3A_343 = vector.shape_cast %add3A_200 : vector<4096xf32> to vector<1x4096xf32>
    %stack3A_344 = vector.shape_cast %add3A_203 : vector<4096xf32> to vector<1x4096xf32>
    %stack3A_345 = vector.shape_cast %add3A_269 : vector<4096xf32> to vector<1x4096xf32>
    %stack3A_346 = vector.shape_cast %add3A_272 : vector<4096xf32> to vector<1x4096xf32>
    %stack3A_347 = vector.shape_cast %add3A_338 : vector<4096xf32> to vector<1x4096xf32>
    %stack3A_348 = vector.shape_cast %add3A_341 : vector<4096xf32> to vector<1x4096xf32>
    %stack3A_349 = tpu.concatenate %stack3A, %stack3A_342, %stack3A_343, %stack3A_344, %stack3A_345, %stack3A_346, %stack3A_347, %stack3A_348 in 0 : vector<1x4096xf32>, vector<1x4096xf32>, vector<1x4096xf32>, vector<1x4096xf32>, vector<1x4096xf32>, vector<1x4096xf32>, vector<1x4096xf32>, vector<1x4096xf32> -> vector<8x4096xf32>
    %convert_element_type3A_350 = arith.fptosi %stack3A_349 : vector<8x4096xf32> to vector<8x4096xi32>
    %swap3A = arith.constant 0 : index
    %swap3A_351 = arith.constant 0 : index
    %swap3A_352 = arith.constant 0 : index
    %swap3A_353 = vector.load %arg3[%swap3A, %swap3A_351, %swap3A_352] : memref<1x8x4096xi32, #tpu.memory_space<vmem>>, vector<1x8x4096xi32>
    %swap3A_354 = vector.shape_cast %swap3A_353 : vector<1x8x4096xi32> to vector<8x4096xi32>
    %swap3A_355 = vector.shape_cast %convert_element_type3A_350 : vector<8x4096xi32> to vector<1x8x4096xi32>
    tpu.vector_store %arg3[%swap3A, %swap3A_351, %swap3A_352], %swap3A_355 {strides = array<i32>} : memref<1x8x4096xi32, #tpu.memory_space<vmem>>, vector<1x8x4096xi32>,
    return
  }
  func.func @transform_0(%arg0: i32) -> (i32, i32, i32) {
    %c0_i32 = arith.constant 0 : i32
    %c0_i32_0 = arith.constant 0 : i32
    %c0_i32_1 = arith.constant 0 : i32
    return %arg0, %c0_i32, %c0_i32_0 : i32, i32, i32
  }
  func.func @transform_1(%arg0: i32) -> (i32, i32) {
    %c0_i32 = arith.constant 0 : i32
    %c0_i32_0 = arith.constant 0 : i32
    %c0_i32_1 = arith.constant 0 : i32
    return %c0_i32, %c0_i32_0 : i32, i32
  }
  func.func @transform_2(%arg0: i32) -> (i32, i32, i32) {
    %c0_i32 = arith.constant 0 : i32
    %c0_i32_0 = arith.constant 0 : i32
    %c0_i32_1 = arith.constant 0 : i32
    return %arg0, %c0_i32, %c0_i32_0 : i32, i32, i32
  }
}

module attributes {stable_mosaic.version = 14 : i64} {
  func.func @_attn_body(%arg0: i32, %arg1: i32, %arg2: memref<1x1024x128xf32, #tpu.memory_space<vmem>>, %arg3: memref<1x64x128xf32, #tpu.memory_space<vmem>>, %arg4: memref<1x1x16x64xi32, #tpu.memory_space<vmem>>, %arg5: memref<1x1x16x64xi32, #tpu.memory_space<vmem>>, %arg6: memref<1x1024x128xf32, #tpu.memory_space<vmem>>) attributes {dimension_semantics = [#tpu.dimension_semantics<arbitrary>, #tpu.dimension_semantics<arbitrary>], iteration_bounds = array<i64: 16, 32>, scalar_prefetch = 0 : i64, scratch_operands = 0 : i64, tpu.core_type = #tpu.core_type<tc>, window_params = [{transform_indices = @transform_0, window_bounds = array<i64: 1, 1024, 128>}, {transform_indices = @transform_1, window_bounds = array<i64: 1, 64, 128>}, {transform_indices = @transform_2, window_bounds = array<i64: 1, 1, 16, 64>}, {transform_indices = @transform_3, window_bounds = array<i64: 1, 1, 16, 64>}, {transform_indices = @transform_4, window_bounds = array<i64: 1, 1024, 128>}]} {
    %get3A = arith.constant 0 : index
    %get3A_0 = arith.constant 0 : index
    %get3A_1 = arith.constant 0 : index
    %get3A_2 = vector.load %arg2[%get3A, %get3A_0, %get3A_1] : memref<1x1024x128xf32, #tpu.memory_space<vmem>>, vector<1x1024x128xf32>
    %get3A_3 = vector.shape_cast %get3A_2 : vector<1x1024x128xf32> to vector<1024x128xf32>
    %get3A_4 = arith.constant 0 : index
    %get3A_5 = arith.constant 0 : index
    %get3A_6 = arith.constant 0 : index
    %get3A_7 = vector.load %arg3[%get3A_4, %get3A_5, %get3A_6] : memref<1x64x128xf32, #tpu.memory_space<vmem>>, vector<1x64x128xf32>
    %get3A_8 = vector.shape_cast %get3A_7 : vector<1x64x128xf32> to vector<64x128xf32>
    %get3A_9 = arith.constant 0 : index
    %get3A_10 = arith.constant 0 : index
    %get3A_11 = arith.constant 0 : index
    %get3A_12 = arith.constant 0 : index
    %get3A_13 = vector.load %arg4[%get3A_9, %get3A_10, %get3A_11, %get3A_12] : memref<1x1x16x64xi32, #tpu.memory_space<vmem>>, vector<1x1x16x64xi32>
    %get3A_14 = vector.shape_cast %get3A_13 : vector<1x1x16x64xi32> to vector<16x64xi32>
    %convert_element_type3A = arith.sitofp %get3A_14 : vector<16x64xi32> to vector<16x64xf32>
    %get3A_15 = arith.constant 0 : index
    %get3A_16 = arith.constant 0 : index
    %get3A_17 = arith.constant 0 : index
    %get3A_18 = arith.constant 0 : index
    %get3A_19 = vector.load %arg5[%get3A_15, %get3A_16, %get3A_17, %get3A_18] : memref<1x1x16x64xi32, #tpu.memory_space<vmem>>, vector<1x1x16x64xi32>
    %get3A_20 = vector.shape_cast %get3A_19 : vector<1x1x16x64xi32> to vector<16x64xi32>
    %convert_element_type3A_21 = arith.sitofp %get3A_20 : vector<16x64xi32> to vector<16x64xf32>
    %slice3A = vector.extract_strided_slice %convert_element_type3A_21 {offsets = [15, 0], sizes = [1, 64], strides = [1, 1]} : vector<16x64xf32> to vector<1x64xf32>
    %concatenate3A = tpu.concatenate %get3A_8, %get3A_3 in 0 : vector<64x128xf32>, vector<1024x128xf32> -> vector<1088x128xf32>
    %slice3A_22 = vector.extract_strided_slice %concatenate3A {offsets = [0, 0], sizes = [1088, 64], strides = [1, 1]} : vector<1088x128xf32> to vector<1088x64xf32>
    %slice3A_23 = vector.extract_strided_slice %concatenate3A {offsets = [0, 64], sizes = [1088, 64], strides = [1, 1]} : vector<1088x128xf32> to vector<1088x64xf32>
    %mul3A = arith.mulf %slice3A_22, %slice3A_22 : vector<1088x64xf32>
    %reduce_sum3A = arith.constant dense<0.000000e+00> : vector<1088xf32>
    %reduce_sum3A_24 = vector.multi_reduction <add>, %mul3A, %reduce_sum3A [1] : vector<1088x64xf32> to vector<1088xf32>
    %broadcast_in_dim3A = vector.shape_cast %reduce_sum3A_24 : vector<1088xf32> to vector<1088x1xf32>
    %sqrt3A = math.sqrt %broadcast_in_dim3A : vector<1088x1xf32>
    %max3A = arith.constant 9.99999996E-13 : f32
    %max3A_25 = vector.broadcast %max3A : f32 to vector<1088x1xf32>
    %max3A_26 = arith.maximumf %sqrt3A, %max3A_25 : vector<1088x1xf32>
    %div3A = vector.broadcast %max3A_26 : vector<1088x1xf32> to vector<1088x64xf32>
    %div3A_27 = arith.divf %slice3A_22, %div3A : vector<1088x64xf32>
    %convert_element_type3A_28 = arith.truncf %div3A_27 : vector<1088x64xf32> to vector<1088x64xbf16>
    %convert_element_type3A_29 = arith.truncf %slice3A_23 : vector<1088x64xf32> to vector<1088x64xbf16>
    %slice3A_30 = vector.extract_strided_slice %get3A_3 {offsets = [0, 0], sizes = [1024, 64], strides = [1, 1]} : vector<1024x128xf32> to vector<1024x64xf32>
    %convert_element_type3A_31 = arith.truncf %slice3A_30 : vector<1024x64xf32> to vector<1024x64xbf16>
    %reshape3A = vector.shape_cast %convert_element_type3A_31 : vector<1024x64xbf16> to vector<16x64x64xbf16>
    %slice3A_32 = vector.extract_strided_slice %convert_element_type3A_28 {offsets = [0, 0], sizes = [1024, 64], strides = [1, 1]} : vector<1088x64xbf16> to vector<1024x64xbf16>
    %reshape3A_33 = vector.shape_cast %slice3A_32 : vector<1024x64xbf16> to vector<16x64x64xbf16>
    %slice3A_34 = vector.extract_strided_slice %convert_element_type3A_28 {offsets = [64, 0], sizes = [1024, 64], strides = [1, 1]} : vector<1088x64xbf16> to vector<1024x64xbf16>
    %reshape3A_35 = vector.shape_cast %slice3A_34 : vector<1024x64xbf16> to vector<16x64x64xbf16>
    %concatenate3A_36 = tpu.concatenate %reshape3A_33, %reshape3A_35 in 1 : vector<16x64x64xbf16>, vector<16x64x64xbf16> -> vector<16x128x64xbf16>
    %slice3A_37 = vector.extract_strided_slice %convert_element_type3A_29 {offsets = [0, 0], sizes = [1024, 64], strides = [1, 1]} : vector<1088x64xbf16> to vector<1024x64xbf16>
    %reshape3A_38 = vector.shape_cast %slice3A_37 : vector<1024x64xbf16> to vector<16x64x64xbf16>
    %slice3A_39 = vector.extract_strided_slice %convert_element_type3A_29 {offsets = [64, 0], sizes = [1024, 64], strides = [1, 1]} : vector<1088x64xbf16> to vector<1024x64xbf16>
    %reshape3A_40 = vector.shape_cast %slice3A_39 : vector<1024x64xbf16> to vector<16x64x64xbf16>
    %concatenate3A_41 = tpu.concatenate %reshape3A_38, %reshape3A_40 in 1 : vector<16x64x64xbf16>, vector<16x64x64xbf16> -> vector<16x128x64xbf16>
    %dot_general3A = arith.constant dense<0.000000e+00> : vector<16x64x128xf32>
    %dot_general3A_42 = tpu.matmul %reshape3A, %concatenate3A_36, %dot_general3A {dimension_numbers = #tpu.dot_dimension_numbers<[2], [2], [1], [1], [0, 0, 0, 1, 1, 1], [0], [0]>, transpose_lhs_hint = false} : vector<16x64x64xbf16>, vector<16x128x64xbf16>, vector<16x64x128xf32> -> vector<16x64x128xf32>
    %mul3A_43 = arith.constant 1.250000e-01 : f32
    %mul3A_44 = vector.broadcast %mul3A_43 : f32 to vector<16x64x128xf32>
    %mul3A_45 = arith.mulf %dot_general3A_42, %mul3A_44 : vector<16x64x128xf32>
    %iota3A = tpu.iota {dimensions = array<i32: 0>} : vector<64x64xi32>
    %iota3A_46 = tpu.iota {dimensions = array<i32: 1>} : vector<64x64xi32>
    %eq3A = arith.cmpi eq, %iota3A, %iota3A_46 : vector<64x64xi32>
    %broadcast_in_dim3A_47 = vector.shape_cast %convert_element_type3A : vector<16x64xf32> to vector<16x1x64xf32>
    %broadcast_in_dim3A_48 = vector.shape_cast %broadcast_in_dim3A_47 : vector<16x1x64xf32> to vector<16x1x64xf32>
    %broadcast_in_dim3A_49 = vector.broadcast %broadcast_in_dim3A_48 : vector<16x1x64xf32> to vector<16x64x64xf32>
    %broadcast_in_dim3A_50 = vector.shape_cast %eq3A : vector<64x64xi1> to vector<1x64x64xi1>
    %jit3A = arith.constant 0.000000e+00 : f32
    %broadcast_in_dim3A_51 = vector.shape_cast %broadcast_in_dim3A_50 : vector<1x64x64xi1> to vector<1x64x64xi1>
    %broadcast_in_dim3A_52 = vector.broadcast %broadcast_in_dim3A_51 : vector<1x64x64xi1> to vector<16x64x64xi1>
    %broadcast_in_dim3A_53 = vector.broadcast %jit3A : f32 to vector<16x64x64xf32>
    %select_n3A = arith.select %broadcast_in_dim3A_52, %broadcast_in_dim3A_49, %broadcast_in_dim3A_53 : vector<16x64x64xi1>, vector<16x64x64xf32>
    %reduce_sum3A_54 = arith.constant dense<0.000000e+00> : vector<16x64xf32>
    %reduce_sum3A_55 = vector.multi_reduction <add>, %select_n3A, %reduce_sum3A_54 [2] : vector<16x64x64xf32> to vector<16x64xf32>
    %broadcast_in_dim3A_56 = vector.shape_cast %reduce_sum3A_55 : vector<16x64xf32> to vector<16x64x1xf32>
    %slice3A_57 = vector.extract_strided_slice %convert_element_type3A {offsets = [0, 0], sizes = [15, 64], strides = [1, 1]} : vector<16x64xf32> to vector<15x64xf32>
    %concatenate3A_58 = tpu.concatenate %slice3A, %slice3A_57 in 0 : vector<1x64xf32>, vector<15x64xf32> -> vector<16x64xf32>
    %concatenate3A_59 = tpu.concatenate %concatenate3A_58, %convert_element_type3A in 1 : vector<16x64xf32>, vector<16x64xf32> -> vector<16x128xf32>
    %broadcast_in_dim3A_60 = vector.shape_cast %concatenate3A_59 : vector<16x128xf32> to vector<16x1x128xf32>
    %lt3A = vector.broadcast %broadcast_in_dim3A_56 : vector<16x64x1xf32> to vector<16x64x128xf32>
    %lt3A_61 = vector.broadcast %broadcast_in_dim3A_60 : vector<16x1x128xf32> to vector<16x64x128xf32>
    %lt3A_62 = arith.cmpf olt, %lt3A, %lt3A_61 : vector<16x64x128xf32>
    %eq3A_63 = vector.broadcast %broadcast_in_dim3A_56 : vector<16x64x1xf32> to vector<16x64x128xf32>
    %eq3A_64 = vector.broadcast %broadcast_in_dim3A_60 : vector<16x1x128xf32> to vector<16x64x128xf32>
    %eq3A_65 = arith.cmpf oeq, %eq3A_63, %eq3A_64 : vector<16x64x128xf32>
    %jit3A_66 = arith.constant -1.000000e+05 : f32
    %broadcast_in_dim3A_67 = vector.broadcast %jit3A_66 : f32 to vector<16x64x128xf32>
    %select_n3A_68 = arith.select %eq3A_65, %broadcast_in_dim3A_67, %mul3A_45 : vector<16x64x128xi1>, vector<16x64x128xf32>
    %jit3A_69 = arith.constant -1.000000e+09 : f32
    %broadcast_in_dim3A_70 = vector.broadcast %jit3A_69 : f32 to vector<16x64x128xf32>
    %select_n3A_71 = arith.select %lt3A_62, %broadcast_in_dim3A_70, %select_n3A_68 : vector<16x64x128xi1>, vector<16x64x128xf32>
    %reduce_max3A = arith.constant dense<0xFF800000> : vector<16x64xf32>
    %reduce_max3A_72 = vector.multi_reduction <maximumf>, %select_n3A_71, %reduce_max3A [2] : vector<16x64x128xf32> to vector<16x64xf32>
    %broadcast_in_dim3A_73 = vector.shape_cast %reduce_max3A_72 : vector<16x64xf32> to vector<16x64x1xf32>
    %sub3A = vector.broadcast %broadcast_in_dim3A_73 : vector<16x64x1xf32> to vector<16x64x128xf32>
    %sub3A_74 = arith.subf %select_n3A_71, %sub3A : vector<16x64x128xf32>
    %exp3A = math.exp %sub3A_74 : vector<16x64x128xf32>
    %reduce_sum3A_75 = arith.constant dense<0.000000e+00> : vector<16x64xf32>
    %reduce_sum3A_76 = vector.multi_reduction <add>, %exp3A, %reduce_sum3A_75 [2] : vector<16x64x128xf32> to vector<16x64xf32>
    %broadcast_in_dim3A_77 = vector.shape_cast %reduce_sum3A_76 : vector<16x64xf32> to vector<16x64x1xf32>
    %convert_element_type3A_78 = arith.truncf %exp3A : vector<16x64x128xf32> to vector<16x64x128xbf16>
    %dot_general3A_79 = arith.constant dense<0.000000e+00> : vector<16x64x64xf32>
    %dot_general3A_80 = tpu.matmul %convert_element_type3A_78, %concatenate3A_41, %dot_general3A_79 {dimension_numbers = #tpu.dot_dimension_numbers<[2], [1], [1], [2], [0, 0, 0, 1, 1, 2], [0], [0]>, transpose_lhs_hint = false} : vector<16x64x128xbf16>, vector<16x128x64xbf16>, vector<16x64x64xf32> -> vector<16x64x64xf32>
    %div3A_81 = vector.broadcast %broadcast_in_dim3A_77 : vector<16x64x1xf32> to vector<16x64x64xf32>
    %div3A_82 = arith.divf %dot_general3A_80, %div3A_81 : vector<16x64x64xf32>
    %log3A = math.log %broadcast_in_dim3A_77 : vector<16x64x1xf32>
    %add3A = arith.addf %broadcast_in_dim3A_73, %log3A : vector<16x64x1xf32>
    %reshape3A_83 = vector.shape_cast %add3A : vector<16x64x1xf32> to vector<1024x1xf32>
    %reshape3A_84 = vector.shape_cast %div3A_82 : vector<16x64x64xf32> to vector<1024x64xf32>
    %broadcast_in_dim3A_85 = arith.constant 0.000000e+00 : f32
    %broadcast_in_dim3A_86 = vector.broadcast %broadcast_in_dim3A_85 : f32 to vector<1024x63xf32>
    %concatenate3A_87 = tpu.concatenate %reshape3A_84, %reshape3A_83, %broadcast_in_dim3A_86 in 1 : vector<1024x64xf32>, vector<1024x1xf32>, vector<1024x63xf32> -> vector<1024x128xf32>
    %swap3A = arith.constant 0 : index
    %swap3A_88 = arith.constant 0 : index
    %swap3A_89 = arith.constant 0 : index
    %swap3A_90 = vector.load %arg6[%swap3A, %swap3A_88, %swap3A_89] : memref<1x1024x128xf32, #tpu.memory_space<vmem>>, vector<1x1024x128xf32>
    %swap3A_91 = vector.shape_cast %swap3A_90 : vector<1x1024x128xf32> to vector<1024x128xf32>
    %swap3A_92 = vector.shape_cast %concatenate3A_87 : vector<1024x128xf32> to vector<1x1024x128xf32>
    tpu.vector_store %arg6[%swap3A, %swap3A_88, %swap3A_89], %swap3A_92 {strides = array<i32>} : memref<1x1024x128xf32, #tpu.memory_space<vmem>>, vector<1x1024x128xf32>,
    return
  }
  func.func @transform_0(%arg0: i32, %arg1: i32) -> (i32, i32, i32) {
    %c0_i32 = arith.constant 0 : i32
    %c0_i32_0 = arith.constant 0 : i32
    return %arg0, %arg1, %c0_i32 : i32, i32, i32
  }
  func.func @transform_1(%arg0: i32, %arg1: i32) -> (i32, i32, i32) {
    %mul3A = arith.constant 16 : i32
    %mul3A_0 = arith.muli %arg1, %mul3A : i32
    %sub3A = arith.constant 1 : i32
    %sub3A_1 = arith.subi %mul3A_0, %sub3A : i32
    %jit3A = arith.constant 512 : i32
    %eq3A = arith.constant 0 : i32
    %eq3A_2 = arith.cmpi eq, %jit3A, %eq3A : i32
    %jit3A_3 = arith.constant 1 : i32
    %select_n3A = arith.select %eq3A_2, %jit3A_3, %jit3A : i32
    %rem3A = arith.remsi %sub3A_1, %select_n3A : i32
    %ne3A = arith.constant 0 : i32
    %ne3A_4 = arith.cmpi ne, %rem3A, %ne3A : i32
    %lt3A = arith.constant 0 : i32
    %lt3A_5 = arith.cmpi slt, %rem3A, %lt3A : i32
    %lt3A_6 = arith.constant 0 : i32
    %lt3A_7 = arith.cmpi slt, %select_n3A, %lt3A_6 : i32
    %ne3A_8 = arith.xori %lt3A_5, %lt3A_7 : i1
    %and3A = arith.andi %ne3A_8, %ne3A_4 : i1
    %add3A = arith.addi %rem3A, %select_n3A : i32
    %select_n3A_9 = arith.select %and3A, %add3A, %rem3A : i32
    %c0_i32 = arith.constant 0 : i32
    %c0_i32_10 = arith.constant 0 : i32
    return %arg0, %select_n3A_9, %c0_i32 : i32, i32, i32
  }
  func.func @transform_2(%arg0: i32, %arg1: i32) -> (i32, i32, i32, i32) {
    %c0_i32 = arith.constant 0 : i32
    %c0_i32_0 = arith.constant 0 : i32
    %c0_i32_1 = arith.constant 0 : i32
    return %arg0, %arg1, %c0_i32, %c0_i32_0 : i32, i32, i32, i32
  }
  func.func @transform_3(%arg0: i32, %arg1: i32) -> (i32, i32, i32, i32) {
    %sub3A = arith.constant 1 : i32
    %sub3A_0 = arith.subi %arg1, %sub3A : i32
    %jit3A = arith.constant 32 : i32
    %eq3A = arith.constant 0 : i32
    %eq3A_1 = arith.cmpi eq, %jit3A, %eq3A : i32
    %jit3A_2 = arith.constant 1 : i32
    %select_n3A = arith.select %eq3A_1, %jit3A_2, %jit3A : i32
    %rem3A = arith.remsi %sub3A_0, %select_n3A : i32
    %ne3A = arith.constant 0 : i32
    %ne3A_3 = arith.cmpi ne, %rem3A, %ne3A : i32
    %lt3A = arith.constant 0 : i32
    %lt3A_4 = arith.cmpi slt, %rem3A, %lt3A : i32
    %lt3A_5 = arith.constant 0 : i32
    %lt3A_6 = arith.cmpi slt, %select_n3A, %lt3A_5 : i32
    %ne3A_7 = arith.xori %lt3A_4, %lt3A_6 : i1
    %and3A = arith.andi %ne3A_7, %ne3A_3 : i1
    %add3A = arith.addi %rem3A, %select_n3A : i32
    %select_n3A_8 = arith.select %and3A, %add3A, %rem3A : i32
    %c0_i32 = arith.constant 0 : i32
    %c0_i32_9 = arith.constant 0 : i32
    %c0_i32_10 = arith.constant 0 : i32
    return %arg0, %select_n3A_8, %c0_i32, %c0_i32_9 : i32, i32, i32, i32
  }
  func.func @transform_4(%arg0: i32, %arg1: i32) -> (i32, i32, i32) {
    %c0_i32 = arith.constant 0 : i32
    %c0_i32_0 = arith.constant 0 : i32
    return %arg0, %arg1, %c0_i32 : i32, i32, i32
  }
}

module attributes {stable_mosaic.version = 14 : i64} {
  func.func @_combine_body(%arg0: i32, %arg1: i32, %arg2: memref<1x8x1024x128xf32, #tpu.memory_space<vmem>>, %arg3: memref<1x1024x64xf32, #tpu.memory_space<vmem>>) attributes {dimension_semantics = [#tpu.dimension_semantics<arbitrary>, #tpu.dimension_semantics<arbitrary>], iteration_bounds = array<i64: 16, 4>, scalar_prefetch = 0 : i64, scratch_operands = 0 : i64, tpu.core_type = #tpu.core_type<tc>, window_params = [{transform_indices = @transform_0, window_bounds = array<i64: 1, 8, 1024, 128>}, {transform_indices = @transform_1, window_bounds = array<i64: 1, 1024, 64>}]} {
    %get3A = arith.constant 0 : index
    %get3A_0 = arith.constant 0 : index
    %get3A_1 = arith.constant 0 : index
    %get3A_2 = arith.constant 0 : index
    %get3A_3 = vector.load %arg2[%get3A, %get3A_0, %get3A_1, %get3A_2] : memref<1x8x1024x128xf32, #tpu.memory_space<vmem>>, vector<1x8x1024x128xf32>
    %get3A_4 = vector.shape_cast %get3A_3 : vector<1x8x1024x128xf32> to vector<8x1024x128xf32>
    %slice3A = vector.extract_strided_slice %get3A_4 {offsets = [0, 0, 0], sizes = [8, 1024, 64], strides = [1, 1, 1]} : vector<8x1024x128xf32> to vector<8x1024x64xf32>
    %slice3A_5 = vector.extract_strided_slice %get3A_4 {offsets = [0, 0, 64], sizes = [8, 1024, 1], strides = [1, 1, 1]} : vector<8x1024x128xf32> to vector<8x1024x1xf32>
    %squeeze3A = vector.shape_cast %slice3A_5 : vector<8x1024x1xf32> to vector<8x1024xf32>
    %reduce_max3A = arith.constant dense<0xFF800000> : vector<1024xf32>
    %reduce_max3A_6 = vector.multi_reduction <maximumf>, %squeeze3A, %reduce_max3A [0] : vector<8x1024xf32> to vector<1024xf32>
    %broadcast_in_dim3A = vector.shape_cast %reduce_max3A_6 : vector<1024xf32> to vector<1x1024xf32>
    %sub3A = vector.broadcast %broadcast_in_dim3A : vector<1x1024xf32> to vector<8x1024xf32>
    %sub3A_7 = arith.subf %squeeze3A, %sub3A : vector<8x1024xf32>
    %exp3A = math.exp %sub3A_7 : vector<8x1024xf32>
    %reduce_sum3A = arith.constant dense<0.000000e+00> : vector<1024xf32>
    %reduce_sum3A_8 = vector.multi_reduction <add>, %exp3A, %reduce_sum3A [0] : vector<8x1024xf32> to vector<1024xf32>
    %broadcast_in_dim3A_9 = vector.shape_cast %reduce_sum3A_8 : vector<1024xf32> to vector<1x1024xf32>
    %div3A = vector.broadcast %broadcast_in_dim3A_9 : vector<1x1024xf32> to vector<8x1024xf32>
    %div3A_10 = arith.divf %exp3A, %div3A : vector<8x1024xf32>
    %broadcast_in_dim3A_11 = vector.shape_cast %div3A_10 : vector<8x1024xf32> to vector<8x1024x1xf32>
    %mul3A = vector.broadcast %broadcast_in_dim3A_11 : vector<8x1024x1xf32> to vector<8x1024x64xf32>
    %mul3A_12 = arith.mulf %slice3A, %mul3A : vector<8x1024x64xf32>
    %reduce_sum3A_13 = arith.constant dense<0.000000e+00> : vector<1024x64xf32>
    %reduce_sum3A_14 = vector.multi_reduction <add>, %mul3A_12, %reduce_sum3A_13 [0] : vector<8x1024x64xf32> to vector<1024x64xf32>
    %swap3A = arith.constant 0 : index
    %swap3A_15 = arith.constant 0 : index
    %swap3A_16 = arith.constant 0 : index
    %swap3A_17 = vector.load %arg3[%swap3A, %swap3A_15, %swap3A_16] : memref<1x1024x64xf32, #tpu.memory_space<vmem>>, vector<1x1024x64xf32>
    %swap3A_18 = vector.shape_cast %swap3A_17 : vector<1x1024x64xf32> to vector<1024x64xf32>
    %swap3A_19 = vector.shape_cast %reduce_sum3A_14 : vector<1024x64xf32> to vector<1x1024x64xf32>
    tpu.vector_store %arg3[%swap3A, %swap3A_15, %swap3A_16], %swap3A_19 {strides = array<i32>} : memref<1x1024x64xf32, #tpu.memory_space<vmem>>, vector<1x1024x64xf32>,
    return
  }
  func.func @transform_0(%arg0: i32, %arg1: i32) -> (i32, i32, i32, i32) {
    %c0_i32 = arith.constant 0 : i32
    %c0_i32_0 = arith.constant 0 : i32
    %c0_i32_1 = arith.constant 0 : i32
    return %arg0, %c0_i32, %arg1, %c0_i32_0 : i32, i32, i32, i32
  }
  func.func @transform_1(%arg0: i32, %arg1: i32) -> (i32, i32, i32) {
    %c0_i32 = arith.constant 0 : i32
    %c0_i32_0 = arith.constant 0 : i32
    return %arg0, %arg1, %c0_i32 : i32, i32, i32
  }
}

</mosaic_0001>

<sc_bundles>
// kernel: kernel.10.cloned.1.call-start
scs
__scs_entry_jumppad:
0x0: {  	(pc) =	sbr.rel $0x88, $3  }
0x1: {  	(tag) =	ssettag $0x0;
	lr =	simm.s32 $0x1  }
0x2: {  	[smem:$0x3F9E] =	sst lr;
	_ =	strace $0xD0000000  }
0x3: {  	_ = 	snop  }
0x4: {  	_ = 	snop  }
0x5: {  	_ = 	snop  }
0x6: {  	_ = 	snop  }
0x7: {  	_ = 	snop  }
__scs_overlays_trampoline_lowered:
0x8: {  	[smem:$0x3FAD] =	sst s0  }
0x9: {  	[smem:$0x3FAE] =	sst s1  }
0xa: {  	[smem:$0x3FAF] =	sst s2  }
0xb: {  	[smem:$0x3FB0] =	sst s3  }
0xc: {  	[smem:$0x3FB1] =	sst s4  }
0xd: {  	[smem:$0x3FB2] =	sst s5  }
0xe: {  	[smem:$0x3FB3] =	sst s6  }
0xf: {  	[smem:$0x3FB4] =	sst s7  }
0x10: {  	[smem:$0x3FB5] =	sst s8  }
0x11: {  	[smem:$0x3FB6] =	sst s9;
	s0 =	simm.s32 @!p0 $0x0  }
0x12: {  	s1 =	sld [smem:$0x3F9C];
	s0 =	simm.s32 @p0 $0x1  }
0x13: {  	[smem:$0x3FB7] =	sst s0;
	s0 =	simm.s32 @!p1 $0x0  }
0x14: {  	s2 =	sld [smem:$0x3F9B];
	s0 =	simm.s32 @p1 $0x1  }
0x15: {  	[smem:$0x3FB8] =	sst s0;
	s0 =	simm.s32 @!p2 $0x0  }
0x16: {  	s3 =	sld [smem:$0x3FDB];
	s0 =	simm.s32 @p2 $0x1  }
0x17: {  	s4 =	simm.s32 $0x1BF5;
	[smem:$0x3FBA] =	sst s0  }
0x18: {  	s0 =	sld [smem:$0x3F9D];
	_ =	swait.ge [sflag:s4], $0x0  }
0x19: {  	s7 =	sld [smem:$0x3F9E]  }
0x1a: {  	s8 =	sadd.s32 $0xFFFFE003, lr  }
0x1b: {  	s9 =	sadd.s32 $0xFFFFFEF7, lr;
	s5 =	simm.s32 $0xFFFFFFFF;
	p2 =	slt.u32 s8, $0xFFFFF086  }
0x1c: {  	p1 =	slt.u32 s9, $0xF7A;
	s5 =	simm.s32 @!p2 $0x0  }
0x1d: {  	s5 =	simm.s32 @p1 $0x1;
	p0 =	seq.s32 s7, s2  }
0x1e: {  	s7 =	smul.u32 @!p0 $0xF7A, s2;
	p2 =	seq.s32 @!p0 s5, $0x0  }
0x1f: {  	s9 =	smul.u32 $0xF7A, s1;
	s8 =	simm.s32 @!p0 $0x1BF5;
	p2 =	por !p2, p0  }
0x20: {  	[sflag:s8] =	ssyncset.s32 @!p0 $0xFFFFF086;
	s6 =	sadd.s32 @!p0 s3, s7;
	s7 =	simm.s32 @!p0 $0x108  }
0x21: {  	s3 =	sadd.s32 s3, s9;
	s6 =	sadd.s32 @!p0 $0x88, s6;
	s7 =	simm.s32 @p2 $0x1082  }
0x22: {  	[simem:s7], [sflag:s8] =	dma.local @!p0 [hbm:s6], $0xF7A  }
0x23: {  	s9 =	sor.u32 $0xD0000000, s2;
	s6 =	simm.s32 $0x108;
	_ =	swait.ge @!p0 [sflag:s8], $0x0  }
0x24: {  	s3 =	sadd.s32 $0x88, s3;
	s6 =	simm.s32 @!p1 $0x1082;
	[sflag:s4] =	ssyncset.s32 $0xFFFFF086  }
0x25: {  	[simem:s6], [sflag:s4] =	dma.local [hbm:s3], $0xF7A  }
0x26: {  	[smem:$0x3F9E] =	sst s1;
	(tag) =	ssettag s2;
	_ =	strace s9  }
0x27: {  	s1 =	sld [smem:$0x3FAE]  }
0x28: {  	s2 =	sld [smem:$0x3FAF]  }
0x29: {  	s4 =	sld [smem:$0x3FB1]  }
0x2a: {  	p0 =	seq.s32 s5, $0x0;
	s5 =	sld [smem:$0x3FB2]  }
0x2b: {  	s6 =	sld [smem:$0x3FB3]  }
0x2c: {  	s7 =	sld [smem:$0x3FB4]  }
0x2d: {  	s3 =	simm.s32 $0x108;
	s8 =	sld [smem:$0x3FB5]  }
0x2e: {  	s3 =	simm.s32 @!p0 $0x1082;
	s9 =	sld [smem:$0x3FB6]  }
0x2f: {  	lr =	sadd.s32 s0, s3;
	s0 =	sld [smem:$0x3FAD]  }
0x30: {  	s3 =	sld [smem:$0x3FB0]  }
0x31: {  	[smem:$0x3FB9] =	sst s10  }
0x32: {  	s10 =	sld [smem:$0x3FB7];
	_ =	sdelay $0x3  }
0x33: {  	p0 =	seq.s32 s10, $0x1;
	s10 =	sld [smem:$0x3FB9];
	_ =	sdelay $0x3  }
0x34: {  	[smem:$0x3FB9] =	sst s10  }
0x35: {  	s10 =	sld [smem:$0x3FB8];
	_ =	sdelay $0x3  }
0x36: {  	p1 =	seq.s32 s10, $0x1;
	s10 =	sld [smem:$0x3FB9];
	_ =	sdelay $0x3  }
0x37: {  	[smem:$0x3FB9] =	sst s10  }
0x38: {  	s10 =	sld [smem:$0x3FBA]  }
0x39: {  	_ = 	snop;
	(pc) =	sbr.ind lr, $3  }
0x3a: {  	_ = 	snop  }
0x3b: {  	_ = 	snop  }
0x3c: {  	p2 =	seq.s32 s10, $0x1;
	s10 =	sld [smem:$0x3FB9]  }
0x3d: {  	_ =	shalt  }
0x3e: {  	_ =	shalt  }
0x3f: {  	_ =	shalt  }
0x40: {  	_ =	shalt  }
0x41: {  	_ =	shalt  }
0x42: {  	_ =	shalt  }
0x43: {  	_ =	shalt  }
0x44: {  	_ =	shalt  }
0x45: {  	_ =	shalt  }
0x46: {  	_ =	shalt  }
0x47: {  	_ =	shalt  }
0x48: {  	_ =	shalt  }
0x49: {  	_ =	shalt  }
0x4a: {  	_ =	shalt  }
0x4b: {  	_ =	shalt  }
0x4c: {  	_ =	shalt  }
0x4d: {  	_ =	shalt  }
0x4e: {  	_ =	shalt  }
0x4f: {  	_ =	shalt  }
0x50: {  	_ =	shalt  }
0x51: {  	_ =	shalt  }
0x52: {  	_ =	shalt  }
0x53: {  	_ =	shalt  }
0x54: {  	_ =	shalt  }
0x55: {  	_ =	shalt  }
0x56: {  	_ =	shalt  }
0x57: {  	_ =	shalt  }
0x58: {  	_ =	shalt  }
0x59: {  	_ =	shalt  }
0x5a: {  	_ =	shalt  }
0x5b: {  	_ =	shalt  }
0x5c: {  	_ =	shalt  }
0x5d: {  	_ =	shalt  }
0x5e: {  	_ =	shalt  }
0x5f: {  	_ =	shalt  }
0x60: {  	_ =	shalt  }
0x61: {  	_ =	shalt  }
0x62: {  	_ =	shalt  }
0x63: {  	_ =	shalt  }
0x64: {  	_ =	shalt  }
0x65: {  	_ =	shalt  }
0x66: {  	_ =	shalt  }
0x67: {  	_ =	shalt  }
0x68: {  	_ =	shalt  }
0x69: {  	_ =	shalt  }
0x6a: {  	_ =	shalt  }
0x6b: {  	_ =	shalt  }
0x6c: {  	_ =	shalt  }
0x6d: {  	_ =	shalt  }
0x6e: {  	_ =	shalt  }
0x6f: {  	_ =	shalt  }
0x70: {  	_ =	shalt  }
0x71: {  	_ =	shalt  }
0x72: {  	_ =	shalt  }
0x73: {  	_ =	shalt  }
0x74: {  	_ =	shalt  }
0x75: {  	_ =	shalt  }
0x76: {  	_ =	shalt  }
0x77: {  	_ =	shalt  }
0x78: {  	_ =	shalt  }
0x79: {  	_ =	shalt  }
0x7a: {  	_ =	shalt  }
0x7b: {  	_ =	shalt  }
0x7c: {  	_ =	shalt  }
0x7d: {  	_ =	shalt  }
0x7e: {  	_ =	shalt  }
0x7f: {  	_ =	shalt  }
0x80: {  	_ =	shalt  }
0x81: {  	_ =	shalt  }
0x82: {  	_ =	shalt  }
0x83: {  	_ =	shalt  }
0x84: {  	_ =	shalt  }
0x85: {  	_ =	shalt  }
0x86: {  	_ =	shalt  }
0x87: {  	_ =	shalt  }
.Lfunc_end0:
.L_simem_size_0:
called_computation.1_lowered:
.L_overlay_start_0:
0x88: {  	s2 =	sld [smem:$0x3FD9]  }
0x89: {  	s3 =	sld [smem:$0x3FFE];
	_ =	sdelay $0x1  }
0x8a: {  	s1 =	srdreg.scid  }
0x8b: {  	s0 =	sand.u32 $0x1, s1  }
0x8c: {  	s16 =	sshll.u32 s0, $0xA;
	s2 =	sadd.s32 s3, s2  }
0x8d: {  	s2 =	sadd.s32 s2, s16  }
0x8e: {  	[smem:$0x3FC5] =	sst s2  }
0x8f: {  	_ = 	snop  }
0x90: {  	(tm) =	ssettm $0x1  }
0x91: {  	s17 =	sld [smem:$0x3FFB];
	_ =	sdelay $0x3  }
0x92: {  	_ =	strace s17  }
0x93: {  	s2 =	sld [smem:$0x3FFC];
	_ =	sdelay $0x3  }
0x94: {  	_ =	strace s2  }
0x95: {  	s2 =	sld [smem:$0x3FFD];
	_ =	sdelay $0x3  }
0x96: {  	_ =	strace s2  }
0x97: {  	_ =	strace $0x8FFFFFFF  }
0x98: {  	s18 =	sld [smem:$0x3FDB];
	_ =	sdelay $0x1  }
0x99: {  	s19 =	simm.s32 $_scs_section_size  }
0x9a: {  	s4 =	simm.s32 $_size__tile_overlayer_lowered;
	s5 =	simm.s32 $_tile_overlayer_lowered  }
0x9b: {  	s22 =	simm.s32 $0x1BFF;
	s21 =	sshll.u32 s5, $0x1;
	s2 =	sadd.s32 s19, s18  }
0x9c: {  	s6 =	simm.s32 $0x0;
	s20 =	sshll.u32 s4, $0x1;
	s4 =	sadd.s32 s21, s2  }
0x9d: {  	[timem:s6], [sflag:s22] =	dma.local [hbm:s4], s20  }
0x9e: {  	_ =	swait.ge [sflag:s22], s20  }
0x9f: {  	s3 =	ssub.s32 $0x0, s20;
	[sflag:s22] =	ssyncset.done $0x0  }
0xa0: {  	[sflag:s22] =	ssyncadd.s32 s3;
	_ =	sdelay $0x1  }
0xa1: {  	s23 =	simm.s32 $0x1B8B  }
0xa2: {  	_ =	swait.ge [sflag:s23], $0x1  }
0xa3: {  	[sflag:s23] =	ssyncset.done $0x0  }
0xa4: {  	s25 =	simm.s32 $0x1B8E;
	s24 =	sld [smem:$0x3FFE];
	[sflag:s23] =	ssyncadd.s32 $0xFFFFFFFF  }
0xa5: {  	s26 =	simm.s32 $execute0_lowered;
	[smem:$0x3FD2] =	sst s25  }
0xa6: {  	s4 =	sshll.u32 s26, $0x1;
	_ =	strace $0x80000049;
	[dreg:$0x1] =	wrdreg $0xFFFFFFFF  }
0xa7: {  	s28 =	simm.s32 $_size_execute0_lowered;
	s2 =	sadd.s32 s2, s4;
	[dreg:$0x0] =	wrdreg $0x0  }
0xa8: {  	s4 =	sshll.u32 s28, $0x1;
	[dreg:$0x2] =	wrdreg s2  }
0xa9: {  	[dreg:$0x3] =	wrdreg s4  }
0xaa: {  	[dreg:$0x4] =	wrdreg $0xC0  }
0xab: {  	_ =	task [dreg:s6], $0x5FFFF  }
0xac: {  	[dreg:$0x1] =	wrdreg $0xFFFFFFFF  }
0xad: {  	[dreg:$0x0] =	wrdreg $0x60  }
0xae: {  	[dreg:$0x2] =	wrdreg s24  }
0xaf: {  	[dreg:$0x3] =	wrdreg $0x9  }
0xb0: {  	_ =	task.clear_ibuf [dreg:s6], $0x4FFFF;
	_ =	strace $0x90000049  }
0xb1: {  	s29 =	simm.s32 $0x9;
	_ =	strace $0x8000004B  }
0xb2: {  	_ =	swait.ge [sflag:s29], $0x1  }
0xb3: {  	[sflag:s29] =	ssyncadd.s32 $0xFFFFFFFF  }
0xb4: {  	_ =	strace $0x9000004B  }
0xb5: {  	_ =	sfence  }
0xb6: {  	s30 =	sld [smem:$0x0];
	_ =	sdelay $0x2  }
0xb7: {  	s31 =	sshll.u32 s1, $0xD;
	s1 =	sshrl.u32 s1, $0x2  }
0xb8: {  	s3 =	sand.u32 $0x4000, s31;
	s1 =	sadd.s32 s1, s30  }
0xb9: {  	s0 =	sor.u32 s3, s0;
	s1 =	sshll.u32 s1, $0x11  }
0xba: {  	s0 =	sor.u32 s1, s0  }
0xbb: {  	s0 =	sadd.s32 $0x8F2B, s0  }
0xbc: {  	[sflag:s0] =	ssyncadd.remote.s32 $0x1  }
0xbd: {  	_ =	sfence.sel $0xFFFF  }
0xbe: {  	[dreg:$0x0] =	wrdreg $0xFFFFFFFF;
	(pc) =	sbr.abs _section_cstart, $3  }
0xbf: {  	[dreg:$0x1] =	wrdreg $0xFFFFFFFF  }
0xc0: {  	_ =	task.clear_ibuf [dreg:s6], $0x2FFFF;
	_ =	strace $0x9FFFFFFF  }
0xc1: {  	(tm) =	ssettm $0x7FFFFFFF  }
tec
execute0_lowered:
.L_overlay_start_1:
0x0: {  	(tag) =	ssettag $0x1  }
0x1: {  	s4 =	rddreg [dreg:$0x0]  }
0x2: {  	s0 =	rddreg [dreg:$0x1];
	s2 =	simm.s32 $0x0;
	s3 =	srdreg.scid  }
0x3: {  	s1 =	stileid.u32;
	s13 =	simm.s32 $0x2;
	s14 =	simm.s32 $0x80  }
0x4: {  	s15 =	simm.s32 $0x1000;
	s16 =	simm.s32 $0x5000;
	s17 =	simm.s32 $0x9000  }
0x5: {  	s18 =	simm.s32 $0xD000;
	s19 =	simm.s32 $0x1;
	s20 =	simm.s32 $0x0  }
0x6: {  	[smem:$0x7FF] =	sst s2;
	s5 =	sand.u32 $0x1, s3;
	s6 =	sshll.u32 s1, $0xC  }
0x7: {  	s3 =	sadd.s32 $0xB11E00, s4;
	s31 =	sshll.u32 s1, $0x13;
	s7 =	sshll.u32 s5, $0xB  }
0x8: {  	_ =	strace $0x8000004A;
	s9 =	ssub.s32 $0x2, s5;
	s6 =	sor.u32 s7, s6  }
0x9: {  	s11 =	sshll.u32 s5, $0x12;
	s7 =	sadd.s32 s31, s4;
	s8 =	sadd.s32 s6, s4  }
0xa: {  	s10 =	sshrl.u32 s9, $0x1;
	s4 =	sadd.s32 $0x101E00, s8;
	s5 =	sadd.s32 $0x102000, s8  }
0xb: {  	s12 =	sadd.s32 s11, s7;
	s6 =	sadd.s32 $0x102200, s8;
	s7 =	sadd.s32 $0x102400, s8  }
0xc: {  	s9 =	ssub.s32 s9, s10;
	s8 =	sadd.s32 $0x111E00, s12;
	s10 =	sadd.s32 $0x121E00, s12  }
0xd: {  	s9 =	smax.u32 s9, $0x1;
	s11 =	sadd.s32 $0x131E00, s12;
	s12 =	sadd.s32 $0x141E00, s12  }
.LBB2_1:
0xe: {  	[tilespmem:s2], [sflag:$0x2] =	stream.linear.gather [hbm4b:s4+s2], $0x1000, $0x38;
	[tilespmem:$0x11000] =	vst v63  }
0xf: {  	_ =	swait.ge [sflag:s13], $0x1000  }
0x10: {  	[sflag:s13] =	ssyncset.done $0x0  }
0x11: {  	s21 =	simm.s32 $0x0;
	[sflag:s13] =	ssyncadd.s32 $0xFFFFF000  }
0x12: {  	[tilespmem:s15], [sflag:$0x1] =	stream.indirect.gather [hbm4b:s3+s14], $0x80, s21, s14, $0xb8;
	[tilespmem:$0x11000] =	vst v63  }
0x13: {  	s28 =	simm.s32 $0x80  }
0x14: {  	[tilespmem:s16], [sflag:$0x1] =	stream.indirect.gather [hbm4b:s3+s14], $0x80, s28, s14, $0xb8;
	[tilespmem:$0x11000] =	vst v63  }
0x15: {  	s29 =	simm.s32 $0x100  }
0x16: {  	[tilespmem:s17], [sflag:$0x1] =	stream.indirect.gather [hbm4b:s3+s14], $0x80, s29, s14, $0xb8;
	[tilespmem:$0x11000] =	vst v63  }
0x17: {  	s30 =	simm.s32 $0x180  }
0x18: {  	[tilespmem:s18], [sflag:$0x1] =	stream.indirect.gather [hbm4b:s3+s14], $0x80, s30, s14, $0xb8;
	[tilespmem:$0x11000] =	vst v63  }
0x19: {  	_ =	swait.ge [sflag:s19], $0x4000  }
0x1a: {  	[sflag:s19] =	ssyncset.done $0x0  }
0x1b: {  	[sflag:s19] =	ssyncadd.s32 $0xFFFFC000  }
0x1c: {  	_ =	swait.ge [sflag:s19], $0x4000  }
0x1d: {  	[sflag:s19] =	ssyncset.done $0x0  }
0x1e: {  	[sflag:s19] =	ssyncadd.s32 $0xFFFFC000  }
0x1f: {  	_ =	swait.ge [sflag:s19], $0x4000  }
0x20: {  	[sflag:s19] =	ssyncset.done $0x0  }
0x21: {  	[sflag:s19] =	ssyncadd.s32 $0xFFFFC000  }
0x22: {  	_ =	swait.ge [sflag:s19], $0x4000  }
0x23: {  	[sflag:s19] =	ssyncset.done $0x0  }
0x24: {  	s31 =	sadd.s32 $0x0, s8;
	[sflag:s19] =	ssyncadd.s32 $0xFFFFC000  }
0x25: {  	[hbm4b:s31+s2] =	stream.linear.scatter [tilespmem:s15], [sflag:$0x2], $0x10000, $0x38;
	[tilespmem:$0x11000] =	vst v63  }
0x26: {  	s23 =	simm.s32 $0x4000;
	_ =	swait.ge [sflag:s13], $0x10000  }
0x27: {  	s22 =	simm.s32 $0x380;
	s21 =	simm.s32 $0x2000;
	[sflag:s13] =	ssyncset.done $0x0  }
.LBB2_2:
0x28: {  	p0 =	sne.s32 s23, $0xE000;
	s24 =	sadd.s32 $0xFFFFFE80, s22;
	[sflag:s13] =	ssyncadd.s32 $0xFFFF0000  }
0x29: {  	[tilespmem:s15], [sflag:$0x1] =	stream.indirect.gather [hbm4b:s3+s14], $0x80, s24, s14, $0xb8;
	[tilespmem:$0x11000] =	vst v63  }
0x2a: {  	s25 =	smov.u32 s23;
	s23 =	sadd.s32 $0x2000, s23;
	s24 =	sadd.s32 $0xFFFFFF00, s22  }
0x2b: {  	[tilespmem:s16], [sflag:$0x1] =	stream.indirect.gather [hbm4b:s3+s14], $0x80, s24, s14, $0xb8;
	[tilespmem:$0x11000] =	vst v63  }
0x2c: {  	s24 =	sadd.s32 $0xFFFFFF80, s22  }
0x2d: {  	[tilespmem:s17], [sflag:$0x1] =	stream.indirect.gather [hbm4b:s3+s14], $0x80, s24, s14, $0xb8;
	[tilespmem:$0x11000] =	vst v63  }
0x2e: {  	_ = 	snop  }
0x2f: {  	[tilespmem:s18], [sflag:$0x1] =	stream.indirect.gather [hbm4b:s3+s14], $0x80, s22, s14, $0xb8;
	[tilespmem:$0x11000] =	vst v63  }
0x30: {  	_ =	swait.ge [sflag:s19], $0x4000  }
0x31: {  	[sflag:s19] =	ssyncset.done $0x0  }
0x32: {  	[sflag:s19] =	ssyncadd.s32 $0xFFFFC000  }
0x33: {  	_ =	swait.ge [sflag:s19], $0x4000  }
0x34: {  	[sflag:s19] =	ssyncset.done $0x0  }
0x35: {  	[sflag:s19] =	ssyncadd.s32 $0xFFFFC000  }
0x36: {  	_ =	swait.ge [sflag:s19], $0x4000  }
0x37: {  	[sflag:s19] =	ssyncset.done $0x0  }
0x38: {  	[sflag:s19] =	ssyncadd.s32 $0xFFFFC000  }
0x39: {  	_ =	swait.ge [sflag:s19], $0x4000  }
.Ltmp0:
0x3a: {  	[sflag:s19] =	ssyncset.done $0x0;
	(pc) =	sbr.rel @p0 .LBB2_2-.Ltmp0, $4  }
0x3b: {  	s24 =	sadd.s32 s21, s8;
	s21 =	smov.u32 s25;
	[sflag:s19] =	ssyncadd.s32 $0xFFFFC000  }
0x3c: {  	[hbm4b:s24+s2] =	stream.linear.scatter [tilespmem:s15], [sflag:$0x2], $0x10000, $0x38;
	[tilespmem:$0x11000] =	vst v63  }
0x3d: {  	_ =	swait.ge [sflag:s13], $0x10000  }
0x3e: {  	s22 =	sadd.s32 $0x200, s22;
	[sflag:s13] =	ssyncset.done $0x0  }
0x3f: {  	s23 =	sadd.s32 $0xFFFFFE80, s22;
	[sflag:s13] =	ssyncadd.s32 $0xFFFF0000  }
0x40: {  	[tilespmem:s15], [sflag:$0x1] =	stream.indirect.gather [hbm4b:s3+s14], $0x80, s23, s14, $0xb8;
	[tilespmem:$0x11000] =	vst v63  }
0x41: {  	s31 =	sadd.s32 $0xFFFFFF00, s22  }
0x42: {  	[tilespmem:s16], [sflag:$0x1] =	stream.indirect.gather [hbm4b:s3+s14], $0x80, s31, s14, $0xb8;
	[tilespmem:$0x11000] =	vst v63  }
0x43: {  	s24 =	sadd.s32 $0xFFFFFF80, s22  }
0x44: {  	[tilespmem:s17], [sflag:$0x1] =	stream.indirect.gather [hbm4b:s3+s14], $0x80, s24, s14, $0xb8;
	[tilespmem:$0x11000] =	vst v63  }
0x45: {  	_ = 	snop  }
0x46: {  	[tilespmem:s18], [sflag:$0x1] =	stream.indirect.gather [hbm4b:s3+s14], $0x80, s22, s14, $0xb8;
	[tilespmem:$0x11000] =	vst v63  }
0x47: {  	_ =	swait.ge [sflag:s19], $0x4000  }
0x48: {  	[sflag:s19] =	ssyncset.done $0x0  }
0x49: {  	[sflag:s19] =	ssyncadd.s32 $0xFFFFC000  }
0x4a: {  	_ =	swait.ge [sflag:s19], $0x4000  }
0x4b: {  	[sflag:s19] =	ssyncset.done $0x0  }
0x4c: {  	[sflag:s19] =	ssyncadd.s32 $0xFFFFC000  }
0x4d: {  	_ =	swait.ge [sflag:s19], $0x4000  }
0x4e: {  	[sflag:s19] =	ssyncset.done $0x0  }
0x4f: {  	[sflag:s19] =	ssyncadd.s32 $0xFFFFC000  }
0x50: {  	_ =	swait.ge [sflag:s19], $0x4000  }
0x51: {  	[sflag:s19] =	ssyncset.done $0x0  }
0x52: {  	s21 =	sadd.s32 s21, s8;
	[sflag:s19] =	ssyncadd.s32 $0xFFFFC000  }
0x53: {  	[hbm4b:s21+s2] =	stream.linear.scatter [tilespmem:s15], [sflag:$0x2], $0x10000, $0x38;
	[tilespmem:$0x11000] =	vst v63  }
0x54: {  	_ =	swait.ge [sflag:s13], $0x10000  }
0x55: {  	[sflag:s13] =	ssyncset.done $0x0  }
0x56: {  	s25 =	simm.s32 $0x0;
	[sflag:s13] =	ssyncadd.s32 $0xFFFF0000  }
0x57: {  	[tilespmem:s25], [sflag:$0x2] =	stream.linear.gather [hbm4b:s5+s25], $0x1000, $0x38;
	[tilespmem:$0x11000] =	vst v63  }
0x58: {  	_ =	swait.ge [sflag:s13], $0x1000  }
0x59: {  	[sflag:s13] =	ssyncset.done $0x0  }
0x5a: {  	s26 =	simm.s32 $0x0;
	[sflag:s13] =	ssyncadd.s32 $0xFFFFF000  }
0x5b: {  	[tilespmem:s15], [sflag:$0x1] =	stream.indirect.gather [hbm4b:s3+s14], $0x80, s26, s14, $0xb8;
	[tilespmem:$0x11000] =	vst v63  }
0x5c: {  	s28 =	simm.s32 $0x80  }
0x5d: {  	[tilespmem:s16], [sflag:$0x1] =	stream.indirect.gather [hbm4b:s3+s14], $0x80, s28, s14, $0xb8;
	[tilespmem:$0x11000] =	vst v63  }
0x5e: {  	s29 =	simm.s32 $0x100  }
0x5f: {  	[tilespmem:s17], [sflag:$0x1] =	stream.indirect.gather [hbm4b:s3+s14], $0x80, s29, s14, $0xb8;
	[tilespmem:$0x11000] =	vst v63  }
0x60: {  	s30 =	simm.s32 $0x180  }
0x61: {  	[tilespmem:s18], [sflag:$0x1] =	stream.indirect.gather [hbm4b:s3+s14], $0x80, s30, s14, $0xb8;
	[tilespmem:$0x11000] =	vst v63  }
0x62: {  	_ =	swait.ge [sflag:s19], $0x4000  }
0x63: {  	[sflag:s19] =	ssyncset.done $0x0  }
0x64: {  	[sflag:s19] =	ssyncadd.s32 $0xFFFFC000  }
0x65: {  	_ =	swait.ge [sflag:s19], $0x4000  }
0x66: {  	[sflag:s19] =	ssyncset.done $0x0  }
0x67: {  	[sflag:s19] =	ssyncadd.s32 $0xFFFFC000  }
0x68: {  	_ =	swait.ge [sflag:s19], $0x4000  }
0x69: {  	[sflag:s19] =	ssyncset.done $0x0  }
0x6a: {  	[sflag:s19] =	ssyncadd.s32 $0xFFFFC000  }
0x6b: {  	_ =	swait.ge [sflag:s19], $0x4000  }
0x6c: {  	[sflag:s19] =	ssyncset.done $0x0  }
0x6d: {  	s31 =	sadd.s32 $0x0, s10;
	[sflag:s19] =	ssyncadd.s32 $0xFFFFC000  }
0x6e: {  	[hbm4b:s31+s2] =	stream.linear.scatter [tilespmem:s15], [sflag:$0x2], $0x10000, $0x38;
	[tilespmem:$0x11000] =	vst v63  }
0x6f: {  	s23 =	simm.s32 $0x4000;
	_ =	swait.ge [sflag:s13], $0x10000  }
0x70: {  	s22 =	simm.s32 $0x380;
	s21 =	simm.s32 $0x2000;
	[sflag:s13] =	ssyncset.done $0x0  }
.LBB2_4:
0x71: {  	p0 =	sne.s32 s23, $0xE000;
	s24 =	sadd.s32 $0xFFFFFE80, s22;
	[sflag:s13] =	ssyncadd.s32 $0xFFFF0000  }
0x72: {  	[tilespmem:s15], [sflag:$0x1] =	stream.indirect.gather [hbm4b:s3+s14], $0x80, s24, s14, $0xb8;
	[tilespmem:$0x11000] =	vst v63  }
0x73: {  	s25 =	smov.u32 s23;
	s23 =	sadd.s32 $0x2000, s23;
	s24 =	sadd.s32 $0xFFFFFF00, s22  }
0x74: {  	[tilespmem:s16], [sflag:$0x1] =	stream.indirect.gather [hbm4b:s3+s14], $0x80, s24, s14, $0xb8;
	[tilespmem:$0x11000] =	vst v63  }
0x75: {  	s24 =	sadd.s32 $0xFFFFFF80, s22  }
0x76: {  	[tilespmem:s17], [sflag:$0x1] =	stream.indirect.gather [hbm4b:s3+s14], $0x80, s24, s14, $0xb8;
	[tilespmem:$0x11000] =	vst v63  }
0x77: {  	_ = 	snop  }
0x78: {  	[tilespmem:s18], [sflag:$0x1] =	stream.indirect.gather [hbm4b:s3+s14], $0x80, s22, s14, $0xb8;
	[tilespmem:$0x11000] =	vst v63  }
0x79: {  	_ =	swait.ge [sflag:s19], $0x4000  }
0x7a: {  	[sflag:s19] =	ssyncset.done $0x0  }
0x7b: {  	[sflag:s19] =	ssyncadd.s32 $0xFFFFC000  }
0x7c: {  	_ =	swait.ge [sflag:s19], $0x4000  }
0x7d: {  	[sflag:s19] =	ssyncset.done $0x0  }
0x7e: {  	[sflag:s19] =	ssyncadd.s32 $0xFFFFC000  }
0x7f: {  	_ =	swait.ge [sflag:s19], $0x4000  }
0x80: {  	[sflag:s19] =	ssyncset.done $0x0  }
0x81: {  	[sflag:s19] =	ssyncadd.s32 $0xFFFFC000  }
0x82: {  	_ =	swait.ge [sflag:s19], $0x4000  }
.Ltmp1:
0x83: {  	[sflag:s19] =	ssyncset.done $0x0;
	(pc) =	sbr.rel @p0 .LBB2_4-.Ltmp1, $4  }
0x84: {  	s24 =	sadd.s32 s21, s10;
	s21 =	smov.u32 s25;
	[sflag:s19] =	ssyncadd.s32 $0xFFFFC000  }
0x85: {  	[hbm4b:s24+s2] =	stream.linear.scatter [tilespmem:s15], [sflag:$0x2], $0x10000, $0x38;
	[tilespmem:$0x11000] =	vst v63  }
0x86: {  	_ =	swait.ge [sflag:s13], $0x10000  }
0x87: {  	s22 =	sadd.s32 $0x200, s22;
	[sflag:s13] =	ssyncset.done $0x0  }
0x88: {  	s23 =	sadd.s32 $0xFFFFFE80, s22;
	[sflag:s13] =	ssyncadd.s32 $0xFFFF0000  }
0x89: {  	[tilespmem:s15], [sflag:$0x1] =	stream.indirect.gather [hbm4b:s3+s14], $0x80, s23, s14, $0xb8;
	[tilespmem:$0x11000] =	vst v63  }
0x8a: {  	s31 =	sadd.s32 $0xFFFFFF00, s22  }
0x8b: {  	[tilespmem:s16], [sflag:$0x1] =	stream.indirect.gather [hbm4b:s3+s14], $0x80, s31, s14, $0xb8;
	[tilespmem:$0x11000] =	vst v63  }
0x8c: {  	s24 =	sadd.s32 $0xFFFFFF80, s22  }
0x8d: {  	[tilespmem:s17], [sflag:$0x1] =	stream.indirect.gather [hbm4b:s3+s14], $0x80, s24, s14, $0xb8;
	[tilespmem:$0x11000] =	vst v63  }
0x8e: {  	_ = 	snop  }
0x8f: {  	[tilespmem:s18], [sflag:$0x1] =	stream.indirect.gather [hbm4b:s3+s14], $0x80, s22, s14, $0xb8;
	[tilespmem:$0x11000] =	vst v63  }
0x90: {  	_ =	swait.ge [sflag:s19], $0x4000  }
0x91: {  	[sflag:s19] =	ssyncset.done $0x0  }
0x92: {  	[sflag:s19] =	ssyncadd.s32 $0xFFFFC000  }
0x93: {  	_ =	swait.ge [sflag:s19], $0x4000  }
0x94: {  	[sflag:s19] =	ssyncset.done $0x0  }
0x95: {  	[sflag:s19] =	ssyncadd.s32 $0xFFFFC000  }
0x96: {  	_ =	swait.ge [sflag:s19], $0x4000  }
0x97: {  	[sflag:s19] =	ssyncset.done $0x0  }
0x98: {  	[sflag:s19] =	ssyncadd.s32 $0xFFFFC000  }
0x99: {  	_ =	swait.ge [sflag:s19], $0x4000  }
0x9a: {  	[sflag:s19] =	ssyncset.done $0x0  }
0x9b: {  	s21 =	sadd.s32 s21, s10;
	[sflag:s19] =	ssyncadd.s32 $0xFFFFC000  }
0x9c: {  	[hbm4b:s21+s2] =	stream.linear.scatter [tilespmem:s15], [sflag:$0x2], $0x10000, $0x38;
	[tilespmem:$0x11000] =	vst v63  }
0x9d: {  	_ =	swait.ge [sflag:s13], $0x10000  }
0x9e: {  	[sflag:s13] =	ssyncset.done $0x0  }
0x9f: {  	s25 =	simm.s32 $0x0;
	[sflag:s13] =	ssyncadd.s32 $0xFFFF0000  }
0xa0: {  	[tilespmem:s25], [sflag:$0x2] =	stream.linear.gather [hbm4b:s6+s25], $0x1000, $0x38;
	[tilespmem:$0x11000] =	vst v63  }
0xa1: {  	_ =	swait.ge [sflag:s13], $0x1000  }
0xa2: {  	[sflag:s13] =	ssyncset.done $0x0  }
0xa3: {  	s26 =	simm.s32 $0x0;
	[sflag:s13] =	ssyncadd.s32 $0xFFFFF000  }
0xa4: {  	[tilespmem:s15], [sflag:$0x1] =	stream.indirect.gather [hbm4b:s3+s14], $0x80, s26, s14, $0xb8;
	[tilespmem:$0x11000] =	vst v63  }
0xa5: {  	s28 =	simm.s32 $0x80  }
0xa6: {  	[tilespmem:s16], [sflag:$0x1] =	stream.indirect.gather [hbm4b:s3+s14], $0x80, s28, s14, $0xb8;
	[tilespmem:$0x11000] =	vst v63  }
0xa7: {  	s29 =	simm.s32 $0x100  }
0xa8: {  	[tilespmem:s17], [sflag:$0x1] =	stream.indirect.gather [hbm4b:s3+s14], $0x80, s29, s14, $0xb8;
	[tilespmem:$0x11000] =	vst v63  }
0xa9: {  	s30 =	simm.s32 $0x180  }
0xaa: {  	[tilespmem:s18], [sflag:$0x1] =	stream.indirect.gather [hbm4b:s3+s14], $0x80, s30, s14, $0xb8;
	[tilespmem:$0x11000] =	vst v63  }
0xab: {  	_ =	swait.ge [sflag:s19], $0x4000  }
0xac: {  	[sflag:s19] =	ssyncset.done $0x0  }
0xad: {  	[sflag:s19] =	ssyncadd.s32 $0xFFFFC000  }
0xae: {  	_ =	swait.ge [sflag:s19], $0x4000  }
0xaf: {  	[sflag:s19] =	ssyncset.done $0x0  }
0xb0: {  	[sflag:s19] =	ssyncadd.s32 $0xFFFFC000  }
0xb1: {  	_ =	swait.ge [sflag:s19], $0x4000  }
0xb2: {  	[sflag:s19] =	ssyncset.done $0x0  }
0xb3: {  	[sflag:s19] =	ssyncadd.s32 $0xFFFFC000  }
0xb4: {  	_ =	swait.ge [sflag:s19], $0x4000  }
0xb5: {  	[sflag:s19] =	ssyncset.done $0x0  }
0xb6: {  	s31 =	sadd.s32 $0x0, s11;
	[sflag:s19] =	ssyncadd.s32 $0xFFFFC000  }
0xb7: {  	[hbm4b:s31+s2] =	stream.linear.scatter [tilespmem:s15], [sflag:$0x2], $0x10000, $0x38;
	[tilespmem:$0x11000] =	vst v63  }
0xb8: {  	s23 =	simm.s32 $0x4000;
	_ =	swait.ge [sflag:s13], $0x10000  }
0xb9: {  	s22 =	simm.s32 $0x380;
	s21 =	simm.s32 $0x2000;
	[sflag:s13] =	ssyncset.done $0x0  }
.LBB2_6:
0xba: {  	p0 =	sne.s32 s23, $0xE000;
	s24 =	sadd.s32 $0xFFFFFE80, s22;
	[sflag:s13] =	ssyncadd.s32 $0xFFFF0000  }
0xbb: {  	[tilespmem:s15], [sflag:$0x1] =	stream.indirect.gather [hbm4b:s3+s14], $0x80, s24, s14, $0xb8;
	[tilespmem:$0x11000] =	vst v63  }
0xbc: {  	s25 =	smov.u32 s23;
	s23 =	sadd.s32 $0x2000, s23;
	s24 =	sadd.s32 $0xFFFFFF00, s22  }
0xbd: {  	[tilespmem:s16], [sflag:$0x1] =	stream.indirect.gather [hbm4b:s3+s14], $0x80, s24, s14, $0xb8;
	[tilespmem:$0x11000] =	vst v63  }
0xbe: {  	s24 =	sadd.s32 $0xFFFFFF80, s22  }
0xbf: {  	[tilespmem:s17], [sflag:$0x1] =	stream.indirect.gather [hbm4b:s3+s14], $0x80, s24, s14, $0xb8;
	[tilespmem:$0x11000] =	vst v63  }
0xc0: {  	_ = 	snop  }
0xc1: {  	[tilespmem:s18], [sflag:$0x1] =	stream.indirect.gather [hbm4b:s3+s14], $0x80, s22, s14, $0xb8;
	[tilespmem:$0x11000] =	vst v63  }
0xc2: {  	_ =	swait.ge [sflag:s19], $0x4000  }
0xc3: {  	[sflag:s19] =	ssyncset.done $0x0  }
0xc4: {  	[sflag:s19] =	ssyncadd.s32 $0xFFFFC000  }
0xc5: {  	_ =	swait.ge [sflag:s19], $0x4000  }
0xc6: {  	[sflag:s19] =	ssyncset.done $0x0  }
0xc7: {  	[sflag:s19] =	ssyncadd.s32 $0xFFFFC000  }
0xc8: {  	_ =	swait.ge [sflag:s19], $0x4000  }
0xc9: {  	[sflag:s19] =	ssyncset.done $0x0  }
0xca: {  	[sflag:s19] =	ssyncadd.s32 $0xFFFFC000  }
0xcb: {  	_ =	swait.ge [sflag:s19], $0x4000  }
.Ltmp2:
0xcc: {  	[sflag:s19] =	ssyncset.done $0x0;
	(pc) =	sbr.rel @p0 .LBB2_6-.Ltmp2, $4  }
0xcd: {  	s24 =	sadd.s32 s21, s11;
	s21 =	smov.u32 s25;
	[sflag:s19] =	ssyncadd.s32 $0xFFFFC000  }
0xce: {  	[hbm4b:s24+s2] =	stream.linear.scatter [tilespmem:s15], [sflag:$0x2], $0x10000, $0x38;
	[tilespmem:$0x11000] =	vst v63  }
0xcf: {  	_ =	swait.ge [sflag:s13], $0x10000  }
0xd0: {  	s22 =	sadd.s32 $0x200, s22;
	[sflag:s13] =	ssyncset.done $0x0  }
0xd1: {  	s23 =	sadd.s32 $0xFFFFFE80, s22;
	[sflag:s13] =	ssyncadd.s32 $0xFFFF0000  }
0xd2: {  	[tilespmem:s15], [sflag:$0x1] =	stream.indirect.gather [hbm4b:s3+s14], $0x80, s23, s14, $0xb8;
	[tilespmem:$0x11000] =	vst v63  }
0xd3: {  	s31 =	sadd.s32 $0xFFFFFF00, s22  }
0xd4: {  	[tilespmem:s16], [sflag:$0x1] =	stream.indirect.gather [hbm4b:s3+s14], $0x80, s31, s14, $0xb8;
	[tilespmem:$0x11000] =	vst v63  }
0xd5: {  	s24 =	sadd.s32 $0xFFFFFF80, s22  }
0xd6: {  	[tilespmem:s17], [sflag:$0x1] =	stream.indirect.gather [hbm4b:s3+s14], $0x80, s24, s14, $0xb8;
	[tilespmem:$0x11000] =	vst v63  }
0xd7: {  	_ = 	snop  }
0xd8: {  	[tilespmem:s18], [sflag:$0x1] =	stream.indirect.gather [hbm4b:s3+s14], $0x80, s22, s14, $0xb8;
	[tilespmem:$0x11000] =	vst v63  }
0xd9: {  	_ =	swait.ge [sflag:s19], $0x4000  }
0xda: {  	[sflag:s19] =	ssyncset.done $0x0  }
0xdb: {  	[sflag:s19] =	ssyncadd.s32 $0xFFFFC000  }
0xdc: {  	_ =	swait.ge [sflag:s19], $0x4000  }
0xdd: {  	[sflag:s19] =	ssyncset.done $0x0  }
0xde: {  	[sflag:s19] =	ssyncadd.s32 $0xFFFFC000  }
0xdf: {  	_ =	swait.ge [sflag:s19], $0x4000  }
0xe0: {  	[sflag:s19] =	ssyncset.done $0x0  }
0xe1: {  	[sflag:s19] =	ssyncadd.s32 $0xFFFFC000  }
0xe2: {  	_ =	swait.ge [sflag:s19], $0x4000  }
0xe3: {  	[sflag:s19] =	ssyncset.done $0x0  }
0xe4: {  	s21 =	sadd.s32 s21, s11;
	[sflag:s19] =	ssyncadd.s32 $0xFFFFC000  }
0xe5: {  	[hbm4b:s21+s2] =	stream.linear.scatter [tilespmem:s15], [sflag:$0x2], $0x10000, $0x38;
	[tilespmem:$0x11000] =	vst v63  }
0xe6: {  	_ =	swait.ge [sflag:s13], $0x10000  }
0xe7: {  	[sflag:s13] =	ssyncset.done $0x0  }
0xe8: {  	s25 =	simm.s32 $0x0;
	[sflag:s13] =	ssyncadd.s32 $0xFFFF0000  }
0xe9: {  	[tilespmem:s25], [sflag:$0x2] =	stream.linear.gather [hbm4b:s7+s25], $0x1000, $0x38;
	[tilespmem:$0x11000] =	vst v63  }
0xea: {  	_ =	swait.ge [sflag:s13], $0x1000  }
0xeb: {  	[sflag:s13] =	ssyncset.done $0x0  }
0xec: {  	s26 =	simm.s32 $0x0;
	[sflag:s13] =	ssyncadd.s32 $0xFFFFF000  }
0xed: {  	[tilespmem:s15], [sflag:$0x1] =	stream.indirect.gather [hbm4b:s3+s14], $0x80, s26, s14, $0xb8;
	[tilespmem:$0x11000] =	vst v63  }
0xee: {  	s28 =	simm.s32 $0x80  }
0xef: {  	[tilespmem:s16], [sflag:$0x1] =	stream.indirect.gather [hbm4b:s3+s14], $0x80, s28, s14, $0xb8;
	[tilespmem:$0x11000] =	vst v63  }
0xf0: {  	s29 =	simm.s32 $0x100  }
0xf1: {  	[tilespmem:s17], [sflag:$0x1] =	stream.indirect.gather [hbm4b:s3+s14], $0x80, s29, s14, $0xb8;
	[tilespmem:$0x11000] =	vst v63  }
0xf2: {  	s30 =	simm.s32 $0x180  }
0xf3: {  	[tilespmem:s18], [sflag:$0x1] =	stream.indirect.gather [hbm4b:s3+s14], $0x80, s30, s14, $0xb8;
	[tilespmem:$0x11000] =	vst v63  }
0xf4: {  	_ =	swait.ge [sflag:s19], $0x4000  }
0xf5: {  	[sflag:s19] =	ssyncset.done $0x0  }
0xf6: {  	[sflag:s19] =	ssyncadd.s32 $0xFFFFC000  }
0xf7: {  	_ =	swait.ge [sflag:s19], $0x4000  }
0xf8: {  	[sflag:s19] =	ssyncset.done $0x0  }
0xf9: {  	[sflag:s19] =	ssyncadd.s32 $0xFFFFC000  }
0xfa: {  	_ =	swait.ge [sflag:s19], $0x4000  }
0xfb: {  	[sflag:s19] =	ssyncset.done $0x0  }
0xfc: {  	[sflag:s19] =	ssyncadd.s32 $0xFFFFC000  }
0xfd: {  	_ =	swait.ge [sflag:s19], $0x4000  }
0xfe: {  	[sflag:s19] =	ssyncset.done $0x0  }
0xff: {  	s31 =	sadd.s32 $0x0, s12;
	[sflag:s19] =	ssyncadd.s32 $0xFFFFC000  }
0x100: {  	[hbm4b:s31+s2] =	stream.linear.scatter [tilespmem:s15], [sflag:$0x2], $0x10000, $0x38;
	[tilespmem:$0x11000] =	vst v63  }
0x101: {  	s23 =	simm.s32 $0x4000;
	_ =	swait.ge [sflag:s13], $0x10000  }
0x102: {  	s22 =	simm.s32 $0x380;
	s21 =	simm.s32 $0x2000;
	[sflag:s13] =	ssyncset.done $0x0  }
.LBB2_8:
0x103: {  	p0 =	sne.s32 s23, $0xE000;
	s24 =	sadd.s32 $0xFFFFFE80, s22;
	[sflag:s13] =	ssyncadd.s32 $0xFFFF0000  }
0x104: {  	[tilespmem:s15], [sflag:$0x1] =	stream.indirect.gather [hbm4b:s3+s14], $0x80, s24, s14, $0xb8;
	[tilespmem:$0x11000] =	vst v63  }
0x105: {  	s25 =	smov.u32 s23;
	s23 =	sadd.s32 $0x2000, s23;
	s24 =	sadd.s32 $0xFFFFFF00, s22  }
0x106: {  	[tilespmem:s16], [sflag:$0x1] =	stream.indirect.gather [hbm4b:s3+s14], $0x80, s24, s14, $0xb8;
	[tilespmem:$0x11000] =	vst v63  }
0x107: {  	s24 =	sadd.s32 $0xFFFFFF80, s22  }
0x108: {  	[tilespmem:s17], [sflag:$0x1] =	stream.indirect.gather [hbm4b:s3+s14], $0x80, s24, s14, $0xb8;
	[tilespmem:$0x11000] =	vst v63  }
0x109: {  	_ = 	snop  }
0x10a: {  	[tilespmem:s18], [sflag:$0x1] =	stream.indirect.gather [hbm4b:s3+s14], $0x80, s22, s14, $0xb8;
	[tilespmem:$0x11000] =	vst v63  }
0x10b: {  	_ =	swait.ge [sflag:s19], $0x4000  }
0x10c: {  	[sflag:s19] =	ssyncset.done $0x0  }
0x10d: {  	[sflag:s19] =	ssyncadd.s32 $0xFFFFC000  }
0x10e: {  	_ =	swait.ge [sflag:s19], $0x4000  }
0x10f: {  	[sflag:s19] =	ssyncset.done $0x0  }
0x110: {  	[sflag:s19] =	ssyncadd.s32 $0xFFFFC000  }
0x111: {  	_ =	swait.ge [sflag:s19], $0x4000  }
0x112: {  	[sflag:s19] =	ssyncset.done $0x0  }
0x113: {  	[sflag:s19] =	ssyncadd.s32 $0xFFFFC000  }
0x114: {  	_ =	swait.ge [sflag:s19], $0x4000  }
.Ltmp3:
0x115: {  	[sflag:s19] =	ssyncset.done $0x0;
	(pc) =	sbr.rel @p0 .LBB2_8-.Ltmp3, $4  }
0x116: {  	s24 =	sadd.s32 s21, s12;
	s21 =	smov.u32 s25;
	[sflag:s19] =	ssyncadd.s32 $0xFFFFC000  }
0x117: {  	[hbm4b:s24+s2] =	stream.linear.scatter [tilespmem:s15], [sflag:$0x2], $0x10000, $0x38;
	[tilespmem:$0x11000] =	vst v63  }
0x118: {  	_ =	swait.ge [sflag:s13], $0x10000  }
0x119: {  	s22 =	sadd.s32 $0x200, s22;
	[sflag:s13] =	ssyncset.done $0x0  }
0x11a: {  	s23 =	sadd.s32 $0xFFFFFE80, s22;
	[sflag:s13] =	ssyncadd.s32 $0xFFFF0000  }
0x11b: {  	[tilespmem:s15], [sflag:$0x1] =	stream.indirect.gather [hbm4b:s3+s14], $0x80, s23, s14, $0xb8;
	[tilespmem:$0x11000] =	vst v63  }
0x11c: {  	s30 =	sadd.s32 $0xFFFFFF00, s22  }
0x11d: {  	[tilespmem:s16], [sflag:$0x1] =	stream.indirect.gather [hbm4b:s3+s14], $0x80, s30, s14, $0xb8;
	[tilespmem:$0x11000] =	vst v63  }
0x11e: {  	s31 =	sadd.s32 $0xFFFFFF80, s22  }
0x11f: {  	[tilespmem:s17], [sflag:$0x1] =	stream.indirect.gather [hbm4b:s3+s14], $0x80, s31, s14, $0xb8;
	[tilespmem:$0x11000] =	vst v63  }
0x120: {  	_ = 	snop  }
0x121: {  	[tilespmem:s18], [sflag:$0x1] =	stream.indirect.gather [hbm4b:s3+s14], $0x80, s22, s14, $0xb8;
	[tilespmem:$0x11000] =	vst v63  }
0x122: {  	_ =	swait.ge [sflag:s19], $0x4000  }
0x123: {  	[sflag:s19] =	ssyncset.done $0x0  }
0x124: {  	[sflag:s19] =	ssyncadd.s32 $0xFFFFC000  }
0x125: {  	_ =	swait.ge [sflag:s19], $0x4000  }
0x126: {  	[sflag:s19] =	ssyncset.done $0x0  }
0x127: {  	[sflag:s19] =	ssyncadd.s32 $0xFFFFC000  }
0x128: {  	_ =	swait.ge [sflag:s19], $0x4000  }
0x129: {  	[sflag:s19] =	ssyncset.done $0x0  }
0x12a: {  	[sflag:s19] =	ssyncadd.s32 $0xFFFFC000  }
0x12b: {  	s20 =	sadd.s32 $0x1, s20;
	_ =	swait.ge [sflag:s19], $0x4000  }
0x12c: {  	p0 =	sne.s32 s20, s9;
	[sflag:s19] =	ssyncset.done $0x0  }
.Ltmp4:
0x12d: {  	s21 =	sadd.s32 s21, s12;
	[sflag:s19] =	ssyncadd.s32 $0xFFFFC000;
	(pc) =	sbr.rel @p0 .LBB2_1-.Ltmp4, $4  }
0x12e: {  	[hbm4b:s21+s2] =	stream.linear.scatter [tilespmem:s15], [sflag:$0x2], $0x10000, $0x38;
	[tilespmem:$0x11000] =	vst v63  }
0x12f: {  	_ =	swait.ge [sflag:s13], $0x10000  }
0x130: {  	[sflag:s13] =	ssyncset.done $0x0  }
0x131: {  	[sflag:s13] =	ssyncadd.s32 $0xFFFF0000  }
0x132: {  	_ =	sfence.sel $0x180000  }
0x133: {  	[bflag:$0x0] =	sbarrier.arrive $0xFFFF  }
0x134: {  	p0 =	sne.s32 s1, $0x0;
	_ =	strace $0x9000004A  }
0x135: {  	s0 =	sadd.s32 @!p0 $0x100000, s0;
	[bflag:$0x2] =	sbarrier.arrive $0xFFFF  }
0x136: {  	[sflag:s0] =	ssyncadd.tile.s32 @!p0 $0x1;
	_ =	shalt  }
.Lfunc_end2:
_tile_overlayer_lowered:
.L_overlay_start_2:
0x137: {  	(tag) =	ssettag $0x2  }
0x138: {  	s0 =	rddreg [dreg:$0x0];
	s2 =	stileid.u32  }
0x139: {  	s1 =	rddreg [dreg:$0x1];
	p0 =	sne.s32 s2, $0x0  }
0x13a: {  	s3 =	rddreg [dreg:$0x2];
	[bflag:$0x3] =	sbarrier.arrive $0xFFFF;
	s2 =	simm.s32 @!p0 $0x1C02  }
0x13b: {  	[timem:s3], [sflag:s2] =	dma.local @!p0 [hbm:s0], s1  }
0x13c: {  	s0 =	simm.s32 @!p0 $0x2  }
0x13d: {  	_ =	swait.ge @!p0 [sflag:s0], s1  }
0x13e: {  	s1 =	ssub.s32 @!p0 $0x0, s1;
	[sflag:s0] =	ssyncset.done @!p0 $0x0  }
0x13f: {  	[sflag:s0] =	ssyncadd.s32 @!p0 s1  }
0x140: {  	[bflag:$0x3] =	sbarrier.arrive $0xFFFF  }
0x141: {  	_ =	shalt  }

// kernel: kernel.7.cloned.1.call-start
scs
__scs_entry_jumppad:
0x0: {  	(pc) =	sbr.rel $0x88, $3  }
0x1: {  	(tag) =	ssettag $0x0;
	lr =	simm.s32 $0x1  }
0x2: {  	[smem:$0x3F9E] =	sst lr;
	_ =	strace $0xD0000000  }
0x3: {  	_ = 	snop  }
0x4: {  	_ = 	snop  }
0x5: {  	_ = 	snop  }
0x6: {  	_ = 	snop  }
0x7: {  	_ = 	snop  }
__scs_overlays_trampoline_lowered:
0x8: {  	[smem:$0x3FAD] =	sst s0  }
0x9: {  	[smem:$0x3FAE] =	sst s1  }
0xa: {  	[smem:$0x3FAF] =	sst s2  }
0xb: {  	[smem:$0x3FB0] =	sst s3  }
0xc: {  	[smem:$0x3FB1] =	sst s4  }
0xd: {  	[smem:$0x3FB2] =	sst s5  }
0xe: {  	[smem:$0x3FB3] =	sst s6  }
0xf: {  	[smem:$0x3FB4] =	sst s7  }
0x10: {  	[smem:$0x3FB5] =	sst s8  }
0x11: {  	[smem:$0x3FB6] =	sst s9;
	s0 =	simm.s32 @!p0 $0x0  }
0x12: {  	s1 =	sld [smem:$0x3F9C];
	s0 =	simm.s32 @p0 $0x1  }
0x13: {  	[smem:$0x3FB7] =	sst s0;
	s0 =	simm.s32 @!p1 $0x0  }
0x14: {  	s2 =	sld [smem:$0x3F9B];
	s0 =	simm.s32 @p1 $0x1  }
0x15: {  	[smem:$0x3FB8] =	sst s0;
	s0 =	simm.s32 @!p2 $0x0  }
0x16: {  	s3 =	sld [smem:$0x3FDB];
	s0 =	simm.s32 @p2 $0x1  }
0x17: {  	s4 =	simm.s32 $0x1BF5;
	[smem:$0x3FBA] =	sst s0  }
0x18: {  	s0 =	sld [smem:$0x3F9D];
	_ =	swait.ge [sflag:s4], $0x0  }
0x19: {  	s7 =	sld [smem:$0x3F9E]  }
0x1a: {  	s8 =	sadd.s32 $0xFFFFE003, lr  }
0x1b: {  	s9 =	sadd.s32 $0xFFFFFEF7, lr;
	s5 =	simm.s32 $0xFFFFFFFF;
	p2 =	slt.u32 s8, $0xFFFFF086  }
0x1c: {  	p1 =	slt.u32 s9, $0xF7A;
	s5 =	simm.s32 @!p2 $0x0  }
0x1d: {  	s5 =	simm.s32 @p1 $0x1;
	p0 =	seq.s32 s7, s2  }
0x1e: {  	s7 =	smul.u32 @!p0 $0xF7A, s2;
	p2 =	seq.s32 @!p0 s5, $0x0  }
0x1f: {  	s9 =	smul.u32 $0xF7A, s1;
	s8 =	simm.s32 @!p0 $0x1BF5;
	p2 =	por !p2, p0  }
0x20: {  	[sflag:s8] =	ssyncset.s32 @!p0 $0xFFFFF086;
	s6 =	sadd.s32 @!p0 s3, s7;
	s7 =	simm.s32 @!p0 $0x108  }
0x21: {  	s3 =	sadd.s32 s3, s9;
	s6 =	sadd.s32 @!p0 $0x88, s6;
	s7 =	simm.s32 @p2 $0x1082  }
0x22: {  	[simem:s7], [sflag:s8] =	dma.local @!p0 [hbm:s6], $0xF7A  }
0x23: {  	s9 =	sor.u32 $0xD0000000, s2;
	s6 =	simm.s32 $0x108;
	_ =	swait.ge @!p0 [sflag:s8], $0x0  }
0x24: {  	s3 =	sadd.s32 $0x88, s3;
	s6 =	simm.s32 @!p1 $0x1082;
	[sflag:s4] =	ssyncset.s32 $0xFFFFF086  }
0x25: {  	[simem:s6], [sflag:s4] =	dma.local [hbm:s3], $0xF7A  }
0x26: {  	[smem:$0x3F9E] =	sst s1;
	(tag) =	ssettag s2;
	_ =	strace s9  }
0x27: {  	s1 =	sld [smem:$0x3FAE]  }
0x28: {  	s2 =	sld [smem:$0x3FAF]  }
0x29: {  	s4 =	sld [smem:$0x3FB1]  }
0x2a: {  	p0 =	seq.s32 s5, $0x0;
	s5 =	sld [smem:$0x3FB2]  }
0x2b: {  	s6 =	sld [smem:$0x3FB3]  }
0x2c: {  	s7 =	sld [smem:$0x3FB4]  }
0x2d: {  	s3 =	simm.s32 $0x108;
	s8 =	sld [smem:$0x3FB5]  }
0x2e: {  	s3 =	simm.s32 @!p0 $0x1082;
	s9 =	sld [smem:$0x3FB6]  }
0x2f: {  	lr =	sadd.s32 s0, s3;
	s0 =	sld [smem:$0x3FAD]  }
0x30: {  	s3 =	sld [smem:$0x3FB0]  }
0x31: {  	[smem:$0x3FB9] =	sst s10  }
0x32: {  	s10 =	sld [smem:$0x3FB7];
	_ =	sdelay $0x3  }
0x33: {  	p0 =	seq.s32 s10, $0x1;
	s10 =	sld [smem:$0x3FB9];
	_ =	sdelay $0x3  }
0x34: {  	[smem:$0x3FB9] =	sst s10  }
0x35: {  	s10 =	sld [smem:$0x3FB8];
	_ =	sdelay $0x3  }
0x36: {  	p1 =	seq.s32 s10, $0x1;
	s10 =	sld [smem:$0x3FB9];
	_ =	sdelay $0x3  }
0x37: {  	[smem:$0x3FB9] =	sst s10  }
0x38: {  	s10 =	sld [smem:$0x3FBA]  }
0x39: {  	_ = 	snop;
	(pc) =	sbr.ind lr, $3  }
0x3a: {  	_ = 	snop  }
0x3b: {  	_ = 	snop  }
0x3c: {  	p2 =	seq.s32 s10, $0x1;
	s10 =	sld [smem:$0x3FB9]  }
0x3d: {  	_ =	shalt  }
0x3e: {  	_ =	shalt  }
0x3f: {  	_ =	shalt  }
0x40: {  	_ =	shalt  }
0x41: {  	_ =	shalt  }
0x42: {  	_ =	shalt  }
0x43: {  	_ =	shalt  }
0x44: {  	_ =	shalt  }
0x45: {  	_ =	shalt  }
0x46: {  	_ =	shalt  }
0x47: {  	_ =	shalt  }
0x48: {  	_ =	shalt  }
0x49: {  	_ =	shalt  }
0x4a: {  	_ =	shalt  }
0x4b: {  	_ =	shalt  }
0x4c: {  	_ =	shalt  }
0x4d: {  	_ =	shalt  }
0x4e: {  	_ =	shalt  }
0x4f: {  	_ =	shalt  }
0x50: {  	_ =	shalt  }
0x51: {  	_ =	shalt  }
0x52: {  	_ =	shalt  }
0x53: {  	_ =	shalt  }
0x54: {  	_ =	shalt  }
0x55: {  	_ =	shalt  }
0x56: {  	_ =	shalt  }
0x57: {  	_ =	shalt  }
0x58: {  	_ =	shalt  }
0x59: {  	_ =	shalt  }
0x5a: {  	_ =	shalt  }
0x5b: {  	_ =	shalt  }
0x5c: {  	_ =	shalt  }
0x5d: {  	_ =	shalt  }
0x5e: {  	_ =	shalt  }
0x5f: {  	_ =	shalt  }
0x60: {  	_ =	shalt  }
0x61: {  	_ =	shalt  }
0x62: {  	_ =	shalt  }
0x63: {  	_ =	shalt  }
0x64: {  	_ =	shalt  }
0x65: {  	_ =	shalt  }
0x66: {  	_ =	shalt  }
0x67: {  	_ =	shalt  }
0x68: {  	_ =	shalt  }
0x69: {  	_ =	shalt  }
0x6a: {  	_ =	shalt  }
0x6b: {  	_ =	shalt  }
0x6c: {  	_ =	shalt  }
0x6d: {  	_ =	shalt  }
0x6e: {  	_ =	shalt  }
0x6f: {  	_ =	shalt  }
0x70: {  	_ =	shalt  }
0x71: {  	_ =	shalt  }
0x72: {  	_ =	shalt  }
0x73: {  	_ =	shalt  }
0x74: {  	_ =	shalt  }
0x75: {  	_ =	shalt  }
0x76: {  	_ =	shalt  }
0x77: {  	_ =	shalt  }
0x78: {  	_ =	shalt  }
0x79: {  	_ =	shalt  }
0x7a: {  	_ =	shalt  }
0x7b: {  	_ =	shalt  }
0x7c: {  	_ =	shalt  }
0x7d: {  	_ =	shalt  }
0x7e: {  	_ =	shalt  }
0x7f: {  	_ =	shalt  }
0x80: {  	_ =	shalt  }
0x81: {  	_ =	shalt  }
0x82: {  	_ =	shalt  }
0x83: {  	_ =	shalt  }
0x84: {  	_ =	shalt  }
0x85: {  	_ =	shalt  }
0x86: {  	_ =	shalt  }
0x87: {  	_ =	shalt  }
.Lfunc_end0:
.L_simem_size_0:
called_computation_lowered:
.L_overlay_start_0:
0x88: {  	s2 =	sld [smem:$0x3FD9]  }
0x89: {  	s3 =	sld [smem:$0x3FFE];
	_ =	sdelay $0x1  }
0x8a: {  	s1 =	srdreg.scid  }
0x8b: {  	s0 =	sand.u32 $0x1, s1  }
0x8c: {  	s17 =	sshll.u32 s0, $0xA;
	s2 =	sadd.s32 s3, s2  }
0x8d: {  	s2 =	sadd.s32 s2, s17  }
0x8e: {  	[smem:$0x3FC5] =	sst s2  }
0x8f: {  	_ = 	snop  }
0x90: {  	s2 =	sld [smem:$0x3FD0];
	(tm) =	ssettm $0x1  }
0x91: {  	s18 =	sld [smem:$0x3FFB];
	_ =	sdelay $0x3  }
0x92: {  	_ =	strace s18  }
0x93: {  	s3 =	sld [smem:$0x3FFC];
	_ =	sdelay $0x3  }
0x94: {  	_ =	strace s3  }
0x95: {  	s3 =	sld [smem:$0x3FFD];
	_ =	sdelay $0x3  }
0x96: {  	_ =	strace s3  }
0x97: {  	_ =	strace $0x8FFFFFFF  }
0x98: {  	s19 =	sld [smem:$0x3FDB];
	_ =	sdelay $0x1  }
0x99: {  	s4 =	simm.s32 $_scs_section_size  }
0x9a: {  	s5 =	simm.s32 $_size__tile_overlayer_lowered;
	s6 =	simm.s32 $_tile_overlayer_lowered  }
0x9b: {  	s22 =	simm.s32 $0x1BFF;
	s21 =	sshll.u32 s6, $0x1;
	s3 =	sadd.s32 s4, s19  }
0x9c: {  	s7 =	simm.s32 $0x0;
	s20 =	sshll.u32 s5, $0x1;
	s5 =	sadd.s32 s21, s3  }
0x9d: {  	[timem:s7], [sflag:s22] =	dma.local [hbm:s5], s20  }
0x9e: {  	_ =	swait.ge [sflag:s22], s20  }
0x9f: {  	s4 =	ssub.s32 $0x0, s20;
	[sflag:s22] =	ssyncset.done $0x0  }
0xa0: {  	[sflag:s22] =	ssyncadd.s32 s4;
	_ =	sdelay $0x1  }
0xa1: {  	s23 =	simm.s32 $0x1B8B  }
0xa2: {  	_ =	swait.ge [sflag:s23], $0x1  }
0xa3: {  	[sflag:s23] =	ssyncset.done $0x0  }
0xa4: {  	s25 =	simm.s32 $0x1B8E;
	s24 =	sld [smem:$0x3FFE];
	[sflag:s23] =	ssyncadd.s32 $0xFFFFFFFF  }
0xa5: {  	s26 =	simm.s32 $execute0_lowered;
	[smem:$0x3FD2] =	sst s25  }
0xa6: {  	s5 =	sshll.u32 s26, $0x1;
	_ =	strace $0x80000046;
	[dreg:$0x1] =	wrdreg $0xFFFFFFFF  }
0xa7: {  	s28 =	simm.s32 $_size_execute0_lowered;
	s3 =	sadd.s32 s3, s5;
	[dreg:$0x0] =	wrdreg $0x0  }
0xa8: {  	s5 =	sshll.u32 s28, $0x1;
	[dreg:$0x2] =	wrdreg s3  }
0xa9: {  	[dreg:$0x3] =	wrdreg s5  }
0xaa: {  	[dreg:$0x4] =	wrdreg $0xC0  }
0xab: {  	_ =	task [dreg:s7], $0x5FFFF  }
0xac: {  	[dreg:$0x1] =	wrdreg $0xFFFFFFFF  }
0xad: {  	[dreg:$0x0] =	wrdreg $0x60  }
0xae: {  	[dreg:$0x2] =	wrdreg s24  }
0xaf: {  	[dreg:$0x3] =	wrdreg s2  }
0xb0: {  	[dreg:$0x4] =	wrdreg $0x9  }
0xb1: {  	_ =	task.clear_ibuf [dreg:s7], $0x5FFFF;
	_ =	strace $0x90000046  }
0xb2: {  	s29 =	simm.s32 $0x9;
	_ =	strace $0x80000048  }
0xb3: {  	_ =	swait.ge [sflag:s29], $0x1  }
0xb4: {  	[sflag:s29] =	ssyncadd.s32 $0xFFFFFFFF  }
0xb5: {  	_ =	strace $0x90000048  }
0xb6: {  	_ =	sfence  }
0xb7: {  	s30 =	sld [smem:$0x0];
	_ =	sdelay $0x2  }
0xb8: {  	s31 =	sshll.u32 s1, $0xD;
	s1 =	sshrl.u32 s1, $0x2  }
0xb9: {  	s3 =	sand.u32 $0x4000, s31;
	s1 =	sadd.s32 s1, s30  }
0xba: {  	s0 =	sor.u32 s3, s0;
	s1 =	sshll.u32 s1, $0x11  }
0xbb: {  	s0 =	sor.u32 s1, s0  }
0xbc: {  	s0 =	sadd.s32 $0x8F2B, s0  }
0xbd: {  	[sflag:s0] =	ssyncadd.remote.s32 $0x1  }
0xbe: {  	_ =	sfence.sel $0xFFFF  }
0xbf: {  	[dreg:$0x0] =	wrdreg $0xFFFFFFFF;
	(pc) =	sbr.abs _section_cstart, $3  }
0xc0: {  	[dreg:$0x1] =	wrdreg $0xFFFFFFFF  }
0xc1: {  	_ =	task.clear_ibuf [dreg:s7], $0x2FFFF;
	_ =	strace $0x9FFFFFFF  }
0xc2: {  	(tm) =	ssettm $0x7FFFFFFF  }
0xc3: {  	_ =	shalt  }
tec
execute0_lowered:
.L_overlay_start_1:
0x0: {  	(tag) =	ssettag $0x1  }
0x1: {  	s0 =	rddreg [dreg:$0x0]  }
0x2: {  	s15 =	rddreg [dreg:$0x1]  }
0x3: {  	s2 =	simm.s32 $0x0;
	s3 =	srdreg.scid;
	s1 =	stileid.u32  }
0x4: {  	s7 =	simm.s32 $0x1;
	s28 =	simm.s32 $0xF000;
	s29 =	simm.s32 $0x0  }
0x5: {  	[smem:$0x7FF] =	sst s2;
	s5 =	sand.u32 $0x1, s3;
	s19 =	sadd.s32 $0x211E00, s0  }
0x6: {  	s21 =	sshll.u32 s1, $0x3;
	s14 =	sadd.s32 $0x101E00, s0;
	s3 =	sadd.s32 $0x311E00, s0  }
0x7: {  	s0 =	sadd.s32 $0x1E00, s0;
	s18 =	sshll.u32 s1, $0xF;
	s20 =	sshll.u32 s1, $0x10  }
0x8: {  	_ =	strace $0x80000047;
	s4 =	sshll.u32 s5, $0x2;
	p1 =	seq.s32 s5, $0x1  }
0x9: {  	s22 =	ssub.s32 $0x2, s5;
	s5 =	sshll.u32 s5, $0x9;
	s11 =	sor.u32 s4, s21  }
0xa: {  	s6 =	sshrl.u32 s22, $0x1;
	s4 =	simm.s32 $0x1;
	s24 =	sor.u32 s5, s18  }
0xb: {  	p0 =	seq.s32 s11, $0x0;
	s17 =	ssub.s32 s22, s6;
	s23 =	sshll.u32 s11, $0x9  }
0xc: {  	s8 =	sor.u32 $0x1, s11;
	s12 =	sor.u32 $0x2, s11;
	s21 =	sor.u32 $0x3, s11  }
0xd: {  	p0 =	por !p0, !p1;
	s25 =	sadd.s32 s14, s23;
	s9 =	sshll.u32 s8, $0x7  }
0xe: {  	s8 =	sshll.u32 s8, $0x9;
	s13 =	sshll.u32 s12, $0x7;
	s26 =	sshll.u32 s12, $0x9  }
0xf: {  	s22 =	sshll.u32 s21, $0x7;
	s21 =	sshll.u32 s21, $0x9;
	s17 =	smax.u32 s17, $0x1  }
0x10: {  	s23 =	simm.s32 $0x2000;
	p0 =	por !p0, !p0;
	[dreg:$0x3] =	wrdreg s25  }
0x11: {  	s9 =	sand.u32 $0x280, s9;
	s8 =	sadd.s32 s14, s8;
	s13 =	sand.u32 $0x300, s13  }
0x12: {  	s11 =	sadd.s32 s14, s26;
	s22 =	sand.u32 $0x380, s22;
	s14 =	sadd.s32 s14, s21  }
0x13: {  	s21 =	simm.s32 $0x80;
	s25 =	simm.s32 $0x7000;
	s26 =	simm.s32 $0xB000  }
0x14: {  	s7 =	simm.s32 @!p0 $0x0;
	s9 =	sor.u32 s18, s9;
	s13 =	sor.u32 s18, s13  }
0x15: {  	s18 =	sor.u32 s18, s22;
	s22 =	simm.s32 $0x400;
	s16 =	ssub.s32 s1, s7  }
0x16: {  	s7 =	sshrl.u32 s24, $0x3;
	s10 =	sshrl.u32 s9, $0x3;
	s13 =	sshrl.u32 s13, $0x3  }
0x17: {  	s18 =	sshrl.u32 s18, $0x3;
	s24 =	simm.s32 $0x3000;
	s6 =	sadd.s32 s15, s7  }
0x18: {  	s7 =	sadd.s32 s0, s7;
	s9 =	sadd.s32 s15, s10;
	s10 =	sadd.s32 s0, s10  }
0x19: {  	s12 =	sadd.s32 s15, s13;
	s13 =	sadd.s32 s0, s13;
	s30 =	sshll.u32 s16, $0x10  }
0x1a: {  	s15 =	sadd.s32 s15, s18;
	s16 =	sadd.s32 s0, s18;
	s31 =	sand.u32 $0x1FFF0000, s30  }
0x1b: {  	v0 =	vlaneseq.u32;
	s18 =	sadd.s32 s31, s19;
	s19 =	sadd.s32 s20, s19;
	s20 =	simm.s32 $0x2  }
.LBB2_1:
0x1c: {  	s0 =	rddreg [dreg:$0x3]  }
0x1d: {  	[tilespmem:s2], [sflag:$0x2] =	stream.linear.gather [hbm4b:s0+s2], $0x1000, $0x38;
	[tilespmem:$0x13000] =	vst v63  }
0x1e: {  	_ =	swait.ge [sflag:s20], $0x1000  }
0x1f: {  	[sflag:s20] =	ssyncset.done $0x0  }
0x20: {  	s30 =	simm.s32 $0x1000;
	[sflag:s20] =	ssyncadd.s32 $0xFFFFF000  }
0x21: {  	[tilespmem:s30], [sflag:$0x2] =	stream.strided.gather [hbm4b:s6+s21], $0x1000, s22, s21, $0x38;
	[tilespmem:$0x13000] =	vst v63  }
0x22: {  	_ =	swait.ge [sflag:s20], $0x1000  }
0x23: {  	[sflag:s20] =	ssyncset.done $0x0  }
0x24: {  	[sflag:s20] =	ssyncadd.s32 $0xFFFFF000  }
0x25: {  	s31 =	simm.s32 $0x10;
	s0 =	simm.s32 $0x0;
	v1 =	vld [tilespmem:s30+$0x0]  }
.LBB2_2:
0x26: {  	p0 =	sne.s32 s31, $0xFF0;
	_ =	sdelay $0x3  }
.Ltmp0:
0x27: {  	(pc) =	sbr.rel @p0 .LBB2_2-.Ltmp0, $4  }
0x28: {  	_ = 	snop  }
0x29: {  	v2 =	vor.u32 s0, v0;
	s0 =	smov.u32 s31  }
0x2a: {  	s30 =	sadd.s32 $0x10, s30;
	[tilespmem:v1+s23+$0x0] =	vst.idx.msk $0xffff, v2  }
0x2b: {  	s31 =	sadd.s32 $0x10, s31;
	v1 =	vld [tilespmem:s30+$0x0]  }
0x2c: {  	_ =	sdelay $0x6  }
0x2d: {  	v2 =	vor.u32 s0, v0  }
0x2e: {  	[tilespmem:v1+s23+$0x0] =	vst.idx.msk $0xffff, v2  }
0x2f: {  	[hbm4b:s7+s21] =	stream.strided.scatter [tilespmem:s23], [sflag:$0x2], $0x1000, s22, s21, $0x38;
	[tilespmem:$0x13000] =	vst v63  }
0x30: {  	_ =	swait.ge [sflag:s20], $0x1000  }
0x31: {  	[sflag:s20] =	ssyncset.done $0x0  }
0x32: {  	s5 =	sadd.s32 $0x0, s18;
	[sflag:s20] =	ssyncadd.s32 $0xFFFFF000  }
0x33: {  	[tilespmem:s24], [sflag:$0x2] =	stream.linear.gather [hbm4b:s5+s2], $0x10000, $0x38;
	[tilespmem:$0x13000] =	vst v63  }
0x34: {  	_ =	swait.ge [sflag:s20], $0x10000  }
0x35: {  	[sflag:s20] =	ssyncset.done $0x0  }
0x36: {  	s1 =	simm.s32 $0x0;
	[sflag:s20] =	ssyncadd.s32 $0xFFFF0000  }
0x37: {  	[hbm4b:s3+s21] =	stream.indirect.scatter [tilespmem:s24], [sflag:$0x1], $0x80, s1, s21, $0xb8;
	[tilespmem:$0x13000] =	vst v63  }
0x38: {  	s5 =	simm.s32 $0x80  }
0x39: {  	[hbm4b:s3+s21] =	stream.indirect.scatter [tilespmem:s25], [sflag:$0x1], $0x80, s5, s21, $0xb8;
	[tilespmem:$0x13000] =	vst v63  }
0x3a: {  	s1 =	simm.s32 $0x100  }
0x3b: {  	[hbm4b:s3+s21] =	stream.indirect.scatter [tilespmem:s26], [sflag:$0x1], $0x80, s1, s21, $0xb8;
	[tilespmem:$0x13000] =	vst v63  }
0x3c: {  	s5 =	simm.s32 $0x180  }
0x3d: {  	[hbm4b:s3+s21] =	stream.indirect.scatter [tilespmem:s28], [sflag:$0x1], $0x80, s5, s21, $0xb8;
	[tilespmem:$0x13000] =	vst v63  }
0x3e: {  	_ =	swait.ge [sflag:s4], $0x4000  }
0x3f: {  	[sflag:s4] =	ssyncset.done $0x0  }
0x40: {  	[sflag:s4] =	ssyncadd.s32 $0xFFFFC000  }
0x41: {  	_ =	swait.ge [sflag:s4], $0x4000  }
0x42: {  	[sflag:s4] =	ssyncset.done $0x0  }
0x43: {  	[sflag:s4] =	ssyncadd.s32 $0xFFFFC000  }
0x44: {  	_ =	swait.ge [sflag:s4], $0x4000  }
0x45: {  	[sflag:s4] =	ssyncset.done $0x0  }
0x46: {  	[sflag:s4] =	ssyncadd.s32 $0xFFFFC000  }
0x47: {  	s31 =	simm.s32 $0x2000;
	_ =	swait.ge [sflag:s4], $0x4000  }
0x48: {  	s0 =	simm.s32 $0x4000;
	s30 =	simm.s32 $0x380;
	[sflag:s4] =	ssyncset.done $0x0  }
.LBB2_4:
0x49: {  	s1 =	sadd.s32 s31, s18  }
0x4a: {  	[sflag:s4] =	ssyncadd.s32 $0xFFFFC000;
	s31 =	smov.u32 s0;
	s5 =	sadd.s32 $0x2000, s0  }
0x4b: {  	[tilespmem:s24], [sflag:$0x2] =	stream.linear.gather [hbm4b:s1+s2], $0x10000, $0x38;
	[tilespmem:$0x13000] =	vst v63  }
0x4c: {  	p0 =	sne.s32 s0, $0xE000;
	_ =	swait.ge [sflag:s20], $0x10000  }
0x4d: {  	[sflag:s20] =	ssyncset.done $0x0  }
0x4e: {  	s0 =	sadd.s32 $0xFFFFFE80, s30;
	[sflag:s20] =	ssyncadd.s32 $0xFFFF0000  }
0x4f: {  	[hbm4b:s3+s21] =	stream.indirect.scatter [tilespmem:s24], [sflag:$0x1], $0x80, s0, s21, $0xb8;
	[tilespmem:$0x13000] =	vst v63  }
0x50: {  	s0 =	sadd.s32 $0xFFFFFF00, s30  }
0x51: {  	[hbm4b:s3+s21] =	stream.indirect.scatter [tilespmem:s25], [sflag:$0x1], $0x80, s0, s21, $0xb8;
	[tilespmem:$0x13000] =	vst v63  }
0x52: {  	s0 =	sadd.s32 $0xFFFFFF80, s30  }
0x53: {  	[hbm4b:s3+s21] =	stream.indirect.scatter [tilespmem:s26], [sflag:$0x1], $0x80, s0, s21, $0xb8;
	[tilespmem:$0x13000] =	vst v63  }
0x54: {  	_ = 	snop  }
0x55: {  	[hbm4b:s3+s21] =	stream.indirect.scatter [tilespmem:s28], [sflag:$0x1], $0x80, s30, s21, $0xb8;
	[tilespmem:$0x13000] =	vst v63  }
0x56: {  	_ =	swait.ge [sflag:s4], $0x4000  }
0x57: {  	[sflag:s4] =	ssyncset.done $0x0  }
0x58: {  	[sflag:s4] =	ssyncadd.s32 $0xFFFFC000  }
0x59: {  	_ =	swait.ge [sflag:s4], $0x4000  }
0x5a: {  	[sflag:s4] =	ssyncset.done $0x0  }
0x5b: {  	[sflag:s4] =	ssyncadd.s32 $0xFFFFC000  }
.Ltmp1:
0x5c: {  	_ =	swait.ge [sflag:s4], $0x4000;
	(pc) =	sbr.rel @p0 .LBB2_4-.Ltmp1, $4  }
0x5d: {  	[sflag:s4] =	ssyncset.done $0x0  }
0x5e: {  	[sflag:s4] =	ssyncadd.s32 $0xFFFFC000  }
0x5f: {  	_ =	swait.ge [sflag:s4], $0x4000  }
0x60: {  	s0 =	smov.u32 s5;
	s30 =	sadd.s32 $0x200, s30;
	[sflag:s4] =	ssyncset.done $0x0  }
0x61: {  	s0 =	sadd.s32 s31, s18;
	[sflag:s4] =	ssyncadd.s32 $0xFFFFC000  }
0x62: {  	[tilespmem:s24], [sflag:$0x2] =	stream.linear.gather [hbm4b:s0+s2], $0x10000, $0x38;
	[tilespmem:$0x13000] =	vst v63  }
0x63: {  	_ =	swait.ge [sflag:s20], $0x10000  }
0x64: {  	[sflag:s20] =	ssyncset.done $0x0  }
0x65: {  	s5 =	sadd.s32 $0xFFFFFE80, s30;
	[sflag:s20] =	ssyncadd.s32 $0xFFFF0000  }
0x66: {  	[hbm4b:s3+s21] =	stream.indirect.scatter [tilespmem:s24], [sflag:$0x1], $0x80, s5, s21, $0xb8;
	[tilespmem:$0x13000] =	vst v63  }
0x67: {  	s1 =	sadd.s32 $0xFFFFFF00, s30  }
0x68: {  	[hbm4b:s3+s21] =	stream.indirect.scatter [tilespmem:s25], [sflag:$0x1], $0x80, s1, s21, $0xb8;
	[tilespmem:$0x13000] =	vst v63  }
0x69: {  	s5 =	sadd.s32 $0xFFFFFF80, s30  }
0x6a: {  	[hbm4b:s3+s21] =	stream.indirect.scatter [tilespmem:s26], [sflag:$0x1], $0x80, s5, s21, $0xb8;
	[tilespmem:$0x13000] =	vst v63  }
0x6b: {  	_ = 	snop  }
0x6c: {  	[hbm4b:s3+s21] =	stream.indirect.scatter [tilespmem:s28], [sflag:$0x1], $0x80, s30, s21, $0xb8;
	[tilespmem:$0x13000] =	vst v63  }
0x6d: {  	_ =	swait.ge [sflag:s4], $0x4000  }
0x6e: {  	[sflag:s4] =	ssyncset.done $0x0  }
0x6f: {  	[sflag:s4] =	ssyncadd.s32 $0xFFFFC000  }
0x70: {  	_ =	swait.ge [sflag:s4], $0x4000  }
0x71: {  	[sflag:s4] =	ssyncset.done $0x0  }
0x72: {  	[sflag:s4] =	ssyncadd.s32 $0xFFFFC000  }
0x73: {  	_ =	swait.ge [sflag:s4], $0x4000  }
0x74: {  	[sflag:s4] =	ssyncset.done $0x0  }
0x75: {  	[sflag:s4] =	ssyncadd.s32 $0xFFFFC000  }
0x76: {  	_ =	swait.ge [sflag:s4], $0x4000  }
0x77: {  	[sflag:s4] =	ssyncset.done $0x0  }
0x78: {  	s30 =	simm.s32 $0x0;
	[sflag:s4] =	ssyncadd.s32 $0xFFFFC000  }
0x79: {  	[tilespmem:s30], [sflag:$0x2] =	stream.linear.gather [hbm4b:s8+s30], $0x1000, $0x38;
	[tilespmem:$0x13000] =	vst v63  }
0x7a: {  	_ =	swait.ge [sflag:s20], $0x1000  }
0x7b: {  	[sflag:s20] =	ssyncset.done $0x0  }
0x7c: {  	s31 =	simm.s32 $0x1000;
	[sflag:s20] =	ssyncadd.s32 $0xFFFFF000  }
0x7d: {  	[tilespmem:s31], [sflag:$0x2] =	stream.strided.gather [hbm4b:s9+s21], $0x1000, s22, s21, $0x38;
	[tilespmem:$0x13000] =	vst v63  }
0x7e: {  	_ =	swait.ge [sflag:s20], $0x1000  }
0x7f: {  	[sflag:s20] =	ssyncset.done $0x0  }
0x80: {  	[sflag:s20] =	ssyncadd.s32 $0xFFFFF000  }
0x81: {  	s0 =	simm.s32 $0x10;
	v1 =	vld [tilespmem:s31+$0x0]  }
.LBB2_6:
0x82: {  	p0 =	sne.s32 s0, $0xFF0;
	_ =	sdelay $0x3  }
.Ltmp2:
0x83: {  	(pc) =	sbr.rel @p0 .LBB2_6-.Ltmp2, $4  }
0x84: {  	_ = 	snop  }
0x85: {  	v2 =	vor.u32 s30, v0;
	s30 =	smov.u32 s0  }
0x86: {  	s31 =	sadd.s32 $0x10, s31;
	[tilespmem:v1+s23+$0x0] =	vst.idx.msk $0xffff, v2  }
0x87: {  	s0 =	sadd.s32 $0x10, s0;
	v1 =	vld [tilespmem:s31+$0x0]  }
0x88: {  	_ =	sdelay $0x6  }
0x89: {  	v2 =	vor.u32 s30, v0  }
0x8a: {  	[tilespmem:v1+s23+$0x0] =	vst.idx.msk $0xffff, v2  }
0x8b: {  	[hbm4b:s10+s21] =	stream.strided.scatter [tilespmem:s23], [sflag:$0x2], $0x1000, s22, s21, $0x38;
	[tilespmem:$0x13000] =	vst v63  }
0x8c: {  	_ =	swait.ge [sflag:s20], $0x1000  }
0x8d: {  	[sflag:s20] =	ssyncset.done $0x0  }
0x8e: {  	s0 =	sadd.s32 $0x0, s19;
	[sflag:s20] =	ssyncadd.s32 $0xFFFFF000  }
0x8f: {  	[tilespmem:s24], [sflag:$0x2] =	stream.linear.gather [hbm4b:s0+s2], $0x10000, $0x38;
	[tilespmem:$0x13000] =	vst v63  }
0x90: {  	_ =	swait.ge [sflag:s20], $0x10000  }
0x91: {  	[sflag:s20] =	ssyncset.done $0x0  }
0x92: {  	s1 =	simm.s32 $0x0;
	[sflag:s20] =	ssyncadd.s32 $0xFFFF0000  }
0x93: {  	[hbm4b:s3+s21] =	stream.indirect.scatter [tilespmem:s24], [sflag:$0x1], $0x80, s1, s21, $0xb8;
	[tilespmem:$0x13000] =	vst v63  }
0x94: {  	s5 =	simm.s32 $0x80  }
0x95: {  	[hbm4b:s3+s21] =	stream.indirect.scatter [tilespmem:s25], [sflag:$0x1], $0x80, s5, s21, $0xb8;
	[tilespmem:$0x13000] =	vst v63  }
0x96: {  	s1 =	simm.s32 $0x100  }
0x97: {  	[hbm4b:s3+s21] =	stream.indirect.scatter [tilespmem:s26], [sflag:$0x1], $0x80, s1, s21, $0xb8;
	[tilespmem:$0x13000] =	vst v63  }
0x98: {  	s5 =	simm.s32 $0x180  }
0x99: {  	[hbm4b:s3+s21] =	stream.indirect.scatter [tilespmem:s28], [sflag:$0x1], $0x80, s5, s21, $0xb8;
	[tilespmem:$0x13000] =	vst v63  }
0x9a: {  	_ =	swait.ge [sflag:s4], $0x4000  }
0x9b: {  	[sflag:s4] =	ssyncset.done $0x0  }
0x9c: {  	[sflag:s4] =	ssyncadd.s32 $0xFFFFC000  }
0x9d: {  	_ =	swait.ge [sflag:s4], $0x4000  }
0x9e: {  	[sflag:s4] =	ssyncset.done $0x0  }
0x9f: {  	[sflag:s4] =	ssyncadd.s32 $0xFFFFC000  }
0xa0: {  	_ =	swait.ge [sflag:s4], $0x4000  }
0xa1: {  	[sflag:s4] =	ssyncset.done $0x0  }
0xa2: {  	[sflag:s4] =	ssyncadd.s32 $0xFFFFC000  }
0xa3: {  	s31 =	simm.s32 $0x2000;
	_ =	swait.ge [sflag:s4], $0x4000  }
0xa4: {  	s30 =	simm.s32 $0x380;
	s0 =	simm.s32 $0x4000;
	[sflag:s4] =	ssyncset.done $0x0  }
.LBB2_8:
0xa5: {  	s1 =	sadd.s32 s31, s19  }
0xa6: {  	[sflag:s4] =	ssyncadd.s32 $0xFFFFC000;
	s31 =	smov.u32 s0;
	s5 =	sadd.s32 $0x2000, s0  }
0xa7: {  	[tilespmem:s24], [sflag:$0x2] =	stream.linear.gather [hbm4b:s1+s2], $0x10000, $0x38;
	[tilespmem:$0x13000] =	vst v63  }
0xa8: {  	p0 =	sne.s32 s0, $0xE000;
	_ =	swait.ge [sflag:s20], $0x10000  }
0xa9: {  	[sflag:s20] =	ssyncset.done $0x0  }
0xaa: {  	s0 =	sadd.s32 $0xFFFFFE80, s30;
	[sflag:s20] =	ssyncadd.s32 $0xFFFF0000  }
0xab: {  	[hbm4b:s3+s21] =	stream.indirect.scatter [tilespmem:s24], [sflag:$0x1], $0x80, s0, s21, $0xb8;
	[tilespmem:$0x13000] =	vst v63  }
0xac: {  	s0 =	sadd.s32 $0xFFFFFF00, s30  }
0xad: {  	[hbm4b:s3+s21] =	stream.indirect.scatter [tilespmem:s25], [sflag:$0x1], $0x80, s0, s21, $0xb8;
	[tilespmem:$0x13000] =	vst v63  }
0xae: {  	s0 =	sadd.s32 $0xFFFFFF80, s30  }
0xaf: {  	[hbm4b:s3+s21] =	stream.indirect.scatter [tilespmem:s26], [sflag:$0x1], $0x80, s0, s21, $0xb8;
	[tilespmem:$0x13000] =	vst v63  }
0xb0: {  	_ = 	snop  }
0xb1: {  	[hbm4b:s3+s21] =	stream.indirect.scatter [tilespmem:s28], [sflag:$0x1], $0x80, s30, s21, $0xb8;
	[tilespmem:$0x13000] =	vst v63  }
0xb2: {  	_ =	swait.ge [sflag:s4], $0x4000  }
0xb3: {  	[sflag:s4] =	ssyncset.done $0x0  }
0xb4: {  	[sflag:s4] =	ssyncadd.s32 $0xFFFFC000  }
0xb5: {  	_ =	swait.ge [sflag:s4], $0x4000  }
0xb6: {  	[sflag:s4] =	ssyncset.done $0x0  }
0xb7: {  	[sflag:s4] =	ssyncadd.s32 $0xFFFFC000  }
.Ltmp3:
0xb8: {  	_ =	swait.ge [sflag:s4], $0x4000;
	(pc) =	sbr.rel @p0 .LBB2_8-.Ltmp3, $4  }
0xb9: {  	[sflag:s4] =	ssyncset.done $0x0  }
0xba: {  	[sflag:s4] =	ssyncadd.s32 $0xFFFFC000  }
0xbb: {  	_ =	swait.ge [sflag:s4], $0x4000  }
0xbc: {  	s0 =	smov.u32 s5;
	s30 =	sadd.s32 $0x200, s30;
	[sflag:s4] =	ssyncset.done $0x0  }
0xbd: {  	s0 =	sadd.s32 s31, s19;
	[sflag:s4] =	ssyncadd.s32 $0xFFFFC000  }
0xbe: {  	[tilespmem:s24], [sflag:$0x2] =	stream.linear.gather [hbm4b:s0+s2], $0x10000, $0x38;
	[tilespmem:$0x13000] =	vst v63  }
0xbf: {  	_ =	swait.ge [sflag:s20], $0x10000  }
0xc0: {  	[sflag:s20] =	ssyncset.done $0x0  }
0xc1: {  	s5 =	sadd.s32 $0xFFFFFE80, s30;
	[sflag:s20] =	ssyncadd.s32 $0xFFFF0000  }
0xc2: {  	[hbm4b:s3+s21] =	stream.indirect.scatter [tilespmem:s24], [sflag:$0x1], $0x80, s5, s21, $0xb8;
	[tilespmem:$0x13000] =	vst v63  }
0xc3: {  	s1 =	sadd.s32 $0xFFFFFF00, s30  }
0xc4: {  	[hbm4b:s3+s21] =	stream.indirect.scatter [tilespmem:s25], [sflag:$0x1], $0x80, s1, s21, $0xb8;
	[tilespmem:$0x13000] =	vst v63  }
0xc5: {  	s5 =	sadd.s32 $0xFFFFFF80, s30  }
0xc6: {  	[hbm4b:s3+s21] =	stream.indirect.scatter [tilespmem:s26], [sflag:$0x1], $0x80, s5, s21, $0xb8;
	[tilespmem:$0x13000] =	vst v63  }
0xc7: {  	_ = 	snop  }
0xc8: {  	[hbm4b:s3+s21] =	stream.indirect.scatter [tilespmem:s28], [sflag:$0x1], $0x80, s30, s21, $0xb8;
	[tilespmem:$0x13000] =	vst v63  }
0xc9: {  	_ =	swait.ge [sflag:s4], $0x4000  }
0xca: {  	[sflag:s4] =	ssyncset.done $0x0  }
0xcb: {  	[sflag:s4] =	ssyncadd.s32 $0xFFFFC000  }
0xcc: {  	_ =	swait.ge [sflag:s4], $0x4000  }
0xcd: {  	[sflag:s4] =	ssyncset.done $0x0  }
0xce: {  	[sflag:s4] =	ssyncadd.s32 $0xFFFFC000  }
0xcf: {  	_ =	swait.ge [sflag:s4], $0x4000  }
0xd0: {  	[sflag:s4] =	ssyncset.done $0x0  }
0xd1: {  	[sflag:s4] =	ssyncadd.s32 $0xFFFFC000  }
0xd2: {  	_ =	swait.ge [sflag:s4], $0x4000  }
0xd3: {  	[sflag:s4] =	ssyncset.done $0x0  }
0xd4: {  	s30 =	simm.s32 $0x0;
	[sflag:s4] =	ssyncadd.s32 $0xFFFFC000  }
0xd5: {  	[tilespmem:s30], [sflag:$0x2] =	stream.linear.gather [hbm4b:s11+s30], $0x1000, $0x38;
	[tilespmem:$0x13000] =	vst v63  }
0xd6: {  	_ =	swait.ge [sflag:s20], $0x1000  }
0xd7: {  	[sflag:s20] =	ssyncset.done $0x0  }
0xd8: {  	s31 =	simm.s32 $0x1000;
	[sflag:s20] =	ssyncadd.s32 $0xFFFFF000  }
0xd9: {  	[tilespmem:s31], [sflag:$0x2] =	stream.strided.gather [hbm4b:s12+s21], $0x1000, s22, s21, $0x38;
	[tilespmem:$0x13000] =	vst v63  }
0xda: {  	_ =	swait.ge [sflag:s20], $0x1000  }
0xdb: {  	[sflag:s20] =	ssyncset.done $0x0  }
0xdc: {  	[sflag:s20] =	ssyncadd.s32 $0xFFFFF000  }
0xdd: {  	s0 =	simm.s32 $0x10;
	v1 =	vld [tilespmem:s31+$0x0]  }
.LBB2_10:
0xde: {  	p0 =	sne.s32 s0, $0xFF0;
	_ =	sdelay $0x3  }
.Ltmp4:
0xdf: {  	(pc) =	sbr.rel @p0 .LBB2_10-.Ltmp4, $4  }
0xe0: {  	_ = 	snop  }
0xe1: {  	v2 =	vor.u32 s30, v0;
	s30 =	smov.u32 s0  }
0xe2: {  	s31 =	sadd.s32 $0x10, s31;
	[tilespmem:v1+s23+$0x0] =	vst.idx.msk $0xffff, v2  }
0xe3: {  	s0 =	sadd.s32 $0x10, s0;
	v1 =	vld [tilespmem:s31+$0x0]  }
0xe4: {  	_ =	sdelay $0x6  }
0xe5: {  	v2 =	vor.u32 s30, v0  }
0xe6: {  	[tilespmem:v1+s23+$0x0] =	vst.idx.msk $0xffff, v2  }
0xe7: {  	[hbm4b:s13+s21] =	stream.strided.scatter [tilespmem:s23], [sflag:$0x2], $0x1000, s22, s21, $0x38;
	[tilespmem:$0x13000] =	vst v63  }
0xe8: {  	_ =	swait.ge [sflag:s20], $0x1000  }
0xe9: {  	[sflag:s20] =	ssyncset.done $0x0  }
0xea: {  	s0 =	sadd.s32 $0x0, s19;
	[sflag:s20] =	ssyncadd.s32 $0xFFFFF000  }
0xeb: {  	[tilespmem:s24], [sflag:$0x2] =	stream.linear.gather [hbm4b:s0+s2], $0x10000, $0x38;
	[tilespmem:$0x13000] =	vst v63  }
0xec: {  	_ =	swait.ge [sflag:s20], $0x10000  }
0xed: {  	[sflag:s20] =	ssyncset.done $0x0  }
0xee: {  	s1 =	simm.s32 $0x0;
	[sflag:s20] =	ssyncadd.s32 $0xFFFF0000  }
0xef: {  	[hbm4b:s3+s21] =	stream.indirect.scatter [tilespmem:s24], [sflag:$0x1], $0x80, s1, s21, $0xb8;
	[tilespmem:$0x13000] =	vst v63  }
0xf0: {  	s5 =	simm.s32 $0x80  }
0xf1: {  	[hbm4b:s3+s21] =	stream.indirect.scatter [tilespmem:s25], [sflag:$0x1], $0x80, s5, s21, $0xb8;
	[tilespmem:$0x13000] =	vst v63  }
0xf2: {  	s1 =	simm.s32 $0x100  }
0xf3: {  	[hbm4b:s3+s21] =	stream.indirect.scatter [tilespmem:s26], [sflag:$0x1], $0x80, s1, s21, $0xb8;
	[tilespmem:$0x13000] =	vst v63  }
0xf4: {  	s5 =	simm.s32 $0x180  }
0xf5: {  	[hbm4b:s3+s21] =	stream.indirect.scatter [tilespmem:s28], [sflag:$0x1], $0x80, s5, s21, $0xb8;
	[tilespmem:$0x13000] =	vst v63  }
0xf6: {  	_ =	swait.ge [sflag:s4], $0x4000  }
0xf7: {  	[sflag:s4] =	ssyncset.done $0x0  }
0xf8: {  	[sflag:s4] =	ssyncadd.s32 $0xFFFFC000  }
0xf9: {  	_ =	swait.ge [sflag:s4], $0x4000  }
0xfa: {  	[sflag:s4] =	ssyncset.done $0x0  }
0xfb: {  	[sflag:s4] =	ssyncadd.s32 $0xFFFFC000  }
0xfc: {  	_ =	swait.ge [sflag:s4], $0x4000  }
0xfd: {  	[sflag:s4] =	ssyncset.done $0x0  }
0xfe: {  	[sflag:s4] =	ssyncadd.s32 $0xFFFFC000  }
0xff: {  	s31 =	simm.s32 $0x2000;
	_ =	swait.ge [sflag:s4], $0x4000  }
0x100: {  	s30 =	simm.s32 $0x380;
	s0 =	simm.s32 $0x4000;
	[sflag:s4] =	ssyncset.done $0x0  }
.LBB2_12:
0x101: {  	s1 =	sadd.s32 s31, s19  }
0x102: {  	[sflag:s4] =	ssyncadd.s32 $0xFFFFC000;
	s31 =	smov.u32 s0;
	s5 =	sadd.s32 $0x2000, s0  }
0x103: {  	[tilespmem:s24], [sflag:$0x2] =	stream.linear.gather [hbm4b:s1+s2], $0x10000, $0x38;
	[tilespmem:$0x13000] =	vst v63  }
0x104: {  	p0 =	sne.s32 s0, $0xE000;
	_ =	swait.ge [sflag:s20], $0x10000  }
0x105: {  	[sflag:s20] =	ssyncset.done $0x0  }
0x106: {  	s0 =	sadd.s32 $0xFFFFFE80, s30;
	[sflag:s20] =	ssyncadd.s32 $0xFFFF0000  }
0x107: {  	[hbm4b:s3+s21] =	stream.indirect.scatter [tilespmem:s24], [sflag:$0x1], $0x80, s0, s21, $0xb8;
	[tilespmem:$0x13000] =	vst v63  }
0x108: {  	s0 =	sadd.s32 $0xFFFFFF00, s30  }
0x109: {  	[hbm4b:s3+s21] =	stream.indirect.scatter [tilespmem:s25], [sflag:$0x1], $0x80, s0, s21, $0xb8;
	[tilespmem:$0x13000] =	vst v63  }
0x10a: {  	s0 =	sadd.s32 $0xFFFFFF80, s30  }
0x10b: {  	[hbm4b:s3+s21] =	stream.indirect.scatter [tilespmem:s26], [sflag:$0x1], $0x80, s0, s21, $0xb8;
	[tilespmem:$0x13000] =	vst v63  }
0x10c: {  	_ = 	snop  }
0x10d: {  	[hbm4b:s3+s21] =	stream.indirect.scatter [tilespmem:s28], [sflag:$0x1], $0x80, s30, s21, $0xb8;
	[tilespmem:$0x13000] =	vst v63  }
0x10e: {  	_ =	swait.ge [sflag:s4], $0x4000  }
0x10f: {  	[sflag:s4] =	ssyncset.done $0x0  }
0x110: {  	[sflag:s4] =	ssyncadd.s32 $0xFFFFC000  }
0x111: {  	_ =	swait.ge [sflag:s4], $0x4000  }
0x112: {  	[sflag:s4] =	ssyncset.done $0x0  }
0x113: {  	[sflag:s4] =	ssyncadd.s32 $0xFFFFC000  }
.Ltmp5:
0x114: {  	_ =	swait.ge [sflag:s4], $0x4000;
	(pc) =	sbr.rel @p0 .LBB2_12-.Ltmp5, $4  }
0x115: {  	[sflag:s4] =	ssyncset.done $0x0  }
0x116: {  	[sflag:s4] =	ssyncadd.s32 $0xFFFFC000  }
0x117: {  	_ =	swait.ge [sflag:s4], $0x4000  }
0x118: {  	s0 =	smov.u32 s5;
	s30 =	sadd.s32 $0x200, s30;
	[sflag:s4] =	ssyncset.done $0x0  }
0x119: {  	s0 =	sadd.s32 s31, s19;
	[sflag:s4] =	ssyncadd.s32 $0xFFFFC000  }
0x11a: {  	[tilespmem:s24], [sflag:$0x2] =	stream.linear.gather [hbm4b:s0+s2], $0x10000, $0x38;
	[tilespmem:$0x13000] =	vst v63  }
0x11b: {  	_ =	swait.ge [sflag:s20], $0x10000  }
0x11c: {  	[sflag:s20] =	ssyncset.done $0x0  }
0x11d: {  	s5 =	sadd.s32 $0xFFFFFE80, s30;
	[sflag:s20] =	ssyncadd.s32 $0xFFFF0000  }
0x11e: {  	[hbm4b:s3+s21] =	stream.indirect.scatter [tilespmem:s24], [sflag:$0x1], $0x80, s5, s21, $0xb8;
	[tilespmem:$0x13000] =	vst v63  }
0x11f: {  	s1 =	sadd.s32 $0xFFFFFF00, s30  }
0x120: {  	[hbm4b:s3+s21] =	stream.indirect.scatter [tilespmem:s25], [sflag:$0x1], $0x80, s1, s21, $0xb8;
	[tilespmem:$0x13000] =	vst v63  }
0x121: {  	s5 =	sadd.s32 $0xFFFFFF80, s30  }
0x122: {  	[hbm4b:s3+s21] =	stream.indirect.scatter [tilespmem:s26], [sflag:$0x1], $0x80, s5, s21, $0xb8;
	[tilespmem:$0x13000] =	vst v63  }
0x123: {  	_ = 	snop  }
0x124: {  	[hbm4b:s3+s21] =	stream.indirect.scatter [tilespmem:s28], [sflag:$0x1], $0x80, s30, s21, $0xb8;
	[tilespmem:$0x13000] =	vst v63  }
0x125: {  	_ =	swait.ge [sflag:s4], $0x4000  }
0x126: {  	[sflag:s4] =	ssyncset.done $0x0  }
0x127: {  	[sflag:s4] =	ssyncadd.s32 $0xFFFFC000  }
0x128: {  	_ =	swait.ge [sflag:s4], $0x4000  }
0x129: {  	[sflag:s4] =	ssyncset.done $0x0  }
0x12a: {  	[sflag:s4] =	ssyncadd.s32 $0xFFFFC000  }
0x12b: {  	_ =	swait.ge [sflag:s4], $0x4000  }
0x12c: {  	[sflag:s4] =	ssyncset.done $0x0  }
0x12d: {  	[sflag:s4] =	ssyncadd.s32 $0xFFFFC000  }
0x12e: {  	_ =	swait.ge [sflag:s4], $0x4000  }
0x12f: {  	[sflag:s4] =	ssyncset.done $0x0  }
0x130: {  	s30 =	simm.s32 $0x0;
	[sflag:s4] =	ssyncadd.s32 $0xFFFFC000  }
0x131: {  	[tilespmem:s30], [sflag:$0x2] =	stream.linear.gather [hbm4b:s14+s30], $0x1000, $0x38;
	[tilespmem:$0x13000] =	vst v63  }
0x132: {  	_ =	swait.ge [sflag:s20], $0x1000  }
0x133: {  	[sflag:s20] =	ssyncset.done $0x0  }
0x134: {  	s31 =	simm.s32 $0x1000;
	[sflag:s20] =	ssyncadd.s32 $0xFFFFF000  }
0x135: {  	[tilespmem:s31], [sflag:$0x2] =	stream.strided.gather [hbm4b:s15+s21], $0x1000, s22, s21, $0x38;
	[tilespmem:$0x13000] =	vst v63  }
0x136: {  	_ =	swait.ge [sflag:s20], $0x1000  }
0x137: {  	[sflag:s20] =	ssyncset.done $0x0  }
0x138: {  	[sflag:s20] =	ssyncadd.s32 $0xFFFFF000  }
0x139: {  	s0 =	simm.s32 $0x10;
	v1 =	vld [tilespmem:s31+$0x0]  }
.LBB2_14:
0x13a: {  	p0 =	sne.s32 s0, $0xFF0;
	_ =	sdelay $0x3  }
.Ltmp6:
0x13b: {  	(pc) =	sbr.rel @p0 .LBB2_14-.Ltmp6, $4  }
0x13c: {  	_ = 	snop  }
0x13d: {  	v2 =	vor.u32 s30, v0;
	s30 =	smov.u32 s0  }
0x13e: {  	s31 =	sadd.s32 $0x10, s31;
	[tilespmem:v1+s23+$0x0] =	vst.idx.msk $0xffff, v2  }
0x13f: {  	s0 =	sadd.s32 $0x10, s0;
	v1 =	vld [tilespmem:s31+$0x0]  }
0x140: {  	_ =	sdelay $0x6  }
0x141: {  	v2 =	vor.u32 s30, v0  }
0x142: {  	[tilespmem:v1+s23+$0x0] =	vst.idx.msk $0xffff, v2  }
0x143: {  	[hbm4b:s16+s21] =	stream.strided.scatter [tilespmem:s23], [sflag:$0x2], $0x1000, s22, s21, $0x38;
	[tilespmem:$0x13000] =	vst v63  }
0x144: {  	_ =	swait.ge [sflag:s20], $0x1000  }
0x145: {  	[sflag:s20] =	ssyncset.done $0x0  }
0x146: {  	s0 =	sadd.s32 $0x0, s19;
	[sflag:s20] =	ssyncadd.s32 $0xFFFFF000  }
0x147: {  	[tilespmem:s24], [sflag:$0x2] =	stream.linear.gather [hbm4b:s0+s2], $0x10000, $0x38;
	[tilespmem:$0x13000] =	vst v63  }
0x148: {  	_ =	swait.ge [sflag:s20], $0x10000  }
0x149: {  	[sflag:s20] =	ssyncset.done $0x0  }
0x14a: {  	s1 =	simm.s32 $0x0;
	[sflag:s20] =	ssyncadd.s32 $0xFFFF0000  }
0x14b: {  	[hbm4b:s3+s21] =	stream.indirect.scatter [tilespmem:s24], [sflag:$0x1], $0x80, s1, s21, $0xb8;
	[tilespmem:$0x13000] =	vst v63  }
0x14c: {  	s5 =	simm.s32 $0x80  }
0x14d: {  	[hbm4b:s3+s21] =	stream.indirect.scatter [tilespmem:s25], [sflag:$0x1], $0x80, s5, s21, $0xb8;
	[tilespmem:$0x13000] =	vst v63  }
0x14e: {  	s1 =	simm.s32 $0x100  }
0x14f: {  	[hbm4b:s3+s21] =	stream.indirect.scatter [tilespmem:s26], [sflag:$0x1], $0x80, s1, s21, $0xb8;
	[tilespmem:$0x13000] =	vst v63  }
0x150: {  	s5 =	simm.s32 $0x180  }
0x151: {  	[hbm4b:s3+s21] =	stream.indirect.scatter [tilespmem:s28], [sflag:$0x1], $0x80, s5, s21, $0xb8;
	[tilespmem:$0x13000] =	vst v63  }
0x152: {  	_ =	swait.ge [sflag:s4], $0x4000  }
0x153: {  	[sflag:s4] =	ssyncset.done $0x0  }
0x154: {  	[sflag:s4] =	ssyncadd.s32 $0xFFFFC000  }
0x155: {  	_ =	swait.ge [sflag:s4], $0x4000  }
0x156: {  	[sflag:s4] =	ssyncset.done $0x0  }
0x157: {  	[sflag:s4] =	ssyncadd.s32 $0xFFFFC000  }
0x158: {  	_ =	swait.ge [sflag:s4], $0x4000  }
0x159: {  	[sflag:s4] =	ssyncset.done $0x0  }
0x15a: {  	[sflag:s4] =	ssyncadd.s32 $0xFFFFC000  }
0x15b: {  	s31 =	simm.s32 $0x2000;
	_ =	swait.ge [sflag:s4], $0x4000  }
0x15c: {  	s30 =	simm.s32 $0x380;
	s0 =	simm.s32 $0x4000;
	[sflag:s4] =	ssyncset.done $0x0  }
.LBB2_16:
0x15d: {  	s1 =	sadd.s32 s31, s19  }
0x15e: {  	[sflag:s4] =	ssyncadd.s32 $0xFFFFC000;
	s31 =	smov.u32 s0;
	s5 =	sadd.s32 $0x2000, s0  }
0x15f: {  	[tilespmem:s24], [sflag:$0x2] =	stream.linear.gather [hbm4b:s1+s2], $0x10000, $0x38;
	[tilespmem:$0x13000] =	vst v63  }
0x160: {  	p0 =	sne.s32 s0, $0xE000;
	_ =	swait.ge [sflag:s20], $0x10000  }
0x161: {  	[sflag:s20] =	ssyncset.done $0x0  }
0x162: {  	s0 =	sadd.s32 $0xFFFFFE80, s30;
	[sflag:s20] =	ssyncadd.s32 $0xFFFF0000  }
0x163: {  	[hbm4b:s3+s21] =	stream.indirect.scatter [tilespmem:s24], [sflag:$0x1], $0x80, s0, s21, $0xb8;
	[tilespmem:$0x13000] =	vst v63  }
0x164: {  	s0 =	sadd.s32 $0xFFFFFF00, s30  }
0x165: {  	[hbm4b:s3+s21] =	stream.indirect.scatter [tilespmem:s25], [sflag:$0x1], $0x80, s0, s21, $0xb8;
	[tilespmem:$0x13000] =	vst v63  }
0x166: {  	s0 =	sadd.s32 $0xFFFFFF80, s30  }
0x167: {  	[hbm4b:s3+s21] =	stream.indirect.scatter [tilespmem:s26], [sflag:$0x1], $0x80, s0, s21, $0xb8;
	[tilespmem:$0x13000] =	vst v63  }
0x168: {  	_ = 	snop  }
0x169: {  	[hbm4b:s3+s21] =	stream.indirect.scatter [tilespmem:s28], [sflag:$0x1], $0x80, s30, s21, $0xb8;
	[tilespmem:$0x13000] =	vst v63  }
0x16a: {  	_ =	swait.ge [sflag:s4], $0x4000  }
0x16b: {  	[sflag:s4] =	ssyncset.done $0x0  }
0x16c: {  	[sflag:s4] =	ssyncadd.s32 $0xFFFFC000  }
0x16d: {  	_ =	swait.ge [sflag:s4], $0x4000  }
0x16e: {  	[sflag:s4] =	ssyncset.done $0x0  }
0x16f: {  	[sflag:s4] =	ssyncadd.s32 $0xFFFFC000  }
.Ltmp7:
0x170: {  	_ =	swait.ge [sflag:s4], $0x4000;
	(pc) =	sbr.rel @p0 .LBB2_16-.Ltmp7, $4  }
0x171: {  	[sflag:s4] =	ssyncset.done $0x0  }
0x172: {  	[sflag:s4] =	ssyncadd.s32 $0xFFFFC000  }
0x173: {  	_ =	swait.ge [sflag:s4], $0x4000  }
0x174: {  	s0 =	smov.u32 s5;
	s30 =	sadd.s32 $0x200, s30;
	[sflag:s4] =	ssyncset.done $0x0  }
0x175: {  	s0 =	sadd.s32 s31, s19;
	[sflag:s4] =	ssyncadd.s32 $0xFFFFC000  }
0x176: {  	[tilespmem:s24], [sflag:$0x2] =	stream.linear.gather [hbm4b:s0+s2], $0x10000, $0x38;
	[tilespmem:$0x13000] =	vst v63  }
0x177: {  	_ =	swait.ge [sflag:s20], $0x10000  }
0x178: {  	[sflag:s20] =	ssyncset.done $0x0  }
0x179: {  	s1 =	sadd.s32 $0xFFFFFE80, s30;
	[sflag:s20] =	ssyncadd.s32 $0xFFFF0000  }
0x17a: {  	[hbm4b:s3+s21] =	stream.indirect.scatter [tilespmem:s24], [sflag:$0x1], $0x80, s1, s21, $0xb8;
	[tilespmem:$0x13000] =	vst v63  }
0x17b: {  	s5 =	sadd.s32 $0xFFFFFF00, s30  }
0x17c: {  	[hbm4b:s3+s21] =	stream.indirect.scatter [tilespmem:s25], [sflag:$0x1], $0x80, s5, s21, $0xb8;
	[tilespmem:$0x13000] =	vst v63  }
0x17d: {  	s31 =	sadd.s32 $0xFFFFFF80, s30  }
0x17e: {  	[hbm4b:s3+s21] =	stream.indirect.scatter [tilespmem:s26], [sflag:$0x1], $0x80, s31, s21, $0xb8;
	[tilespmem:$0x13000] =	vst v63  }
0x17f: {  	_ = 	snop  }
0x180: {  	[hbm4b:s3+s21] =	stream.indirect.scatter [tilespmem:s28], [sflag:$0x1], $0x80, s30, s21, $0xb8;
	[tilespmem:$0x13000] =	vst v63  }
0x181: {  	_ =	swait.ge [sflag:s4], $0x4000  }
0x182: {  	[sflag:s4] =	ssyncset.done $0x0  }
0x183: {  	[sflag:s4] =	ssyncadd.s32 $0xFFFFC000  }
0x184: {  	_ =	swait.ge [sflag:s4], $0x4000  }
0x185: {  	[sflag:s4] =	ssyncset.done $0x0  }
0x186: {  	s29 =	sadd.s32 $0x1, s29;
	[sflag:s4] =	ssyncadd.s32 $0xFFFFC000  }
0x187: {  	p0 =	sne.s32 s29, s17;
	_ =	swait.ge [sflag:s4], $0x4000  }
.Ltmp8:
0x188: {  	[sflag:s4] =	ssyncset.done $0x0;
	(pc) =	sbr.rel @p0 .LBB2_1-.Ltmp8, $4  }
0x189: {  	[sflag:s4] =	ssyncadd.s32 $0xFFFFC000  }
0x18a: {  	_ =	swait.ge [sflag:s4], $0x4000  }
0x18b: {  	[sflag:s4] =	ssyncset.done $0x0  }
0x18c: {  	[sflag:s4] =	ssyncadd.s32 $0xFFFFC000  }
0x18d: {  	_ =	sfence.sel $0x180000  }
0x18e: {  	[bflag:$0x0] =	sbarrier.arrive $0xFFFF  }
0x18f: {  	_ =	strace $0x90000047  }
0x190: {  	s0 =	stileid.u32;
	[bflag:$0x2] =	sbarrier.arrive $0xFFFF  }
0x191: {  	p0 =	sne.s32 s0, $0x0;
	s0 =	rddreg [dreg:$0x2]  }
0x192: {  	s0 =	sadd.s32 @!p0 $0x100000, s0  }
0x193: {  	[sflag:s0] =	ssyncadd.tile.s32 @!p0 $0x1;
	_ =	shalt  }
.Lfunc_end2:
_tile_overlayer_lowered:
.L_overlay_start_2:
0x194: {  	(tag) =	ssettag $0x2  }
0x195: {  	s0 =	rddreg [dreg:$0x0];
	s2 =	stileid.u32  }
0x196: {  	s1 =	rddreg [dreg:$0x1];
	p0 =	sne.s32 s2, $0x0  }
0x197: {  	s3 =	rddreg [dreg:$0x2];
	[bflag:$0x3] =	sbarrier.arrive $0xFFFF;
	s2 =	simm.s32 @!p0 $0x1C02  }
0x198: {  	[timem:s3], [sflag:s2] =	dma.local @!p0 [hbm:s0], s1  }
0x199: {  	s0 =	simm.s32 @!p0 $0x2  }
0x19a: {  	_ =	swait.ge @!p0 [sflag:s0], s1  }
0x19b: {  	s1 =	ssub.s32 @!p0 $0x0, s1;
	[sflag:s0] =	ssyncset.done @!p0 $0x0  }
0x19c: {  	[sflag:s0] =	ssyncadd.s32 @!p0 s1  }
0x19d: {  	[bflag:$0x3] =	sbarrier.arrive $0xFFFF  }
0x19e: {  	_ =	shalt  }

</sc_bundles>
